<compile_context>
chip_gen: v7x
topology: tpu7x:2x2x1
jax: 0.10.2.dev20260603
libtpu: 0.0.44.dev20260713+nightly
codegen_flags: <defaults>
</compile_context>

<pallas_src>
import functools

import jax
import jax.numpy as jnp
from jax import lax
from jax.experimental import pallas as pl
from jax.experimental.pallas import tpu as pltpu
from jax.experimental.pallas import tpu_sc as plsc

C = 128
K = 16
N = 10000
BLK = 400
SCALE = 30.0
EPS = 1e-5

_SC_CORES = 2
_SC_SUBCORES = 16
_NW = _SC_CORES * _SC_SUBCORES
_CHUNK = 64
_NBUF = 4
_RPAD = 163840


def _gelu(x):
    return jax.nn.gelu(x)


def _ln(x, g, b):
    mu = jnp.mean(x, axis=-1, keepdims=True)
    xc = x - mu
    var = jnp.mean(xc * xc, axis=-1, keepdims=True)
    return xc * (lax.rsqrt(var + EPS) * g) + b



def _proj_body(x_ref, w_ref, o_ref):
    o_ref[...] = jnp.dot(x_ref[...].astype(jnp.bfloat16), w_ref[...],
                         preferred_element_type=jnp.float32)


def _project(x, w):
    n, _ = x.shape
    d = w.shape[1]
    return pl.pallas_call(
        _proj_body,
        out_shape=jax.ShapeDtypeStruct((n, d), jnp.float32),
    )(x, w)



def _sc_gather(table, idx):
    v, d = table.shape
    r = idx.shape[0]
    per_w = r // _NW
    nch = per_w // _CHUNK
    mesh = plsc.VectorSubcoreMesh(
        core_axis_name="c", subcore_axis_name="s",
        num_cores=_SC_CORES, num_subcores=_SC_SUBCORES)

    @functools.partial(
        pl.kernel, mesh=mesh,
        out_type=jax.ShapeDtypeStruct((r, d), table.dtype),
        scratch_types=(
            [pltpu.VMEM((per_w,), jnp.int32)]
            + [pltpu.VMEM((_CHUNK, d), table.dtype)] * _NBUF
            + [pltpu.SemaphoreType.DMA] * (2 * _NBUF)
        ),
    )
    def k(table_hbm, idx_hbm, out_hbm, idx_v, *bufs_sems):
        bufs = bufs_sems[:_NBUF]
        gsems = bufs_sems[_NBUF:2 * _NBUF]
        wsems = bufs_sems[2 * _NBUF:]
        wid = lax.axis_index("s") * _SC_CORES + lax.axis_index("c")
        base = wid * per_w
        pltpu.sync_copy(idx_hbm.at[pl.ds(base, per_w)], idx_v)

        def gcopy(c, b):
            return pltpu.make_async_copy(
                table_hbm.at[idx_v.at[pl.ds(c * _CHUNK, _CHUNK)]],
                bufs[b], gsems[b])

        def wcopy(c, b):
            return pltpu.make_async_copy(
                bufs[b], out_hbm.at[pl.ds(base + c * _CHUNK, _CHUNK)],
                wsems[b])

        for b in range(_NBUF):
            gcopy(b, b).start()

        @pl.loop(0, nch // _NBUF - 1)
        def _(t):
            c0 = t * _NBUF
            for b in range(_NBUF):
                gcopy(c0 + b, b).wait()
                wcopy(c0 + b, b).start()
            for b in range(_NBUF):
                wcopy(c0 + b, b).wait()
                gcopy(c0 + _NBUF + b, b).start()

        c0 = nch - _NBUF
        for b in range(_NBUF):
            gcopy(c0 + b, b).wait()
            wcopy(c0 + b, b).start()
        for b in range(_NBUF):
            wcopy(c0 + b, b).wait()

    return k(table, idx)



def _bdot(x, w):
    return jnp.dot(x.astype(jnp.bfloat16), w,
                   preferred_element_type=jnp.float32)


def _pass1_body(hv_ref, he_ref, g_ref, ma_ref, mask_ref,
                w1a_ref, w1b_ref, b1_ref, w2_ref, b2_ref, w3_ref, b3_ref,
                n1g_ref, n1b_ref, wf1_ref, bf1_ref, wf2_ref, bf2_ref,
                n2g_ref, n2b_ref, wp_ref,
                hv1_ref, t1_ref):
    hv = hv_ref[...]
    he = he_ref[...]
    a = _bdot(hv, w1a_ref[...]) + b1_ref[...]
    e = jnp.dot(he, w1b_ref[...],
                preferred_element_type=jnp.float32)
    m = (e + g_ref[...]).reshape(BLK, K, C) + a[:, None, :]
    m = _gelu(m.astype(jnp.bfloat16)).reshape(BLK * K, C)
    m = jnp.dot(m, w2_ref[...], preferred_element_type=jnp.float32)
    m = _gelu(m.astype(jnp.bfloat16) + b2_ref[...])
    m = jnp.dot(m, w3_ref[...],
                preferred_element_type=jnp.float32) + b3_ref[...]
    m = m * ma_ref[...]
    dh = jnp.sum(m.reshape(BLK, K, C), axis=1) * (1.0 / SCALE)
    h = _ln(hv + dh, n1g_ref[...], n1b_ref[...])
    t = _bdot(h, wf1_ref[...])
    t = _gelu(t.astype(jnp.bfloat16) + bf1_ref[...])
    dh2 = jnp.dot(t, wf2_ref[...],
                  preferred_element_type=jnp.float32) + bf2_ref[...]
    h = _ln(h + dh2, n2g_ref[...], n2b_ref[...])
    h = h * mask_ref[...]
    hv1_ref[...] = h
    t1_ref[...] = _bdot(h, wp_ref[...])



def _pass2_body(hv_ref, he_ref, g_ref, ma_ref, mask_ref,
                w11a_ref, w11b_ref, b11_ref, w12_ref, b12_ref,
                w13_ref, b13_ref, n3g_ref, n3b_ref,
                w1a_ref, w1b_ref, b1_ref, w2_ref, b2_ref, w3_ref, b3_ref,
                n1g_ref, n1b_ref, wf1_ref, bf1_ref, wf2_ref, bf2_ref,
                n2g_ref, n2b_ref,
                hv2_ref):
    hv = hv_ref[...]
    he = he_ref[...]
    g = g_ref[...]

    ae = _bdot(hv, w11a_ref[...]) + b11_ref[...]
    me = jnp.dot(he, w11b_ref[...], preferred_element_type=jnp.float32)
    me = (me + g[:, :C]).reshape(BLK, K, C) + ae[:, None, :]
    me = _gelu(me.astype(jnp.bfloat16)).reshape(BLK * K, C)
    me = jnp.dot(me, w12_ref[...], preferred_element_type=jnp.float32)
    me = _gelu(me.astype(jnp.bfloat16) + b12_ref[...])
    me = jnp.dot(me, w13_ref[...],
                 preferred_element_type=jnp.float32) + b13_ref[...]
    he1 = _ln(he.astype(jnp.float32) + me, n3g_ref[...], n3b_ref[...])

    a = _bdot(hv, w1a_ref[...]) + b1_ref[...]
    m = _bdot(he1, w1b_ref[...])
    m = (m + g[:, C:]).reshape(BLK, K, C) + a[:, None, :]
    m = _gelu(m.astype(jnp.bfloat16)).reshape(BLK * K, C)
    m = jnp.dot(m, w2_ref[...], preferred_element_type=jnp.float32)
    m = _gelu(m.astype(jnp.bfloat16) + b2_ref[...])
    m = jnp.dot(m, w3_ref[...],
                preferred_element_type=jnp.float32) + b3_ref[...]
    m = m * ma_ref[...]
    dh = jnp.sum(m.reshape(BLK, K, C), axis=1) * (1.0 / SCALE)
    h = _ln(hv + dh, n1g_ref[...], n1b_ref[...])
    t = _bdot(h, wf1_ref[...])
    t = _gelu(t.astype(jnp.bfloat16) + bf1_ref[...])
    dh2 = jnp.dot(t, wf2_ref[...],
                  preferred_element_type=jnp.float32) + bf2_ref[...]
    h = _ln(h + dh2, n2g_ref[...], n2b_ref[...])
    hv2_ref[...] = h * mask_ref[...]


def _full_spec(shape):
    nd = len(shape)
    return pl.BlockSpec(shape, lambda i: (0,) * nd)


def _node_spec(d):
    return pl.BlockSpec((BLK, d), lambda i: (i, 0))


def _edge_spec(d):
    return pl.BlockSpec((BLK * K, d), lambda i: (i, 0))


def _run_pass1(hv0, he0, g0, ma, msk, ws):
    in_specs = ([_node_spec(C), _edge_spec(C), _edge_spec(C),
                 _edge_spec(1), _node_spec(1)]
                + [_full_spec(w.shape) for w in ws])
    return pl.pallas_call(
        _pass1_body,
        grid=(N // BLK,),
        in_specs=in_specs,
        out_specs=[_node_spec(C), _node_spec(2 * C)],
        out_shape=[jax.ShapeDtypeStruct((N, C), jnp.float32),
                   jax.ShapeDtypeStruct((N, 2 * C), jnp.float32)],
        compiler_params=pltpu.CompilerParams(
            dimension_semantics=("arbitrary",)),
    )(hv0, he0, g0, ma, msk, *ws)


def _run_pass2(hv1, he0, g1, ma, msk, ws):
    in_specs = ([_node_spec(C), _edge_spec(C), _edge_spec(2 * C),
                 _edge_spec(1), _node_spec(1)]
                + [_full_spec(w.shape) for w in ws])
    return pl.pallas_call(
        _pass2_body,
        grid=(N // BLK,),
        in_specs=in_specs,
        out_specs=_node_spec(C),
        out_shape=jax.ShapeDtypeStruct((N, C), jnp.float32),
        compiler_params=pltpu.CompilerParams(
            dimension_semantics=("arbitrary",)),
    )(hv1, he0, g1, ma, msk, *ws)


def kernel(h_V, h_E, E_idx, mask, mask_attend, params):
    b, n, c = h_V.shape
    k = E_idx.shape[2]
    hv0 = h_V.reshape(n, c)
    he0 = h_E.reshape(n * k, c).astype(jnp.bfloat16)
    pad = jnp.arange(_RPAD - n * k, dtype=jnp.int32) % n
    idx = jnp.concatenate([E_idx.reshape(n * k), pad])
    msk = mask.reshape(n, 1)
    ma = mask_attend.reshape(n * k, 1)
    p0, p1 = params

    def row(x):
        return x.reshape(1, -1)

    def bw(x):
        return x.astype(jnp.bfloat16)

    table0 = _project(hv0, bw(p0['W1'][2 * c:, :]))
    g0 = _sc_gather(table0, idx)
    wp = bw(jnp.concatenate([p0['W11'][2 * c:, :], p1['W1'][2 * c:, :]],
                            axis=1))
    ws1 = [bw(p0['W1'][:c, :]), bw(p0['W1'][c:2 * c, :]), row(p0['b1']),
           bw(p0['W2']), bw(row(p0['b2'])), bw(p0['W3']), row(p0['b3']),
           row(p0['n1g']), row(p0['n1b']),
           bw(p0['Wf1']), bw(row(p0['bf1'])), bw(p0['Wf2']), row(p0['bf2']),
           row(p0['n2g']), row(p0['n2b']), wp]
    hv1, t1 = _run_pass1(hv0, he0, g0, ma, msk, ws1)

    g1 = _sc_gather(t1, idx)
    ws2 = [bw(p0['W11'][:c, :]), bw(p0['W11'][c:2 * c, :]), row(p0['b11']),
           bw(p0['W12']), bw(row(p0['b12'])), bw(p0['W13']), row(p0['b13']),
           row(p0['n3g']), row(p0['n3b']),
           bw(p1['W1'][:c, :]), bw(p1['W1'][c:2 * c, :]), row(p1['b1']),
           bw(p1['W2']), bw(row(p1['b2'])), bw(p1['W3']), row(p1['b3']),
           row(p1['n1g']), row(p1['n1b']),
           bw(p1['Wf1']), bw(row(p1['bf1'])), bw(p1['Wf2']), row(p1['bf2']),
           row(p1['n2g']), row(p1['n2b'])]
    hv2 = _run_pass2(hv1, he0, g1, ma, msk, ws2)
    return hv2.reshape(b, n, c)

# --- scband reference (transcript-rebuilt; emitter-appended) ---
"""Pipeline reference for scband-encoder-8383776162058 (READ-ONLY COPY).

The authoritative reference and input builder live on the scoring server;
editing this copy changes nothing except your own understanding.
"""

import jax, jax.numpy as jnp
import numpy as np

HIDDEN = 128
N_LAYERS = 2
B, N, K = 1, 10000, 16
SCALE = 30.0


def _dense_init(k, din, dout):
    return jax.random.normal(k, (din, dout), jnp.float32) * (1.0 / np.sqrt(din))


def _make_params(key):
    layers = []
    C = HIDDEN
    for i in range(N_LAYERS):
        ks = jax.random.split(jax.random.fold_in(key, i), 8)
        p = {
            'W1': _dense_init(ks[0], 3 * C, C), 'b1': jnp.zeros((C,), jnp.float32),
            'W2': _dense_init(ks[1], C, C), 'b2': jnp.zeros((C,), jnp.float32),
            'W3': _dense_init(ks[2], C, C), 'b3': jnp.zeros((C,), jnp.float32),
            'n1g': jnp.ones((C,), jnp.float32), 'n1b': jnp.zeros((C,), jnp.float32),
            'Wf1': _dense_init(ks[3], C, 4 * C), 'bf1': jnp.zeros((4 * C,), jnp.float32),
            'Wf2': _dense_init(ks[4], 4 * C, C), 'bf2': jnp.zeros((C,), jnp.float32),
            'n2g': jnp.ones((C,), jnp.float32), 'n2b': jnp.zeros((C,), jnp.float32),
            'W11': _dense_init(ks[5], 3 * C, C), 'b11': jnp.zeros((C,), jnp.float32),
            'W12': _dense_init(ks[6], C, C), 'b12': jnp.zeros((C,), jnp.float32),
            'W13': _dense_init(ks[7], C, C), 'b13': jnp.zeros((C,), jnp.float32),
            'n3g': jnp.ones((C,), jnp.float32), 'n3b': jnp.zeros((C,), jnp.float32),
        }
        layers.append(p)
    return layers


def gather_nodes(nodes, neighbor_idx):
    # nodes [B,N,C], neighbor_idx [B,N,K] -> [B,N,K,C]
    b, n, c = nodes.shape
    k = neighbor_idx.shape[2]
    idx = neighbor_idx.reshape(b, n * k)
    g = jax.vmap(lambda nd, ix: nd[ix])(nodes, idx)
    return g.reshape(b, n, k, c)


def layer_norm(x, g, bparam, eps=1e-5):
    mu = x.mean(-1, keepdims=True)
    var = ((x - mu) ** 2).mean(-1, keepdims=True)
    return (x - mu) / jnp.sqrt(var + eps) * g + bparam


def enc_layer(h_V, h_E, E_idx, mask, mask_attend, p):
    b, n, c = h_V.shape
    k = E_idx.shape[2]
    # node update
    h_EV = jnp.concatenate([h_E, gather_nodes(h_V, E_idx)], axis=-1)
    h_V_exp = jnp.broadcast_to(h_V[:, :, None, :], (b, n, k, c))
    h_EV = jnp.concatenate([h_V_exp, h_EV], axis=-1)  # [B,N,K,3C]
    m = jax.nn.gelu(h_EV @ p['W1'] + p['b1'])
    m = jax.nn.gelu(m @ p['W2'] + p['b2'])
    m = m @ p['W3'] + p['b3']
    m = mask_attend[..., None] * m
    dh = m.sum(axis=2) / SCALE
    h_V = layer_norm(h_V + dh, p['n1g'], p['n1b'])
    dh = jax.nn.gelu(h_V @ p['Wf1'] + p['bf1']) @ p['Wf2'] + p['bf2']
    h_V = layer_norm(h_V + dh, p['n2g'], p['n2b'])
    h_V = mask[..., None] * h_V
    # edge update
    h_EV = jnp.concatenate([h_E, gather_nodes(h_V, E_idx)], axis=-1)
    h_V_exp = jnp.broadcast_to(h_V[:, :, None, :], (b, n, k, c))
    h_EV = jnp.concatenate([h_V_exp, h_EV], axis=-1)
    m = jax.nn.gelu(h_EV @ p['W11'] + p['b11'])
    m = jax.nn.gelu(m @ p['W12'] + p['b12'])
    m = m @ p['W13'] + p['b13']
    h_E = layer_norm(h_E + m, p['n3g'], p['n3b'])
    return h_V, h_E


def setup_inputs(seed: int = 0) -> dict:
    key = jax.random.key(seed)
    k1, k2, k3, k4 = jax.random.split(key, 4)
    h_V = jax.random.normal(k1, (B, N, HIDDEN), jnp.float32)
    h_E = jax.random.normal(k2, (B, N, K, HIDDEN), jnp.float32)
    E_idx = jax.random.randint(k3, (B, N, K), 0, N, dtype=jnp.int32)
    mask = jnp.ones((B, N), jnp.float32)
    mask_attend = jnp.ones((B, N, K), jnp.float32)
    params = _make_params(k4)
    return {'h_V': h_V, 'h_E': h_E, 'E_idx': E_idx, 'mask': mask,
            'mask_attend': mask_attend, 'params': params}


def reference(h_V, h_E, E_idx, mask, mask_attend, params):
    for p in params:
        h_V, h_E = enc_layer(h_V, h_E, E_idx, mask, mask_attend, p)
    return h_V

if __name__ == "__main__":
    import jax
    _d = setup_inputs()
    print(jax.jit(kernel)(*tuple(_d.values())))

</pallas_src>

<mosaic_0001>
#map = affine_map<(d0, d1) -> (0, 0)>
#map1 = affine_map<(d0, d1) -> (0)>
module attributes {stable_mosaic.version = 14 : i64} {
  func.func @k(%arg0: i32, %arg1: i32, %arg2: memref<10000x256xf32, #tpu.memory_space<hbm>>, %arg3: memref<163840xi32, #tpu.memory_space<hbm>>, %arg4: memref<163840x256xf32, #tpu.memory_space<hbm>>, %arg5: memref<5120xi32, #tpu.memory_space<vmem>>, %arg6: memref<64x256xf32, #tpu.memory_space<vmem>>, %arg7: memref<64x256xf32, #tpu.memory_space<vmem>>, %arg8: memref<64x256xf32, #tpu.memory_space<vmem>>, %arg9: memref<64x256xf32, #tpu.memory_space<vmem>>, %arg10: memref<!tpu.dma_semaphore, #tpu.memory_space<semaphore_mem>>, %arg11: memref<!tpu.dma_semaphore, #tpu.memory_space<semaphore_mem>>, %arg12: memref<!tpu.dma_semaphore, #tpu.memory_space<semaphore_mem>>, %arg13: memref<!tpu.dma_semaphore, #tpu.memory_space<semaphore_mem>>, %arg14: memref<!tpu.dma_semaphore, #tpu.memory_space<semaphore_mem>>, %arg15: memref<!tpu.dma_semaphore, #tpu.memory_space<semaphore_mem>>, %arg16: memref<!tpu.dma_semaphore, #tpu.memory_space<semaphore_mem>>, %arg17: memref<!tpu.dma_semaphore, #tpu.memory_space<semaphore_mem>>) attributes {dimension_semantics = [#tpu.dimension_semantics<core_parallel>, #tpu.dimension_semantics<subcore_parallel>], iteration_bounds = array<i64: 2, 16>, scalar_prefetch = 0 : i64, scratch_operands = 13 : i64, tpu.core_type = #tpu.core_type<sc_vector_subcore>, window_params = [{transform_indices = #map}, {transform_indices = #map1}, {transform_indices = #map}]} {
    %mul3A = arith.constant 2 : i32
    %mul3A_0 = arith.muli %arg1, %mul3A : i32
    %add3A = arith.addi %mul3A_0, %arg0 : i32
    %mul3A_1 = arith.constant 5120 : i32
    %mul3A_2 = arith.muli %add3A, %mul3A_1 : i32
    "tpu.region"() ({
      %run_scoped3A = tpu.sem_alloc : memref<!tpu.dma_semaphore, #tpu.memory_space<semaphore_mem>>
      %dma_start3A_93 = tpu.memref_slice %arg3[%mul3A_2] : memref<163840xi32, #tpu.memory_space<hbm>> -> memref<5120xi32, #tpu.memory_space<hbm>>
      %dma_start3A_94 = tpu.memref_slice %arg3[%mul3A_2] : memref<163840xi32, #tpu.memory_space<hbm>> -> memref<5120xi32, #tpu.memory_space<hbm>>
      tpu.enqueue_dma source(%dma_start3A_94 : memref<5120xi32, #tpu.memory_space<hbm>>) target(%arg5 : memref<5120xi32, #tpu.memory_space<vmem>>) target_semaphore(%run_scoped3A : memref<!tpu.dma_semaphore, #tpu.memory_space<semaphore_mem>>)
      %dma_wait3A_95 = tpu.memref_slice %arg3[%mul3A_2] : memref<163840xi32, #tpu.memory_space<hbm>> -> memref<5120xi32, #tpu.memory_space<hbm>>
      %dma_wait3A_96 = tpu.memref_slice %arg3[%mul3A_2] : memref<163840xi32, #tpu.memory_space<hbm>> -> memref<5120xi32, #tpu.memory_space<hbm>>
      tpu.wait_dma2 semaphore(%run_scoped3A : memref<!tpu.dma_semaphore, #tpu.memory_space<semaphore_mem>>) src(%dma_wait3A_96 : memref<5120xi32, #tpu.memory_space<hbm>>) dst(%arg5 : memref<5120xi32, #tpu.memory_space<vmem>>)
      tpu.yield
    }) : () -> ()
    %dma_start3A = arith.constant 0 : i32
    %dma_start3A_3 = tpu.memref_slice %arg5[%dma_start3A] : memref<5120xi32, #tpu.memory_space<vmem>> -> memref<64xi32, #tpu.memory_space<vmem>>
    %dma_start3A_4 = arith.constant 0 : i32
    %dma_start3A_5 = arith.constant 0 : i32
    %dma_start3A_6 = tpu.memref_slice %arg2[%dma_start3A_4, %dma_start3A_5] : memref<10000x256xf32, #tpu.memory_space<hbm>> -> memref<10000x256xf32, #tpu.memory_space<hbm>>
    tpu.enqueue_indirect_dma source(%dma_start3A_6 : memref<10000x256xf32, #tpu.memory_space<hbm>>) target(%arg6 : memref<64x256xf32, #tpu.memory_space<vmem>>) offsets(%dma_start3A_3 : memref<64xi32, #tpu.memory_space<vmem>>) semaphore(%arg10 : memref<!tpu.dma_semaphore, #tpu.memory_space<semaphore_mem>>)
    %dma_start3A_7 = arith.constant 64 : i32
    %dma_start3A_8 = tpu.memref_slice %arg5[%dma_start3A_7] : memref<5120xi32, #tpu.memory_space<vmem>> -> memref<64xi32, #tpu.memory_space<vmem>>
    %dma_start3A_9 = arith.constant 0 : i32
    %dma_start3A_10 = arith.constant 0 : i32
    %dma_start3A_11 = tpu.memref_slice %arg2[%dma_start3A_9, %dma_start3A_10] : memref<10000x256xf32, #tpu.memory_space<hbm>> -> memref<10000x256xf32, #tpu.memory_space<hbm>>
    tpu.enqueue_indirect_dma source(%dma_start3A_11 : memref<10000x256xf32, #tpu.memory_space<hbm>>) target(%arg7 : memref<64x256xf32, #tpu.memory_space<vmem>>) offsets(%dma_start3A_8 : memref<64xi32, #tpu.memory_space<vmem>>) semaphore(%arg11 : memref<!tpu.dma_semaphore, #tpu.memory_space<semaphore_mem>>)
    %dma_start3A_12 = arith.constant 128 : i32
    %dma_start3A_13 = tpu.memref_slice %arg5[%dma_start3A_12] : memref<5120xi32, #tpu.memory_space<vmem>> -> memref<64xi32, #tpu.memory_space<vmem>>
    %dma_start3A_14 = arith.constant 0 : i32
    %dma_start3A_15 = arith.constant 0 : i32
    %dma_start3A_16 = tpu.memref_slice %arg2[%dma_start3A_14, %dma_start3A_15] : memref<10000x256xf32, #tpu.memory_space<hbm>> -> memref<10000x256xf32, #tpu.memory_space<hbm>>
    tpu.enqueue_indirect_dma source(%dma_start3A_16 : memref<10000x256xf32, #tpu.memory_space<hbm>>) target(%arg8 : memref<64x256xf32, #tpu.memory_space<vmem>>) offsets(%dma_start3A_13 : memref<64xi32, #tpu.memory_space<vmem>>) semaphore(%arg12 : memref<!tpu.dma_semaphore, #tpu.memory_space<semaphore_mem>>)
    %dma_start3A_17 = arith.constant 192 : i32
    %dma_start3A_18 = tpu.memref_slice %arg5[%dma_start3A_17] : memref<5120xi32, #tpu.memory_space<vmem>> -> memref<64xi32, #tpu.memory_space<vmem>>
    %dma_start3A_19 = arith.constant 0 : i32
    %dma_start3A_20 = arith.constant 0 : i32
    %dma_start3A_21 = tpu.memref_slice %arg2[%dma_start3A_19, %dma_start3A_20] : memref<10000x256xf32, #tpu.memory_space<hbm>> -> memref<10000x256xf32, #tpu.memory_space<hbm>>
    tpu.enqueue_indirect_dma source(%dma_start3A_21 : memref<10000x256xf32, #tpu.memory_space<hbm>>) target(%arg9 : memref<64x256xf32, #tpu.memory_space<vmem>>) offsets(%dma_start3A_18 : memref<64xi32, #tpu.memory_space<vmem>>) semaphore(%arg13 : memref<!tpu.dma_semaphore, #tpu.memory_space<semaphore_mem>>)
    %scan3A = arith.constant 0 : i32
    %scan3A_22 = arith.constant 19 : i32
    %scan3A_23 = arith.addi %scan3A, %scan3A_22 : i32
    %scan3A_24 = arith.constant 1 : i32
    scf.for %scan3A_93 = %scan3A to %scan3A_23 step %scan3A_24  : i32 {
      %mul3A_94 = arith.constant 1 : i32
      %mul3A_95 = arith.muli %scan3A_93, %mul3A_94 : i32
      %add3A_96 = arith.constant 0 : i32
      %add3A_97 = arith.addi %add3A_96, %mul3A_95 : i32
      %mul3A_98 = arith.constant 4 : i32
      %mul3A_99 = arith.muli %add3A_97, %mul3A_98 : i32
      %add3A_100 = arith.constant 0 : i32
      %add3A_101 = arith.addi %mul3A_99, %add3A_100 : i32
      %mul3A_102 = arith.constant 64 : i32
      %mul3A_103 = arith.muli %add3A_101, %mul3A_102 : i32
      %dma_wait3A_104 = tpu.memref_slice %arg5[%mul3A_103] : memref<5120xi32, #tpu.memory_space<vmem>> -> memref<64xi32, #tpu.memory_space<vmem>>
      %dma_wait3A_105 = arith.constant 0 : i32
      %dma_wait3A_106 = arith.constant 0 : i32
      %dma_wait3A_107 = tpu.memref_slice %arg2[%dma_wait3A_105, %dma_wait3A_106] : memref<10000x256xf32, #tpu.memory_space<hbm>> -> memref<10000x256xf32, #tpu.memory_space<hbm>>
      tpu.wait_indirect_dma semaphore(%arg10 : memref<!tpu.dma_semaphore, #tpu.memory_space<semaphore_mem>>) src(%dma_wait3A_107 : memref<10000x256xf32, #tpu.memory_space<hbm>>) dst(%arg6 : memref<64x256xf32, #tpu.memory_space<vmem>>)
      %add3A_108 = arith.constant 0 : i32
      %add3A_109 = arith.addi %mul3A_99, %add3A_108 : i32
      %mul3A_110 = arith.constant 64 : i32
      %mul3A_111 = arith.muli %add3A_109, %mul3A_110 : i32
      %add3A_112 = arith.addi %mul3A_2, %mul3A_111 : i32
      %dma_start3A_113 = arith.constant 0 : i32
      %dma_start3A_114 = tpu.memref_slice %arg4[%add3A_112, %dma_start3A_113] : memref<163840x256xf32, #tpu.memory_space<hbm>> -> memref<64x256xf32, #tpu.memory_space<hbm>>
      %dma_start3A_115 = arith.constant 0 : i32
      %dma_start3A_116 = tpu.memref_slice %arg4[%add3A_112, %dma_start3A_115] : memref<163840x256xf32, #tpu.memory_space<hbm>> -> memref<64x256xf32, #tpu.memory_space<hbm>>
      tpu.enqueue_dma source(%arg6 : memref<64x256xf32, #tpu.memory_space<vmem>>) target(%dma_start3A_116 : memref<64x256xf32, #tpu.memory_space<hbm>>) target_semaphore(%arg14 : memref<!tpu.dma_semaphore, #tpu.memory_space<semaphore_mem>>)
      %add3A_117 = arith.constant 1 : i32
      %add3A_118 = arith.addi %mul3A_99, %add3A_117 : i32
      %mul3A_119 = arith.constant 64 : i32
      %mul3A_120 = arith.muli %add3A_118, %mul3A_119 : i32
      %dma_wait3A_121 = tpu.memref_slice %arg5[%mul3A_120] : memref<5120xi32, #tpu.memory_space<vmem>> -> memref<64xi32, #tpu.memory_space<vmem>>
      %dma_wait3A_122 = arith.constant 0 : i32
      %dma_wait3A_123 = arith.constant 0 : i32
      %dma_wait3A_124 = tpu.memref_slice %arg2[%dma_wait3A_122, %dma_wait3A_123] : memref<10000x256xf32, #tpu.memory_space<hbm>> -> memref<10000x256xf32, #tpu.memory_space<hbm>>
      tpu.wait_indirect_dma semaphore(%arg11 : memref<!tpu.dma_semaphore, #tpu.memory_space<semaphore_mem>>) src(%dma_wait3A_124 : memref<10000x256xf32, #tpu.memory_space<hbm>>) dst(%arg7 : memref<64x256xf32, #tpu.memory_space<vmem>>)
      %add3A_125 = arith.constant 1 : i32
      %add3A_126 = arith.addi %mul3A_99, %add3A_125 : i32
      %mul3A_127 = arith.constant 64 : i32
      %mul3A_128 = arith.muli %add3A_126, %mul3A_127 : i32
      %add3A_129 = arith.addi %mul3A_2, %mul3A_128 : i32
      %dma_start3A_130 = arith.constant 0 : i32
      %dma_start3A_131 = tpu.memref_slice %arg4[%add3A_129, %dma_start3A_130] : memref<163840x256xf32, #tpu.memory_space<hbm>> -> memref<64x256xf32, #tpu.memory_space<hbm>>
      %dma_start3A_132 = arith.constant 0 : i32
      %dma_start3A_133 = tpu.memref_slice %arg4[%add3A_129, %dma_start3A_132] : memref<163840x256xf32, #tpu.memory_space<hbm>> -> memref<64x256xf32, #tpu.memory_space<hbm>>
      tpu.enqueue_dma source(%arg7 : memref<64x256xf32, #tpu.memory_space<vmem>>) target(%dma_start3A_133 : memref<64x256xf32, #tpu.memory_space<hbm>>) target_semaphore(%arg15 : memref<!tpu.dma_semaphore, #tpu.memory_space<semaphore_mem>>)
      %add3A_134 = arith.constant 2 : i32
      %add3A_135 = arith.addi %mul3A_99, %add3A_134 : i32
      %mul3A_136 = arith.constant 64 : i32
      %mul3A_137 = arith.muli %add3A_135, %mul3A_136 : i32
      %dma_wait3A_138 = tpu.memref_slice %arg5[%mul3A_137] : memref<5120xi32, #tpu.memory_space<vmem>> -> memref<64xi32, #tpu.memory_space<vmem>>
      %dma_wait3A_139 = arith.constant 0 : i32
      %dma_wait3A_140 = arith.constant 0 : i32
      %dma_wait3A_141 = tpu.memref_slice %arg2[%dma_wait3A_139, %dma_wait3A_140] : memref<10000x256xf32, #tpu.memory_space<hbm>> -> memref<10000x256xf32, #tpu.memory_space<hbm>>
      tpu.wait_indirect_dma semaphore(%arg12 : memref<!tpu.dma_semaphore, #tpu.memory_space<semaphore_mem>>) src(%dma_wait3A_141 : memref<10000x256xf32, #tpu.memory_space<hbm>>) dst(%arg8 : memref<64x256xf32, #tpu.memory_space<vmem>>)
      %add3A_142 = arith.constant 2 : i32
      %add3A_143 = arith.addi %mul3A_99, %add3A_142 : i32
      %mul3A_144 = arith.constant 64 : i32
      %mul3A_145 = arith.muli %add3A_143, %mul3A_144 : i32
      %add3A_146 = arith.addi %mul3A_2, %mul3A_145 : i32
      %dma_start3A_147 = arith.constant 0 : i32
      %dma_start3A_148 = tpu.memref_slice %arg4[%add3A_146, %dma_start3A_147] : memref<163840x256xf32, #tpu.memory_space<hbm>> -> memref<64x256xf32, #tpu.memory_space<hbm>>
      %dma_start3A_149 = arith.constant 0 : i32
      %dma_start3A_150 = tpu.memref_slice %arg4[%add3A_146, %dma_start3A_149] : memref<163840x256xf32, #tpu.memory_space<hbm>> -> memref<64x256xf32, #tpu.memory_space<hbm>>
      tpu.enqueue_dma source(%arg8 : memref<64x256xf32, #tpu.memory_space<vmem>>) target(%dma_start3A_150 : memref<64x256xf32, #tpu.memory_space<hbm>>) target_semaphore(%arg16 : memref<!tpu.dma_semaphore, #tpu.memory_space<semaphore_mem>>)
      %add3A_151 = arith.constant 3 : i32
      %add3A_152 = arith.addi %mul3A_99, %add3A_151 : i32
      %mul3A_153 = arith.constant 64 : i32
      %mul3A_154 = arith.muli %add3A_152, %mul3A_153 : i32
      %dma_wait3A_155 = tpu.memref_slice %arg5[%mul3A_154] : memref<5120xi32, #tpu.memory_space<vmem>> -> memref<64xi32, #tpu.memory_space<vmem>>
      %dma_wait3A_156 = arith.constant 0 : i32
      %dma_wait3A_157 = arith.constant 0 : i32
      %dma_wait3A_158 = tpu.memref_slice %arg2[%dma_wait3A_156, %dma_wait3A_157] : memref<10000x256xf32, #tpu.memory_space<hbm>> -> memref<10000x256xf32, #tpu.memory_space<hbm>>
      tpu.wait_indirect_dma semaphore(%arg13 : memref<!tpu.dma_semaphore, #tpu.memory_space<semaphore_mem>>) src(%dma_wait3A_158 : memref<10000x256xf32, #tpu.memory_space<hbm>>) dst(%arg9 : memref<64x256xf32, #tpu.memory_space<vmem>>)
      %add3A_159 = arith.constant 3 : i32
      %add3A_160 = arith.addi %mul3A_99, %add3A_159 : i32
      %mul3A_161 = arith.constant 64 : i32
      %mul3A_162 = arith.muli %add3A_160, %mul3A_161 : i32
      %add3A_163 = arith.addi %mul3A_2, %mul3A_162 : i32
      %dma_start3A_164 = arith.constant 0 : i32
      %dma_start3A_165 = tpu.memref_slice %arg4[%add3A_163, %dma_start3A_164] : memref<163840x256xf32, #tpu.memory_space<hbm>> -> memref<64x256xf32, #tpu.memory_space<hbm>>
      %dma_start3A_166 = arith.constant 0 : i32
      %dma_start3A_167 = tpu.memref_slice %arg4[%add3A_163, %dma_start3A_166] : memref<163840x256xf32, #tpu.memory_space<hbm>> -> memref<64x256xf32, #tpu.memory_space<hbm>>
      tpu.enqueue_dma source(%arg9 : memref<64x256xf32, #tpu.memory_space<vmem>>) target(%dma_start3A_167 : memref<64x256xf32, #tpu.memory_space<hbm>>) target_semaphore(%arg17 : memref<!tpu.dma_semaphore, #tpu.memory_space<semaphore_mem>>)
      %add3A_168 = arith.constant 0 : i32
      %add3A_169 = arith.addi %mul3A_99, %add3A_168 : i32
      %mul3A_170 = arith.constant 64 : i32
      %mul3A_171 = arith.muli %add3A_169, %mul3A_170 : i32
      %add3A_172 = arith.addi %mul3A_2, %mul3A_171 : i32
      %dma_wait3A_173 = arith.constant 0 : i32
      %dma_wait3A_174 = tpu.memref_slice %arg4[%add3A_172, %dma_wait3A_173] : memref<163840x256xf32, #tpu.memory_space<hbm>> -> memref<64x256xf32, #tpu.memory_space<hbm>>
      %dma_wait3A_175 = arith.constant 0 : i32
      %dma_wait3A_176 = tpu.memref_slice %arg4[%add3A_172, %dma_wait3A_175] : memref<163840x256xf32, #tpu.memory_space<hbm>> -> memref<64x256xf32, #tpu.memory_space<hbm>>
      tpu.wait_dma2 semaphore(%arg14 : memref<!tpu.dma_semaphore, #tpu.memory_space<semaphore_mem>>) src(%arg6 : memref<64x256xf32, #tpu.memory_space<vmem>>) dst(%dma_wait3A_176 : memref<64x256xf32, #tpu.memory_space<hbm>>)
      %add3A_177 = arith.constant 4 : i32
      %add3A_178 = arith.addi %mul3A_99, %add3A_177 : i32
      %add3A_179 = arith.constant 0 : i32
      %add3A_180 = arith.addi %add3A_178, %add3A_179 : i32
      %mul3A_181 = arith.constant 64 : i32
      %mul3A_182 = arith.muli %add3A_180, %mul3A_181 : i32
      %dma_start3A_183 = tpu.memref_slice %arg5[%mul3A_182] : memref<5120xi32, #tpu.memory_space<vmem>> -> memref<64xi32, #tpu.memory_space<vmem>>
      %dma_start3A_184 = arith.constant 0 : i32
      %dma_start3A_185 = arith.constant 0 : i32
      %dma_start3A_186 = tpu.memref_slice %arg2[%dma_start3A_184, %dma_start3A_185] : memref<10000x256xf32, #tpu.memory_space<hbm>> -> memref<10000x256xf32, #tpu.memory_space<hbm>>
      tpu.enqueue_indirect_dma source(%dma_start3A_186 : memref<10000x256xf32, #tpu.memory_space<hbm>>) target(%arg6 : memref<64x256xf32, #tpu.memory_space<vmem>>) offsets(%dma_start3A_183 : memref<64xi32, #tpu.memory_space<vmem>>) semaphore(%arg10 : memref<!tpu.dma_semaphore, #tpu.memory_space<semaphore_mem>>)
      %add3A_187 = arith.constant 1 : i32
      %add3A_188 = arith.addi %mul3A_99, %add3A_187 : i32
      %mul3A_189 = arith.constant 64 : i32
      %mul3A_190 = arith.muli %add3A_188, %mul3A_189 : i32
      %add3A_191 = arith.addi %mul3A_2, %mul3A_190 : i32
      %dma_wait3A_192 = arith.constant 0 : i32
      %dma_wait3A_193 = tpu.memref_slice %arg4[%add3A_191, %dma_wait3A_192] : memref<163840x256xf32, #tpu.memory_space<hbm>> -> memref<64x256xf32, #tpu.memory_space<hbm>>
      %dma_wait3A_194 = arith.constant 0 : i32
      %dma_wait3A_195 = tpu.memref_slice %arg4[%add3A_191, %dma_wait3A_194] : memref<163840x256xf32, #tpu.memory_space<hbm>> -> memref<64x256xf32, #tpu.memory_space<hbm>>
      tpu.wait_dma2 semaphore(%arg15 : memref<!tpu.dma_semaphore, #tpu.memory_space<semaphore_mem>>) src(%arg7 : memref<64x256xf32, #tpu.memory_space<vmem>>) dst(%dma_wait3A_195 : memref<64x256xf32, #tpu.memory_space<hbm>>)
      %add3A_196 = arith.constant 4 : i32
      %add3A_197 = arith.addi %mul3A_99, %add3A_196 : i32
      %add3A_198 = arith.constant 1 : i32
      %add3A_199 = arith.addi %add3A_197, %add3A_198 : i32
      %mul3A_200 = arith.constant 64 : i32
      %mul3A_201 = arith.muli %add3A_199, %mul3A_200 : i32
      %dma_start3A_202 = tpu.memref_slice %arg5[%mul3A_201] : memref<5120xi32, #tpu.memory_space<vmem>> -> memref<64xi32, #tpu.memory_space<vmem>>
      %dma_start3A_203 = arith.constant 0 : i32
      %dma_start3A_204 = arith.constant 0 : i32
      %dma_start3A_205 = tpu.memref_slice %arg2[%dma_start3A_203, %dma_start3A_204] : memref<10000x256xf32, #tpu.memory_space<hbm>> -> memref<10000x256xf32, #tpu.memory_space<hbm>>
      tpu.enqueue_indirect_dma source(%dma_start3A_205 : memref<10000x256xf32, #tpu.memory_space<hbm>>) target(%arg7 : memref<64x256xf32, #tpu.memory_space<vmem>>) offsets(%dma_start3A_202 : memref<64xi32, #tpu.memory_space<vmem>>) semaphore(%arg11 : memref<!tpu.dma_semaphore, #tpu.memory_space<semaphore_mem>>)
      %add3A_206 = arith.constant 2 : i32
      %add3A_207 = arith.addi %mul3A_99, %add3A_206 : i32
      %mul3A_208 = arith.constant 64 : i32
      %mul3A_209 = arith.muli %add3A_207, %mul3A_208 : i32
      %add3A_210 = arith.addi %mul3A_2, %mul3A_209 : i32
      %dma_wait3A_211 = arith.constant 0 : i32
      %dma_wait3A_212 = tpu.memref_slice %arg4[%add3A_210, %dma_wait3A_211] : memref<163840x256xf32, #tpu.memory_space<hbm>> -> memref<64x256xf32, #tpu.memory_space<hbm>>
      %dma_wait3A_213 = arith.constant 0 : i32
      %dma_wait3A_214 = tpu.memref_slice %arg4[%add3A_210, %dma_wait3A_213] : memref<163840x256xf32, #tpu.memory_space<hbm>> -> memref<64x256xf32, #tpu.memory_space<hbm>>
      tpu.wait_dma2 semaphore(%arg16 : memref<!tpu.dma_semaphore, #tpu.memory_space<semaphore_mem>>) src(%arg8 : memref<64x256xf32, #tpu.memory_space<vmem>>) dst(%dma_wait3A_214 : memref<64x256xf32, #tpu.memory_space<hbm>>)
      %add3A_215 = arith.constant 4 : i32
      %add3A_216 = arith.addi %mul3A_99, %add3A_215 : i32
      %add3A_217 = arith.constant 2 : i32
      %add3A_218 = arith.addi %add3A_216, %add3A_217 : i32
      %mul3A_219 = arith.constant 64 : i32
      %mul3A_220 = arith.muli %add3A_218, %mul3A_219 : i32
      %dma_start3A_221 = tpu.memref_slice %arg5[%mul3A_220] : memref<5120xi32, #tpu.memory_space<vmem>> -> memref<64xi32, #tpu.memory_space<vmem>>
      %dma_start3A_222 = arith.constant 0 : i32
      %dma_start3A_223 = arith.constant 0 : i32
      %dma_start3A_224 = tpu.memref_slice %arg2[%dma_start3A_222, %dma_start3A_223] : memref<10000x256xf32, #tpu.memory_space<hbm>> -> memref<10000x256xf32, #tpu.memory_space<hbm>>
      tpu.enqueue_indirect_dma source(%dma_start3A_224 : memref<10000x256xf32, #tpu.memory_space<hbm>>) target(%arg8 : memref<64x256xf32, #tpu.memory_space<vmem>>) offsets(%dma_start3A_221 : memref<64xi32, #tpu.memory_space<vmem>>) semaphore(%arg12 : memref<!tpu.dma_semaphore, #tpu.memory_space<semaphore_mem>>)
      %add3A_225 = arith.constant 3 : i32
      %add3A_226 = arith.addi %mul3A_99, %add3A_225 : i32
      %mul3A_227 = arith.constant 64 : i32
      %mul3A_228 = arith.muli %add3A_226, %mul3A_227 : i32
      %add3A_229 = arith.addi %mul3A_2, %mul3A_228 : i32
      %dma_wait3A_230 = arith.constant 0 : i32
      %dma_wait3A_231 = tpu.memref_slice %arg4[%add3A_229, %dma_wait3A_230] : memref<163840x256xf32, #tpu.memory_space<hbm>> -> memref<64x256xf32, #tpu.memory_space<hbm>>
      %dma_wait3A_232 = arith.constant 0 : i32
      %dma_wait3A_233 = tpu.memref_slice %arg4[%add3A_229, %dma_wait3A_232] : memref<163840x256xf32, #tpu.memory_space<hbm>> -> memref<64x256xf32, #tpu.memory_space<hbm>>
      tpu.wait_dma2 semaphore(%arg17 : memref<!tpu.dma_semaphore, #tpu.memory_space<semaphore_mem>>) src(%arg9 : memref<64x256xf32, #tpu.memory_space<vmem>>) dst(%dma_wait3A_233 : memref<64x256xf32, #tpu.memory_space<hbm>>)
      %add3A_234 = arith.constant 4 : i32
      %add3A_235 = arith.addi %mul3A_99, %add3A_234 : i32
      %add3A_236 = arith.constant 3 : i32
      %add3A_237 = arith.addi %add3A_235, %add3A_236 : i32
      %mul3A_238 = arith.constant 64 : i32
      %mul3A_239 = arith.muli %add3A_237, %mul3A_238 : i32
      %dma_start3A_240 = tpu.memref_slice %arg5[%mul3A_239] : memref<5120xi32, #tpu.memory_space<vmem>> -> memref<64xi32, #tpu.memory_space<vmem>>
      %dma_start3A_241 = arith.constant 0 : i32
      %dma_start3A_242 = arith.constant 0 : i32
      %dma_start3A_243 = tpu.memref_slice %arg2[%dma_start3A_241, %dma_start3A_242] : memref<10000x256xf32, #tpu.memory_space<hbm>> -> memref<10000x256xf32, #tpu.memory_space<hbm>>
      tpu.enqueue_indirect_dma source(%dma_start3A_243 : memref<10000x256xf32, #tpu.memory_space<hbm>>) target(%arg9 : memref<64x256xf32, #tpu.memory_space<vmem>>) offsets(%dma_start3A_240 : memref<64xi32, #tpu.memory_space<vmem>>) semaphore(%arg13 : memref<!tpu.dma_semaphore, #tpu.memory_space<semaphore_mem>>)
    }
    %scan3A_25 = arith.constant 19 : i32
    %dma_wait3A = arith.constant 4864 : i32
    %dma_wait3A_26 = tpu.memref_slice %arg5[%dma_wait3A] : memref<5120xi32, #tpu.memory_space<vmem>> -> memref<64xi32, #tpu.memory_space<vmem>>
    %dma_wait3A_27 = arith.constant 0 : i32
    %dma_wait3A_28 = arith.constant 0 : i32
    %dma_wait3A_29 = tpu.memref_slice %arg2[%dma_wait3A_27, %dma_wait3A_28] : memref<10000x256xf32, #tpu.memory_space<hbm>> -> memref<10000x256xf32, #tpu.memory_space<hbm>>
    tpu.wait_indirect_dma semaphore(%arg10 : memref<!tpu.dma_semaphore, #tpu.memory_space<semaphore_mem>>) src(%dma_wait3A_29 : memref<10000x256xf32, #tpu.memory_space<hbm>>) dst(%arg6 : memref<64x256xf32, #tpu.memory_space<vmem>>)
    %add3A_30 = arith.constant 4864 : i32
    %add3A_31 = arith.addi %mul3A_2, %add3A_30 : i32
    %dma_start3A_32 = arith.constant 0 : i32
    %dma_start3A_33 = tpu.memref_slice %arg4[%add3A_31, %dma_start3A_32] : memref<163840x256xf32, #tpu.memory_space<hbm>> -> memref<64x256xf32, #tpu.memory_space<hbm>>
    %dma_start3A_34 = arith.constant 0 : i32
    %dma_start3A_35 = tpu.memref_slice %arg4[%add3A_31, %dma_start3A_34] : memref<163840x256xf32, #tpu.memory_space<hbm>> -> memref<64x256xf32, #tpu.memory_space<hbm>>
    tpu.enqueue_dma source(%arg6 : memref<64x256xf32, #tpu.memory_space<vmem>>) target(%dma_start3A_35 : memref<64x256xf32, #tpu.memory_space<hbm>>) target_semaphore(%arg14 : memref<!tpu.dma_semaphore, #tpu.memory_space<semaphore_mem>>)
    %dma_wait3A_36 = arith.constant 4928 : i32
    %dma_wait3A_37 = tpu.memref_slice %arg5[%dma_wait3A_36] : memref<5120xi32, #tpu.memory_space<vmem>> -> memref<64xi32, #tpu.memory_space<vmem>>
    %dma_wait3A_38 = arith.constant 0 : i32
    %dma_wait3A_39 = arith.constant 0 : i32
    %dma_wait3A_40 = tpu.memref_slice %arg2[%dma_wait3A_38, %dma_wait3A_39] : memref<10000x256xf32, #tpu.memory_space<hbm>> -> memref<10000x256xf32, #tpu.memory_space<hbm>>
    tpu.wait_indirect_dma semaphore(%arg11 : memref<!tpu.dma_semaphore, #tpu.memory_space<semaphore_mem>>) src(%dma_wait3A_40 : memref<10000x256xf32, #tpu.memory_space<hbm>>) dst(%arg7 : memref<64x256xf32, #tpu.memory_space<vmem>>)
    %add3A_41 = arith.constant 4928 : i32
    %add3A_42 = arith.addi %mul3A_2, %add3A_41 : i32
    %dma_start3A_43 = arith.constant 0 : i32
    %dma_start3A_44 = tpu.memref_slice %arg4[%add3A_42, %dma_start3A_43] : memref<163840x256xf32, #tpu.memory_space<hbm>> -> memref<64x256xf32, #tpu.memory_space<hbm>>
    %dma_start3A_45 = arith.constant 0 : i32
    %dma_start3A_46 = tpu.memref_slice %arg4[%add3A_42, %dma_start3A_45] : memref<163840x256xf32, #tpu.memory_space<hbm>> -> memref<64x256xf32, #tpu.memory_space<hbm>>
    tpu.enqueue_dma source(%arg7 : memref<64x256xf32, #tpu.memory_space<vmem>>) target(%dma_start3A_46 : memref<64x256xf32, #tpu.memory_space<hbm>>) target_semaphore(%arg15 : memref<!tpu.dma_semaphore, #tpu.memory_space<semaphore_mem>>)
    %dma_wait3A_47 = arith.constant 4992 : i32
    %dma_wait3A_48 = tpu.memref_slice %arg5[%dma_wait3A_47] : memref<5120xi32, #tpu.memory_space<vmem>> -> memref<64xi32, #tpu.memory_space<vmem>>
    %dma_wait3A_49 = arith.constant 0 : i32
    %dma_wait3A_50 = arith.constant 0 : i32
    %dma_wait3A_51 = tpu.memref_slice %arg2[%dma_wait3A_49, %dma_wait3A_50] : memref<10000x256xf32, #tpu.memory_space<hbm>> -> memref<10000x256xf32, #tpu.memory_space<hbm>>
    tpu.wait_indirect_dma semaphore(%arg12 : memref<!tpu.dma_semaphore, #tpu.memory_space<semaphore_mem>>) src(%dma_wait3A_51 : memref<10000x256xf32, #tpu.memory_space<hbm>>) dst(%arg8 : memref<64x256xf32, #tpu.memory_space<vmem>>)
    %add3A_52 = arith.constant 4992 : i32
    %add3A_53 = arith.addi %mul3A_2, %add3A_52 : i32
    %dma_start3A_54 = arith.constant 0 : i32
    %dma_start3A_55 = tpu.memref_slice %arg4[%add3A_53, %dma_start3A_54] : memref<163840x256xf32, #tpu.memory_space<hbm>> -> memref<64x256xf32, #tpu.memory_space<hbm>>
    %dma_start3A_56 = arith.constant 0 : i32
    %dma_start3A_57 = tpu.memref_slice %arg4[%add3A_53, %dma_start3A_56] : memref<163840x256xf32, #tpu.memory_space<hbm>> -> memref<64x256xf32, #tpu.memory_space<hbm>>
    tpu.enqueue_dma source(%arg8 : memref<64x256xf32, #tpu.memory_space<vmem>>) target(%dma_start3A_57 : memref<64x256xf32, #tpu.memory_space<hbm>>) target_semaphore(%arg16 : memref<!tpu.dma_semaphore, #tpu.memory_space<semaphore_mem>>)
    %dma_wait3A_58 = arith.constant 5056 : i32
    %dma_wait3A_59 = tpu.memref_slice %arg5[%dma_wait3A_58] : memref<5120xi32, #tpu.memory_space<vmem>> -> memref<64xi32, #tpu.memory_space<vmem>>
    %dma_wait3A_60 = arith.constant 0 : i32
    %dma_wait3A_61 = arith.constant 0 : i32
    %dma_wait3A_62 = tpu.memref_slice %arg2[%dma_wait3A_60, %dma_wait3A_61] : memref<10000x256xf32, #tpu.memory_space<hbm>> -> memref<10000x256xf32, #tpu.memory_space<hbm>>
    tpu.wait_indirect_dma semaphore(%arg13 : memref<!tpu.dma_semaphore, #tpu.memory_space<semaphore_mem>>) src(%dma_wait3A_62 : memref<10000x256xf32, #tpu.memory_space<hbm>>) dst(%arg9 : memref<64x256xf32, #tpu.memory_space<vmem>>)
    %add3A_63 = arith.constant 5056 : i32
    %add3A_64 = arith.addi %mul3A_2, %add3A_63 : i32
    %dma_start3A_65 = arith.constant 0 : i32
    %dma_start3A_66 = tpu.memref_slice %arg4[%add3A_64, %dma_start3A_65] : memref<163840x256xf32, #tpu.memory_space<hbm>> -> memref<64x256xf32, #tpu.memory_space<hbm>>
    %dma_start3A_67 = arith.constant 0 : i32
    %dma_start3A_68 = tpu.memref_slice %arg4[%add3A_64, %dma_start3A_67] : memref<163840x256xf32, #tpu.memory_space<hbm>> -> memref<64x256xf32, #tpu.memory_space<hbm>>
    tpu.enqueue_dma source(%arg9 : memref<64x256xf32, #tpu.memory_space<vmem>>) target(%dma_start3A_68 : memref<64x256xf32, #tpu.memory_space<hbm>>) target_semaphore(%arg17 : memref<!tpu.dma_semaphore, #tpu.memory_space<semaphore_mem>>)
    %add3A_69 = arith.constant 4864 : i32
    %add3A_70 = arith.addi %mul3A_2, %add3A_69 : i32
    %dma_wait3A_71 = arith.constant 0 : i32
    %dma_wait3A_72 = tpu.memref_slice %arg4[%add3A_70, %dma_wait3A_71] : memref<163840x256xf32, #tpu.memory_space<hbm>> -> memref<64x256xf32, #tpu.memory_space<hbm>>
    %dma_wait3A_73 = arith.constant 0 : i32
    %dma_wait3A_74 = tpu.memref_slice %arg4[%add3A_70, %dma_wait3A_73] : memref<163840x256xf32, #tpu.memory_space<hbm>> -> memref<64x256xf32, #tpu.memory_space<hbm>>
    tpu.wait_dma2 semaphore(%arg14 : memref<!tpu.dma_semaphore, #tpu.memory_space<semaphore_mem>>) src(%arg6 : memref<64x256xf32, #tpu.memory_space<vmem>>) dst(%dma_wait3A_74 : memref<64x256xf32, #tpu.memory_space<hbm>>)
    %add3A_75 = arith.constant 4928 : i32
    %add3A_76 = arith.addi %mul3A_2, %add3A_75 : i32
    %dma_wait3A_77 = arith.constant 0 : i32
    %dma_wait3A_78 = tpu.memref_slice %arg4[%add3A_76, %dma_wait3A_77] : memref<163840x256xf32, #tpu.memory_space<hbm>> -> memref<64x256xf32, #tpu.memory_space<hbm>>
    %dma_wait3A_79 = arith.constant 0 : i32
    %dma_wait3A_80 = tpu.memref_slice %arg4[%add3A_76, %dma_wait3A_79] : memref<163840x256xf32, #tpu.memory_space<hbm>> -> memref<64x256xf32, #tpu.memory_space<hbm>>
    tpu.wait_dma2 semaphore(%arg15 : memref<!tpu.dma_semaphore, #tpu.memory_space<semaphore_mem>>) src(%arg7 : memref<64x256xf32, #tpu.memory_space<vmem>>) dst(%dma_wait3A_80 : memref<64x256xf32, #tpu.memory_space<hbm>>)
    %add3A_81 = arith.constant 4992 : i32
    %add3A_82 = arith.addi %mul3A_2, %add3A_81 : i32
    %dma_wait3A_83 = arith.constant 0 : i32
    %dma_wait3A_84 = tpu.memref_slice %arg4[%add3A_82, %dma_wait3A_83] : memref<163840x256xf32, #tpu.memory_space<hbm>> -> memref<64x256xf32, #tpu.memory_space<hbm>>
    %dma_wait3A_85 = arith.constant 0 : i32
    %dma_wait3A_86 = tpu.memref_slice %arg4[%add3A_82, %dma_wait3A_85] : memref<163840x256xf32, #tpu.memory_space<hbm>> -> memref<64x256xf32, #tpu.memory_space<hbm>>
    tpu.wait_dma2 semaphore(%arg16 : memref<!tpu.dma_semaphore, #tpu.memory_space<semaphore_mem>>) src(%arg8 : memref<64x256xf32, #tpu.memory_space<vmem>>) dst(%dma_wait3A_86 : memref<64x256xf32, #tpu.memory_space<hbm>>)
    %add3A_87 = arith.constant 5056 : i32
    %add3A_88 = arith.addi %mul3A_2, %add3A_87 : i32
    %dma_wait3A_89 = arith.constant 0 : i32
    %dma_wait3A_90 = tpu.memref_slice %arg4[%add3A_88, %dma_wait3A_89] : memref<163840x256xf32, #tpu.memory_space<hbm>> -> memref<64x256xf32, #tpu.memory_space<hbm>>
    %dma_wait3A_91 = arith.constant 0 : i32
    %dma_wait3A_92 = tpu.memref_slice %arg4[%add3A_88, %dma_wait3A_91] : memref<163840x256xf32, #tpu.memory_space<hbm>> -> memref<64x256xf32, #tpu.memory_space<hbm>>
    tpu.wait_dma2 semaphore(%arg17 : memref<!tpu.dma_semaphore, #tpu.memory_space<semaphore_mem>>) src(%arg9 : memref<64x256xf32, #tpu.memory_space<vmem>>) dst(%dma_wait3A_92 : memref<64x256xf32, #tpu.memory_space<hbm>>)
    return
  }
}

#map = affine_map<(d0, d1) -> (0, 0)>
#map1 = affine_map<(d0, d1) -> (0)>
module attributes {stable_mosaic.version = 14 : i64} {
  func.func @k(%arg0: i32, %arg1: i32, %arg2: memref<10000x128xf32, #tpu.memory_space<hbm>>, %arg3: memref<163840xi32, #tpu.memory_space<hbm>>, %arg4: memref<163840x128xf32, #tpu.memory_space<hbm>>, %arg5: memref<5120xi32, #tpu.memory_space<vmem>>, %arg6: memref<64x128xf32, #tpu.memory_space<vmem>>, %arg7: memref<64x128xf32, #tpu.memory_space<vmem>>, %arg8: memref<64x128xf32, #tpu.memory_space<vmem>>, %arg9: memref<64x128xf32, #tpu.memory_space<vmem>>, %arg10: memref<!tpu.dma_semaphore, #tpu.memory_space<semaphore_mem>>, %arg11: memref<!tpu.dma_semaphore, #tpu.memory_space<semaphore_mem>>, %arg12: memref<!tpu.dma_semaphore, #tpu.memory_space<semaphore_mem>>, %arg13: memref<!tpu.dma_semaphore, #tpu.memory_space<semaphore_mem>>, %arg14: memref<!tpu.dma_semaphore, #tpu.memory_space<semaphore_mem>>, %arg15: memref<!tpu.dma_semaphore, #tpu.memory_space<semaphore_mem>>, %arg16: memref<!tpu.dma_semaphore, #tpu.memory_space<semaphore_mem>>, %arg17: memref<!tpu.dma_semaphore, #tpu.memory_space<semaphore_mem>>) attributes {dimension_semantics = [#tpu.dimension_semantics<core_parallel>, #tpu.dimension_semantics<subcore_parallel>], iteration_bounds = array<i64: 2, 16>, scalar_prefetch = 0 : i64, scratch_operands = 13 : i64, tpu.core_type = #tpu.core_type<sc_vector_subcore>, window_params = [{transform_indices = #map}, {transform_indices = #map1}, {transform_indices = #map}]} {
    %mul3A = arith.constant 2 : i32
    %mul3A_0 = arith.muli %arg1, %mul3A : i32
    %add3A = arith.addi %mul3A_0, %arg0 : i32
    %mul3A_1 = arith.constant 5120 : i32
    %mul3A_2 = arith.muli %add3A, %mul3A_1 : i32
    "tpu.region"() ({
      %run_scoped3A = tpu.sem_alloc : memref<!tpu.dma_semaphore, #tpu.memory_space<semaphore_mem>>
      %dma_start3A_93 = tpu.memref_slice %arg3[%mul3A_2] : memref<163840xi32, #tpu.memory_space<hbm>> -> memref<5120xi32, #tpu.memory_space<hbm>>
      %dma_start3A_94 = tpu.memref_slice %arg3[%mul3A_2] : memref<163840xi32, #tpu.memory_space<hbm>> -> memref<5120xi32, #tpu.memory_space<hbm>>
      tpu.enqueue_dma source(%dma_start3A_94 : memref<5120xi32, #tpu.memory_space<hbm>>) target(%arg5 : memref<5120xi32, #tpu.memory_space<vmem>>) target_semaphore(%run_scoped3A : memref<!tpu.dma_semaphore, #tpu.memory_space<semaphore_mem>>)
      %dma_wait3A_95 = tpu.memref_slice %arg3[%mul3A_2] : memref<163840xi32, #tpu.memory_space<hbm>> -> memref<5120xi32, #tpu.memory_space<hbm>>
      %dma_wait3A_96 = tpu.memref_slice %arg3[%mul3A_2] : memref<163840xi32, #tpu.memory_space<hbm>> -> memref<5120xi32, #tpu.memory_space<hbm>>
      tpu.wait_dma2 semaphore(%run_scoped3A : memref<!tpu.dma_semaphore, #tpu.memory_space<semaphore_mem>>) src(%dma_wait3A_96 : memref<5120xi32, #tpu.memory_space<hbm>>) dst(%arg5 : memref<5120xi32, #tpu.memory_space<vmem>>)
      tpu.yield
    }) : () -> ()
    %dma_start3A = arith.constant 0 : i32
    %dma_start3A_3 = tpu.memref_slice %arg5[%dma_start3A] : memref<5120xi32, #tpu.memory_space<vmem>> -> memref<64xi32, #tpu.memory_space<vmem>>
    %dma_start3A_4 = arith.constant 0 : i32
    %dma_start3A_5 = arith.constant 0 : i32
    %dma_start3A_6 = tpu.memref_slice %arg2[%dma_start3A_4, %dma_start3A_5] : memref<10000x128xf32, #tpu.memory_space<hbm>> -> memref<10000x128xf32, #tpu.memory_space<hbm>>
    tpu.enqueue_indirect_dma source(%dma_start3A_6 : memref<10000x128xf32, #tpu.memory_space<hbm>>) target(%arg6 : memref<64x128xf32, #tpu.memory_space<vmem>>) offsets(%dma_start3A_3 : memref<64xi32, #tpu.memory_space<vmem>>) semaphore(%arg10 : memref<!tpu.dma_semaphore, #tpu.memory_space<semaphore_mem>>)
    %dma_start3A_7 = arith.constant 64 : i32
    %dma_start3A_8 = tpu.memref_slice %arg5[%dma_start3A_7] : memref<5120xi32, #tpu.memory_space<vmem>> -> memref<64xi32, #tpu.memory_space<vmem>>
    %dma_start3A_9 = arith.constant 0 : i32
    %dma_start3A_10 = arith.constant 0 : i32
    %dma_start3A_11 = tpu.memref_slice %arg2[%dma_start3A_9, %dma_start3A_10] : memref<10000x128xf32, #tpu.memory_space<hbm>> -> memref<10000x128xf32, #tpu.memory_space<hbm>>
    tpu.enqueue_indirect_dma source(%dma_start3A_11 : memref<10000x128xf32, #tpu.memory_space<hbm>>) target(%arg7 : memref<64x128xf32, #tpu.memory_space<vmem>>) offsets(%dma_start3A_8 : memref<64xi32, #tpu.memory_space<vmem>>) semaphore(%arg11 : memref<!tpu.dma_semaphore, #tpu.memory_space<semaphore_mem>>)
    %dma_start3A_12 = arith.constant 128 : i32
    %dma_start3A_13 = tpu.memref_slice %arg5[%dma_start3A_12] : memref<5120xi32, #tpu.memory_space<vmem>> -> memref<64xi32, #tpu.memory_space<vmem>>
    %dma_start3A_14 = arith.constant 0 : i32
    %dma_start3A_15 = arith.constant 0 : i32
    %dma_start3A_16 = tpu.memref_slice %arg2[%dma_start3A_14, %dma_start3A_15] : memref<10000x128xf32, #tpu.memory_space<hbm>> -> memref<10000x128xf32, #tpu.memory_space<hbm>>
    tpu.enqueue_indirect_dma source(%dma_start3A_16 : memref<10000x128xf32, #tpu.memory_space<hbm>>) target(%arg8 : memref<64x128xf32, #tpu.memory_space<vmem>>) offsets(%dma_start3A_13 : memref<64xi32, #tpu.memory_space<vmem>>) semaphore(%arg12 : memref<!tpu.dma_semaphore, #tpu.memory_space<semaphore_mem>>)
    %dma_start3A_17 = arith.constant 192 : i32
    %dma_start3A_18 = tpu.memref_slice %arg5[%dma_start3A_17] : memref<5120xi32, #tpu.memory_space<vmem>> -> memref<64xi32, #tpu.memory_space<vmem>>
    %dma_start3A_19 = arith.constant 0 : i32
    %dma_start3A_20 = arith.constant 0 : i32
    %dma_start3A_21 = tpu.memref_slice %arg2[%dma_start3A_19, %dma_start3A_20] : memref<10000x128xf32, #tpu.memory_space<hbm>> -> memref<10000x128xf32, #tpu.memory_space<hbm>>
    tpu.enqueue_indirect_dma source(%dma_start3A_21 : memref<10000x128xf32, #tpu.memory_space<hbm>>) target(%arg9 : memref<64x128xf32, #tpu.memory_space<vmem>>) offsets(%dma_start3A_18 : memref<64xi32, #tpu.memory_space<vmem>>) semaphore(%arg13 : memref<!tpu.dma_semaphore, #tpu.memory_space<semaphore_mem>>)
    %scan3A = arith.constant 0 : i32
    %scan3A_22 = arith.constant 19 : i32
    %scan3A_23 = arith.addi %scan3A, %scan3A_22 : i32
    %scan3A_24 = arith.constant 1 : i32
    scf.for %scan3A_93 = %scan3A to %scan3A_23 step %scan3A_24  : i32 {
      %mul3A_94 = arith.constant 1 : i32
      %mul3A_95 = arith.muli %scan3A_93, %mul3A_94 : i32
      %add3A_96 = arith.constant 0 : i32
      %add3A_97 = arith.addi %add3A_96, %mul3A_95 : i32
      %mul3A_98 = arith.constant 4 : i32
      %mul3A_99 = arith.muli %add3A_97, %mul3A_98 : i32
      %add3A_100 = arith.constant 0 : i32
      %add3A_101 = arith.addi %mul3A_99, %add3A_100 : i32
      %mul3A_102 = arith.constant 64 : i32
      %mul3A_103 = arith.muli %add3A_101, %mul3A_102 : i32
      %dma_wait3A_104 = tpu.memref_slice %arg5[%mul3A_103] : memref<5120xi32, #tpu.memory_space<vmem>> -> memref<64xi32, #tpu.memory_space<vmem>>
      %dma_wait3A_105 = arith.constant 0 : i32
      %dma_wait3A_106 = arith.constant 0 : i32
      %dma_wait3A_107 = tpu.memref_slice %arg2[%dma_wait3A_105, %dma_wait3A_106] : memref<10000x128xf32, #tpu.memory_space<hbm>> -> memref<10000x128xf32, #tpu.memory_space<hbm>>
      tpu.wait_indirect_dma semaphore(%arg10 : memref<!tpu.dma_semaphore, #tpu.memory_space<semaphore_mem>>) src(%dma_wait3A_107 : memref<10000x128xf32, #tpu.memory_space<hbm>>) dst(%arg6 : memref<64x128xf32, #tpu.memory_space<vmem>>)
      %add3A_108 = arith.constant 0 : i32
      %add3A_109 = arith.addi %mul3A_99, %add3A_108 : i32
      %mul3A_110 = arith.constant 64 : i32
      %mul3A_111 = arith.muli %add3A_109, %mul3A_110 : i32
      %add3A_112 = arith.addi %mul3A_2, %mul3A_111 : i32
      %dma_start3A_113 = arith.constant 0 : i32
      %dma_start3A_114 = tpu.memref_slice %arg4[%add3A_112, %dma_start3A_113] : memref<163840x128xf32, #tpu.memory_space<hbm>> -> memref<64x128xf32, #tpu.memory_space<hbm>>
      %dma_start3A_115 = arith.constant 0 : i32
      %dma_start3A_116 = tpu.memref_slice %arg4[%add3A_112, %dma_start3A_115] : memref<163840x128xf32, #tpu.memory_space<hbm>> -> memref<64x128xf32, #tpu.memory_space<hbm>>
      tpu.enqueue_dma source(%arg6 : memref<64x128xf32, #tpu.memory_space<vmem>>) target(%dma_start3A_116 : memref<64x128xf32, #tpu.memory_space<hbm>>) target_semaphore(%arg14 : memref<!tpu.dma_semaphore, #tpu.memory_space<semaphore_mem>>)
      %add3A_117 = arith.constant 1 : i32
      %add3A_118 = arith.addi %mul3A_99, %add3A_117 : i32
      %mul3A_119 = arith.constant 64 : i32
      %mul3A_120 = arith.muli %add3A_118, %mul3A_119 : i32
      %dma_wait3A_121 = tpu.memref_slice %arg5[%mul3A_120] : memref<5120xi32, #tpu.memory_space<vmem>> -> memref<64xi32, #tpu.memory_space<vmem>>
      %dma_wait3A_122 = arith.constant 0 : i32
      %dma_wait3A_123 = arith.constant 0 : i32
      %dma_wait3A_124 = tpu.memref_slice %arg2[%dma_wait3A_122, %dma_wait3A_123] : memref<10000x128xf32, #tpu.memory_space<hbm>> -> memref<10000x128xf32, #tpu.memory_space<hbm>>
      tpu.wait_indirect_dma semaphore(%arg11 : memref<!tpu.dma_semaphore, #tpu.memory_space<semaphore_mem>>) src(%dma_wait3A_124 : memref<10000x128xf32, #tpu.memory_space<hbm>>) dst(%arg7 : memref<64x128xf32, #tpu.memory_space<vmem>>)
      %add3A_125 = arith.constant 1 : i32
      %add3A_126 = arith.addi %mul3A_99, %add3A_125 : i32
      %mul3A_127 = arith.constant 64 : i32
      %mul3A_128 = arith.muli %add3A_126, %mul3A_127 : i32
      %add3A_129 = arith.addi %mul3A_2, %mul3A_128 : i32
      %dma_start3A_130 = arith.constant 0 : i32
      %dma_start3A_131 = tpu.memref_slice %arg4[%add3A_129, %dma_start3A_130] : memref<163840x128xf32, #tpu.memory_space<hbm>> -> memref<64x128xf32, #tpu.memory_space<hbm>>
      %dma_start3A_132 = arith.constant 0 : i32
      %dma_start3A_133 = tpu.memref_slice %arg4[%add3A_129, %dma_start3A_132] : memref<163840x128xf32, #tpu.memory_space<hbm>> -> memref<64x128xf32, #tpu.memory_space<hbm>>
      tpu.enqueue_dma source(%arg7 : memref<64x128xf32, #tpu.memory_space<vmem>>) target(%dma_start3A_133 : memref<64x128xf32, #tpu.memory_space<hbm>>) target_semaphore(%arg15 : memref<!tpu.dma_semaphore, #tpu.memory_space<semaphore_mem>>)
      %add3A_134 = arith.constant 2 : i32
      %add3A_135 = arith.addi %mul3A_99, %add3A_134 : i32
      %mul3A_136 = arith.constant 64 : i32
      %mul3A_137 = arith.muli %add3A_135, %mul3A_136 : i32
      %dma_wait3A_138 = tpu.memref_slice %arg5[%mul3A_137] : memref<5120xi32, #tpu.memory_space<vmem>> -> memref<64xi32, #tpu.memory_space<vmem>>
      %dma_wait3A_139 = arith.constant 0 : i32
      %dma_wait3A_140 = arith.constant 0 : i32
      %dma_wait3A_141 = tpu.memref_slice %arg2[%dma_wait3A_139, %dma_wait3A_140] : memref<10000x128xf32, #tpu.memory_space<hbm>> -> memref<10000x128xf32, #tpu.memory_space<hbm>>
      tpu.wait_indirect_dma semaphore(%arg12 : memref<!tpu.dma_semaphore, #tpu.memory_space<semaphore_mem>>) src(%dma_wait3A_141 : memref<10000x128xf32, #tpu.memory_space<hbm>>) dst(%arg8 : memref<64x128xf32, #tpu.memory_space<vmem>>)
      %add3A_142 = arith.constant 2 : i32
      %add3A_143 = arith.addi %mul3A_99, %add3A_142 : i32
      %mul3A_144 = arith.constant 64 : i32
      %mul3A_145 = arith.muli %add3A_143, %mul3A_144 : i32
      %add3A_146 = arith.addi %mul3A_2, %mul3A_145 : i32
      %dma_start3A_147 = arith.constant 0 : i32
      %dma_start3A_148 = tpu.memref_slice %arg4[%add3A_146, %dma_start3A_147] : memref<163840x128xf32, #tpu.memory_space<hbm>> -> memref<64x128xf32, #tpu.memory_space<hbm>>
      %dma_start3A_149 = arith.constant 0 : i32
      %dma_start3A_150 = tpu.memref_slice %arg4[%add3A_146, %dma_start3A_149] : memref<163840x128xf32, #tpu.memory_space<hbm>> -> memref<64x128xf32, #tpu.memory_space<hbm>>
      tpu.enqueue_dma source(%arg8 : memref<64x128xf32, #tpu.memory_space<vmem>>) target(%dma_start3A_150 : memref<64x128xf32, #tpu.memory_space<hbm>>) target_semaphore(%arg16 : memref<!tpu.dma_semaphore, #tpu.memory_space<semaphore_mem>>)
      %add3A_151 = arith.constant 3 : i32
      %add3A_152 = arith.addi %mul3A_99, %add3A_151 : i32
      %mul3A_153 = arith.constant 64 : i32
      %mul3A_154 = arith.muli %add3A_152, %mul3A_153 : i32
      %dma_wait3A_155 = tpu.memref_slice %arg5[%mul3A_154] : memref<5120xi32, #tpu.memory_space<vmem>> -> memref<64xi32, #tpu.memory_space<vmem>>
      %dma_wait3A_156 = arith.constant 0 : i32
      %dma_wait3A_157 = arith.constant 0 : i32
      %dma_wait3A_158 = tpu.memref_slice %arg2[%dma_wait3A_156, %dma_wait3A_157] : memref<10000x128xf32, #tpu.memory_space<hbm>> -> memref<10000x128xf32, #tpu.memory_space<hbm>>
      tpu.wait_indirect_dma semaphore(%arg13 : memref<!tpu.dma_semaphore, #tpu.memory_space<semaphore_mem>>) src(%dma_wait3A_158 : memref<10000x128xf32, #tpu.memory_space<hbm>>) dst(%arg9 : memref<64x128xf32, #tpu.memory_space<vmem>>)
      %add3A_159 = arith.constant 3 : i32
      %add3A_160 = arith.addi %mul3A_99, %add3A_159 : i32
      %mul3A_161 = arith.constant 64 : i32
      %mul3A_162 = arith.muli %add3A_160, %mul3A_161 : i32
      %add3A_163 = arith.addi %mul3A_2, %mul3A_162 : i32
      %dma_start3A_164 = arith.constant 0 : i32
      %dma_start3A_165 = tpu.memref_slice %arg4[%add3A_163, %dma_start3A_164] : memref<163840x128xf32, #tpu.memory_space<hbm>> -> memref<64x128xf32, #tpu.memory_space<hbm>>
      %dma_start3A_166 = arith.constant 0 : i32
      %dma_start3A_167 = tpu.memref_slice %arg4[%add3A_163, %dma_start3A_166] : memref<163840x128xf32, #tpu.memory_space<hbm>> -> memref<64x128xf32, #tpu.memory_space<hbm>>
      tpu.enqueue_dma source(%arg9 : memref<64x128xf32, #tpu.memory_space<vmem>>) target(%dma_start3A_167 : memref<64x128xf32, #tpu.memory_space<hbm>>) target_semaphore(%arg17 : memref<!tpu.dma_semaphore, #tpu.memory_space<semaphore_mem>>)
      %add3A_168 = arith.constant 0 : i32
      %add3A_169 = arith.addi %mul3A_99, %add3A_168 : i32
      %mul3A_170 = arith.constant 64 : i32
      %mul3A_171 = arith.muli %add3A_169, %mul3A_170 : i32
      %add3A_172 = arith.addi %mul3A_2, %mul3A_171 : i32
      %dma_wait3A_173 = arith.constant 0 : i32
      %dma_wait3A_174 = tpu.memref_slice %arg4[%add3A_172, %dma_wait3A_173] : memref<163840x128xf32, #tpu.memory_space<hbm>> -> memref<64x128xf32, #tpu.memory_space<hbm>>
      %dma_wait3A_175 = arith.constant 0 : i32
      %dma_wait3A_176 = tpu.memref_slice %arg4[%add3A_172, %dma_wait3A_175] : memref<163840x128xf32, #tpu.memory_space<hbm>> -> memref<64x128xf32, #tpu.memory_space<hbm>>
      tpu.wait_dma2 semaphore(%arg14 : memref<!tpu.dma_semaphore, #tpu.memory_space<semaphore_mem>>) src(%arg6 : memref<64x128xf32, #tpu.memory_space<vmem>>) dst(%dma_wait3A_176 : memref<64x128xf32, #tpu.memory_space<hbm>>)
      %add3A_177 = arith.constant 4 : i32
      %add3A_178 = arith.addi %mul3A_99, %add3A_177 : i32
      %add3A_179 = arith.constant 0 : i32
      %add3A_180 = arith.addi %add3A_178, %add3A_179 : i32
      %mul3A_181 = arith.constant 64 : i32
      %mul3A_182 = arith.muli %add3A_180, %mul3A_181 : i32
      %dma_start3A_183 = tpu.memref_slice %arg5[%mul3A_182] : memref<5120xi32, #tpu.memory_space<vmem>> -> memref<64xi32, #tpu.memory_space<vmem>>
      %dma_start3A_184 = arith.constant 0 : i32
      %dma_start3A_185 = arith.constant 0 : i32
      %dma_start3A_186 = tpu.memref_slice %arg2[%dma_start3A_184, %dma_start3A_185] : memref<10000x128xf32, #tpu.memory_space<hbm>> -> memref<10000x128xf32, #tpu.memory_space<hbm>>
      tpu.enqueue_indirect_dma source(%dma_start3A_186 : memref<10000x128xf32, #tpu.memory_space<hbm>>) target(%arg6 : memref<64x128xf32, #tpu.memory_space<vmem>>) offsets(%dma_start3A_183 : memref<64xi32, #tpu.memory_space<vmem>>) semaphore(%arg10 : memref<!tpu.dma_semaphore, #tpu.memory_space<semaphore_mem>>)
      %add3A_187 = arith.constant 1 : i32
      %add3A_188 = arith.addi %mul3A_99, %add3A_187 : i32
      %mul3A_189 = arith.constant 64 : i32
      %mul3A_190 = arith.muli %add3A_188, %mul3A_189 : i32
      %add3A_191 = arith.addi %mul3A_2, %mul3A_190 : i32
      %dma_wait3A_192 = arith.constant 0 : i32
      %dma_wait3A_193 = tpu.memref_slice %arg4[%add3A_191, %dma_wait3A_192] : memref<163840x128xf32, #tpu.memory_space<hbm>> -> memref<64x128xf32, #tpu.memory_space<hbm>>
      %dma_wait3A_194 = arith.constant 0 : i32
      %dma_wait3A_195 = tpu.memref_slice %arg4[%add3A_191, %dma_wait3A_194] : memref<163840x128xf32, #tpu.memory_space<hbm>> -> memref<64x128xf32, #tpu.memory_space<hbm>>
      tpu.wait_dma2 semaphore(%arg15 : memref<!tpu.dma_semaphore, #tpu.memory_space<semaphore_mem>>) src(%arg7 : memref<64x128xf32, #tpu.memory_space<vmem>>) dst(%dma_wait3A_195 : memref<64x128xf32, #tpu.memory_space<hbm>>)
      %add3A_196 = arith.constant 4 : i32
      %add3A_197 = arith.addi %mul3A_99, %add3A_196 : i32
      %add3A_198 = arith.constant 1 : i32
      %add3A_199 = arith.addi %add3A_197, %add3A_198 : i32
      %mul3A_200 = arith.constant 64 : i32
      %mul3A_201 = arith.muli %add3A_199, %mul3A_200 : i32
      %dma_start3A_202 = tpu.memref_slice %arg5[%mul3A_201] : memref<5120xi32, #tpu.memory_space<vmem>> -> memref<64xi32, #tpu.memory_space<vmem>>
      %dma_start3A_203 = arith.constant 0 : i32
      %dma_start3A_204 = arith.constant 0 : i32
      %dma_start3A_205 = tpu.memref_slice %arg2[%dma_start3A_203, %dma_start3A_204] : memref<10000x128xf32, #tpu.memory_space<hbm>> -> memref<10000x128xf32, #tpu.memory_space<hbm>>
      tpu.enqueue_indirect_dma source(%dma_start3A_205 : memref<10000x128xf32, #tpu.memory_space<hbm>>) target(%arg7 : memref<64x128xf32, #tpu.memory_space<vmem>>) offsets(%dma_start3A_202 : memref<64xi32, #tpu.memory_space<vmem>>) semaphore(%arg11 : memref<!tpu.dma_semaphore, #tpu.memory_space<semaphore_mem>>)
      %add3A_206 = arith.constant 2 : i32
      %add3A_207 = arith.addi %mul3A_99, %add3A_206 : i32
      %mul3A_208 = arith.constant 64 : i32
      %mul3A_209 = arith.muli %add3A_207, %mul3A_208 : i32
      %add3A_210 = arith.addi %mul3A_2, %mul3A_209 : i32
      %dma_wait3A_211 = arith.constant 0 : i32
      %dma_wait3A_212 = tpu.memref_slice %arg4[%add3A_210, %dma_wait3A_211] : memref<163840x128xf32, #tpu.memory_space<hbm>> -> memref<64x128xf32, #tpu.memory_space<hbm>>
      %dma_wait3A_213 = arith.constant 0 : i32
      %dma_wait3A_214 = tpu.memref_slice %arg4[%add3A_210, %dma_wait3A_213] : memref<163840x128xf32, #tpu.memory_space<hbm>> -> memref<64x128xf32, #tpu.memory_space<hbm>>
      tpu.wait_dma2 semaphore(%arg16 : memref<!tpu.dma_semaphore, #tpu.memory_space<semaphore_mem>>) src(%arg8 : memref<64x128xf32, #tpu.memory_space<vmem>>) dst(%dma_wait3A_214 : memref<64x128xf32, #tpu.memory_space<hbm>>)
      %add3A_215 = arith.constant 4 : i32
      %add3A_216 = arith.addi %mul3A_99, %add3A_215 : i32
      %add3A_217 = arith.constant 2 : i32
      %add3A_218 = arith.addi %add3A_216, %add3A_217 : i32
      %mul3A_219 = arith.constant 64 : i32
      %mul3A_220 = arith.muli %add3A_218, %mul3A_219 : i32
      %dma_start3A_221 = tpu.memref_slice %arg5[%mul3A_220] : memref<5120xi32, #tpu.memory_space<vmem>> -> memref<64xi32, #tpu.memory_space<vmem>>
      %dma_start3A_222 = arith.constant 0 : i32
      %dma_start3A_223 = arith.constant 0 : i32
      %dma_start3A_224 = tpu.memref_slice %arg2[%dma_start3A_222, %dma_start3A_223] : memref<10000x128xf32, #tpu.memory_space<hbm>> -> memref<10000x128xf32, #tpu.memory_space<hbm>>
      tpu.enqueue_indirect_dma source(%dma_start3A_224 : memref<10000x128xf32, #tpu.memory_space<hbm>>) target(%arg8 : memref<64x128xf32, #tpu.memory_space<vmem>>) offsets(%dma_start3A_221 : memref<64xi32, #tpu.memory_space<vmem>>) semaphore(%arg12 : memref<!tpu.dma_semaphore, #tpu.memory_space<semaphore_mem>>)
      %add3A_225 = arith.constant 3 : i32
      %add3A_226 = arith.addi %mul3A_99, %add3A_225 : i32
      %mul3A_227 = arith.constant 64 : i32
      %mul3A_228 = arith.muli %add3A_226, %mul3A_227 : i32
      %add3A_229 = arith.addi %mul3A_2, %mul3A_228 : i32
      %dma_wait3A_230 = arith.constant 0 : i32
      %dma_wait3A_231 = tpu.memref_slice %arg4[%add3A_229, %dma_wait3A_230] : memref<163840x128xf32, #tpu.memory_space<hbm>> -> memref<64x128xf32, #tpu.memory_space<hbm>>
      %dma_wait3A_232 = arith.constant 0 : i32
      %dma_wait3A_233 = tpu.memref_slice %arg4[%add3A_229, %dma_wait3A_232] : memref<163840x128xf32, #tpu.memory_space<hbm>> -> memref<64x128xf32, #tpu.memory_space<hbm>>
      tpu.wait_dma2 semaphore(%arg17 : memref<!tpu.dma_semaphore, #tpu.memory_space<semaphore_mem>>) src(%arg9 : memref<64x128xf32, #tpu.memory_space<vmem>>) dst(%dma_wait3A_233 : memref<64x128xf32, #tpu.memory_space<hbm>>)
      %add3A_234 = arith.constant 4 : i32
      %add3A_235 = arith.addi %mul3A_99, %add3A_234 : i32
      %add3A_236 = arith.constant 3 : i32
      %add3A_237 = arith.addi %add3A_235, %add3A_236 : i32
      %mul3A_238 = arith.constant 64 : i32
      %mul3A_239 = arith.muli %add3A_237, %mul3A_238 : i32
      %dma_start3A_240 = tpu.memref_slice %arg5[%mul3A_239] : memref<5120xi32, #tpu.memory_space<vmem>> -> memref<64xi32, #tpu.memory_space<vmem>>
      %dma_start3A_241 = arith.constant 0 : i32
      %dma_start3A_242 = arith.constant 0 : i32
      %dma_start3A_243 = tpu.memref_slice %arg2[%dma_start3A_241, %dma_start3A_242] : memref<10000x128xf32, #tpu.memory_space<hbm>> -> memref<10000x128xf32, #tpu.memory_space<hbm>>
      tpu.enqueue_indirect_dma source(%dma_start3A_243 : memref<10000x128xf32, #tpu.memory_space<hbm>>) target(%arg9 : memref<64x128xf32, #tpu.memory_space<vmem>>) offsets(%dma_start3A_240 : memref<64xi32, #tpu.memory_space<vmem>>) semaphore(%arg13 : memref<!tpu.dma_semaphore, #tpu.memory_space<semaphore_mem>>)
    }
    %scan3A_25 = arith.constant 19 : i32
    %dma_wait3A = arith.constant 4864 : i32
    %dma_wait3A_26 = tpu.memref_slice %arg5[%dma_wait3A] : memref<5120xi32, #tpu.memory_space<vmem>> -> memref<64xi32, #tpu.memory_space<vmem>>
    %dma_wait3A_27 = arith.constant 0 : i32
    %dma_wait3A_28 = arith.constant 0 : i32
    %dma_wait3A_29 = tpu.memref_slice %arg2[%dma_wait3A_27, %dma_wait3A_28] : memref<10000x128xf32, #tpu.memory_space<hbm>> -> memref<10000x128xf32, #tpu.memory_space<hbm>>
    tpu.wait_indirect_dma semaphore(%arg10 : memref<!tpu.dma_semaphore, #tpu.memory_space<semaphore_mem>>) src(%dma_wait3A_29 : memref<10000x128xf32, #tpu.memory_space<hbm>>) dst(%arg6 : memref<64x128xf32, #tpu.memory_space<vmem>>)
    %add3A_30 = arith.constant 4864 : i32
    %add3A_31 = arith.addi %mul3A_2, %add3A_30 : i32
    %dma_start3A_32 = arith.constant 0 : i32
    %dma_start3A_33 = tpu.memref_slice %arg4[%add3A_31, %dma_start3A_32] : memref<163840x128xf32, #tpu.memory_space<hbm>> -> memref<64x128xf32, #tpu.memory_space<hbm>>
    %dma_start3A_34 = arith.constant 0 : i32
    %dma_start3A_35 = tpu.memref_slice %arg4[%add3A_31, %dma_start3A_34] : memref<163840x128xf32, #tpu.memory_space<hbm>> -> memref<64x128xf32, #tpu.memory_space<hbm>>
    tpu.enqueue_dma source(%arg6 : memref<64x128xf32, #tpu.memory_space<vmem>>) target(%dma_start3A_35 : memref<64x128xf32, #tpu.memory_space<hbm>>) target_semaphore(%arg14 : memref<!tpu.dma_semaphore, #tpu.memory_space<semaphore_mem>>)
    %dma_wait3A_36 = arith.constant 4928 : i32
    %dma_wait3A_37 = tpu.memref_slice %arg5[%dma_wait3A_36] : memref<5120xi32, #tpu.memory_space<vmem>> -> memref<64xi32, #tpu.memory_space<vmem>>
    %dma_wait3A_38 = arith.constant 0 : i32
    %dma_wait3A_39 = arith.constant 0 : i32
    %dma_wait3A_40 = tpu.memref_slice %arg2[%dma_wait3A_38, %dma_wait3A_39] : memref<10000x128xf32, #tpu.memory_space<hbm>> -> memref<10000x128xf32, #tpu.memory_space<hbm>>
    tpu.wait_indirect_dma semaphore(%arg11 : memref<!tpu.dma_semaphore, #tpu.memory_space<semaphore_mem>>) src(%dma_wait3A_40 : memref<10000x128xf32, #tpu.memory_space<hbm>>) dst(%arg7 : memref<64x128xf32, #tpu.memory_space<vmem>>)
    %add3A_41 = arith.constant 4928 : i32
    %add3A_42 = arith.addi %mul3A_2, %add3A_41 : i32
    %dma_start3A_43 = arith.constant 0 : i32
    %dma_start3A_44 = tpu.memref_slice %arg4[%add3A_42, %dma_start3A_43] : memref<163840x128xf32, #tpu.memory_space<hbm>> -> memref<64x128xf32, #tpu.memory_space<hbm>>
    %dma_start3A_45 = arith.constant 0 : i32
    %dma_start3A_46 = tpu.memref_slice %arg4[%add3A_42, %dma_start3A_45] : memref<163840x128xf32, #tpu.memory_space<hbm>> -> memref<64x128xf32, #tpu.memory_space<hbm>>
    tpu.enqueue_dma source(%arg7 : memref<64x128xf32, #tpu.memory_space<vmem>>) target(%dma_start3A_46 : memref<64x128xf32, #tpu.memory_space<hbm>>) target_semaphore(%arg15 : memref<!tpu.dma_semaphore, #tpu.memory_space<semaphore_mem>>)
    %dma_wait3A_47 = arith.constant 4992 : i32
    %dma_wait3A_48 = tpu.memref_slice %arg5[%dma_wait3A_47] : memref<5120xi32, #tpu.memory_space<vmem>> -> memref<64xi32, #tpu.memory_space<vmem>>
    %dma_wait3A_49 = arith.constant 0 : i32
    %dma_wait3A_50 = arith.constant 0 : i32
    %dma_wait3A_51 = tpu.memref_slice %arg2[%dma_wait3A_49, %dma_wait3A_50] : memref<10000x128xf32, #tpu.memory_space<hbm>> -> memref<10000x128xf32, #tpu.memory_space<hbm>>
    tpu.wait_indirect_dma semaphore(%arg12 : memref<!tpu.dma_semaphore, #tpu.memory_space<semaphore_mem>>) src(%dma_wait3A_51 : memref<10000x128xf32, #tpu.memory_space<hbm>>) dst(%arg8 : memref<64x128xf32, #tpu.memory_space<vmem>>)
    %add3A_52 = arith.constant 4992 : i32
    %add3A_53 = arith.addi %mul3A_2, %add3A_52 : i32
    %dma_start3A_54 = arith.constant 0 : i32
    %dma_start3A_55 = tpu.memref_slice %arg4[%add3A_53, %dma_start3A_54] : memref<163840x128xf32, #tpu.memory_space<hbm>> -> memref<64x128xf32, #tpu.memory_space<hbm>>
    %dma_start3A_56 = arith.constant 0 : i32
    %dma_start3A_57 = tpu.memref_slice %arg4[%add3A_53, %dma_start3A_56] : memref<163840x128xf32, #tpu.memory_space<hbm>> -> memref<64x128xf32, #tpu.memory_space<hbm>>
    tpu.enqueue_dma source(%arg8 : memref<64x128xf32, #tpu.memory_space<vmem>>) target(%dma_start3A_57 : memref<64x128xf32, #tpu.memory_space<hbm>>) target_semaphore(%arg16 : memref<!tpu.dma_semaphore, #tpu.memory_space<semaphore_mem>>)
    %dma_wait3A_58 = arith.constant 5056 : i32
    %dma_wait3A_59 = tpu.memref_slice %arg5[%dma_wait3A_58] : memref<5120xi32, #tpu.memory_space<vmem>> -> memref<64xi32, #tpu.memory_space<vmem>>
    %dma_wait3A_60 = arith.constant 0 : i32
    %dma_wait3A_61 = arith.constant 0 : i32
    %dma_wait3A_62 = tpu.memref_slice %arg2[%dma_wait3A_60, %dma_wait3A_61] : memref<10000x128xf32, #tpu.memory_space<hbm>> -> memref<10000x128xf32, #tpu.memory_space<hbm>>
    tpu.wait_indirect_dma semaphore(%arg13 : memref<!tpu.dma_semaphore, #tpu.memory_space<semaphore_mem>>) src(%dma_wait3A_62 : memref<10000x128xf32, #tpu.memory_space<hbm>>) dst(%arg9 : memref<64x128xf32, #tpu.memory_space<vmem>>)
    %add3A_63 = arith.constant 5056 : i32
    %add3A_64 = arith.addi %mul3A_2, %add3A_63 : i32
    %dma_start3A_65 = arith.constant 0 : i32
    %dma_start3A_66 = tpu.memref_slice %arg4[%add3A_64, %dma_start3A_65] : memref<163840x128xf32, #tpu.memory_space<hbm>> -> memref<64x128xf32, #tpu.memory_space<hbm>>
    %dma_start3A_67 = arith.constant 0 : i32
    %dma_start3A_68 = tpu.memref_slice %arg4[%add3A_64, %dma_start3A_67] : memref<163840x128xf32, #tpu.memory_space<hbm>> -> memref<64x128xf32, #tpu.memory_space<hbm>>
    tpu.enqueue_dma source(%arg9 : memref<64x128xf32, #tpu.memory_space<vmem>>) target(%dma_start3A_68 : memref<64x128xf32, #tpu.memory_space<hbm>>) target_semaphore(%arg17 : memref<!tpu.dma_semaphore, #tpu.memory_space<semaphore_mem>>)
    %add3A_69 = arith.constant 4864 : i32
    %add3A_70 = arith.addi %mul3A_2, %add3A_69 : i32
    %dma_wait3A_71 = arith.constant 0 : i32
    %dma_wait3A_72 = tpu.memref_slice %arg4[%add3A_70, %dma_wait3A_71] : memref<163840x128xf32, #tpu.memory_space<hbm>> -> memref<64x128xf32, #tpu.memory_space<hbm>>
    %dma_wait3A_73 = arith.constant 0 : i32
    %dma_wait3A_74 = tpu.memref_slice %arg4[%add3A_70, %dma_wait3A_73] : memref<163840x128xf32, #tpu.memory_space<hbm>> -> memref<64x128xf32, #tpu.memory_space<hbm>>
    tpu.wait_dma2 semaphore(%arg14 : memref<!tpu.dma_semaphore, #tpu.memory_space<semaphore_mem>>) src(%arg6 : memref<64x128xf32, #tpu.memory_space<vmem>>) dst(%dma_wait3A_74 : memref<64x128xf32, #tpu.memory_space<hbm>>)
    %add3A_75 = arith.constant 4928 : i32
    %add3A_76 = arith.addi %mul3A_2, %add3A_75 : i32
    %dma_wait3A_77 = arith.constant 0 : i32
    %dma_wait3A_78 = tpu.memref_slice %arg4[%add3A_76, %dma_wait3A_77] : memref<163840x128xf32, #tpu.memory_space<hbm>> -> memref<64x128xf32, #tpu.memory_space<hbm>>
    %dma_wait3A_79 = arith.constant 0 : i32
    %dma_wait3A_80 = tpu.memref_slice %arg4[%add3A_76, %dma_wait3A_79] : memref<163840x128xf32, #tpu.memory_space<hbm>> -> memref<64x128xf32, #tpu.memory_space<hbm>>
    tpu.wait_dma2 semaphore(%arg15 : memref<!tpu.dma_semaphore, #tpu.memory_space<semaphore_mem>>) src(%arg7 : memref<64x128xf32, #tpu.memory_space<vmem>>) dst(%dma_wait3A_80 : memref<64x128xf32, #tpu.memory_space<hbm>>)
    %add3A_81 = arith.constant 4992 : i32
    %add3A_82 = arith.addi %mul3A_2, %add3A_81 : i32
    %dma_wait3A_83 = arith.constant 0 : i32
    %dma_wait3A_84 = tpu.memref_slice %arg4[%add3A_82, %dma_wait3A_83] : memref<163840x128xf32, #tpu.memory_space<hbm>> -> memref<64x128xf32, #tpu.memory_space<hbm>>
    %dma_wait3A_85 = arith.constant 0 : i32
    %dma_wait3A_86 = tpu.memref_slice %arg4[%add3A_82, %dma_wait3A_85] : memref<163840x128xf32, #tpu.memory_space<hbm>> -> memref<64x128xf32, #tpu.memory_space<hbm>>
    tpu.wait_dma2 semaphore(%arg16 : memref<!tpu.dma_semaphore, #tpu.memory_space<semaphore_mem>>) src(%arg8 : memref<64x128xf32, #tpu.memory_space<vmem>>) dst(%dma_wait3A_86 : memref<64x128xf32, #tpu.memory_space<hbm>>)
    %add3A_87 = arith.constant 5056 : i32
    %add3A_88 = arith.addi %mul3A_2, %add3A_87 : i32
    %dma_wait3A_89 = arith.constant 0 : i32
    %dma_wait3A_90 = tpu.memref_slice %arg4[%add3A_88, %dma_wait3A_89] : memref<163840x128xf32, #tpu.memory_space<hbm>> -> memref<64x128xf32, #tpu.memory_space<hbm>>
    %dma_wait3A_91 = arith.constant 0 : i32
    %dma_wait3A_92 = tpu.memref_slice %arg4[%add3A_88, %dma_wait3A_91] : memref<163840x128xf32, #tpu.memory_space<hbm>> -> memref<64x128xf32, #tpu.memory_space<hbm>>
    tpu.wait_dma2 semaphore(%arg17 : memref<!tpu.dma_semaphore, #tpu.memory_space<semaphore_mem>>) src(%arg9 : memref<64x128xf32, #tpu.memory_space<vmem>>) dst(%dma_wait3A_92 : memref<64x128xf32, #tpu.memory_space<hbm>>)
    return
  }
}

module attributes {stable_mosaic.version = 14 : i64} {
  func.func @_proj_body(%arg0: memref<10000x128xf32, #tpu.memory_space<vmem>>, %arg1: memref<128x128xbf16, #tpu.memory_space<vmem>>, %arg2: memref<10000x128xf32, #tpu.memory_space<vmem>>) attributes {dimension_semantics = [], scalar_prefetch = 0 : i64, scratch_operands = 0 : i64, tpu.core_type = #tpu.core_type<tc>} {
    %get3A = arith.constant 0 : index
    %get3A_0 = arith.constant 0 : index
    %get3A_1 = vector.load %arg0[%get3A, %get3A_0] : memref<10000x128xf32, #tpu.memory_space<vmem>>, vector<10000x128xf32>
    %convert_element_type3A = arith.truncf %get3A_1 : vector<10000x128xf32> to vector<10000x128xbf16>
    %get3A_2 = arith.constant 0 : index
    %get3A_3 = arith.constant 0 : index
    %get3A_4 = vector.load %arg1[%get3A_2, %get3A_3] : memref<128x128xbf16, #tpu.memory_space<vmem>>, vector<128x128xbf16>
    %dot_general3A = arith.constant dense<0.000000e+00> : vector<10000x128xf32>
    %dot_general3A_5 = tpu.matmul %convert_element_type3A, %get3A_4, %dot_general3A {dimension_numbers = #tpu.dot_dimension_numbers<[1], [0], [0], [1], [0, 0, 1, 1], [], []>, transpose_lhs_hint = false} : vector<10000x128xbf16>, vector<128x128xbf16>, vector<10000x128xf32> -> vector<10000x128xf32>
    %swap3A = arith.constant 0 : index
    %swap3A_6 = arith.constant 0 : index
    %swap3A_7 = vector.load %arg2[%swap3A, %swap3A_6] : memref<10000x128xf32, #tpu.memory_space<vmem>>, vector<10000x128xf32>
    tpu.vector_store %arg2[%swap3A, %swap3A_6], %dot_general3A_5 {strides = array<i32>} : memref<10000x128xf32, #tpu.memory_space<vmem>>, vector<10000x128xf32>,
    return
  }
}

module attributes {stable_mosaic.version = 14 : i64} {
  func.func @_pass1_body(%arg0: i32, %arg1: memref<400x128xf32, #tpu.memory_space<vmem>>, %arg2: memref<6400x128xbf16, #tpu.memory_space<vmem>>, %arg3: memref<6400x128xf32, #tpu.memory_space<vmem>>, %arg4: memref<6400x1xf32, #tpu.memory_space<vmem>>, %arg5: memref<400x1xf32, #tpu.memory_space<vmem>>, %arg6: memref<128x128xbf16, #tpu.memory_space<vmem>>, %arg7: memref<128x128xbf16, #tpu.memory_space<vmem>>, %arg8: memref<1x128xf32, #tpu.memory_space<vmem>>, %arg9: memref<128x128xbf16, #tpu.memory_space<vmem>>, %arg10: memref<1x128xbf16, #tpu.memory_space<vmem>>, %arg11: memref<128x128xbf16, #tpu.memory_space<vmem>>, %arg12: memref<1x128xf32, #tpu.memory_space<vmem>>, %arg13: memref<1x128xf32, #tpu.memory_space<vmem>>, %arg14: memref<1x128xf32, #tpu.memory_space<vmem>>, %arg15: memref<128x512xbf16, #tpu.memory_space<vmem>>, %arg16: memref<1x512xbf16, #tpu.memory_space<vmem>>, %arg17: memref<512x128xbf16, #tpu.memory_space<vmem>>, %arg18: memref<1x128xf32, #tpu.memory_space<vmem>>, %arg19: memref<1x128xf32, #tpu.memory_space<vmem>>, %arg20: memref<1x128xf32, #tpu.memory_space<vmem>>, %arg21: memref<128x256xbf16, #tpu.memory_space<vmem>>, %arg22: memref<400x128xf32, #tpu.memory_space<vmem>>, %arg23: memref<400x256xf32, #tpu.memory_space<vmem>>) attributes {dimension_semantics = [#tpu.dimension_semantics<arbitrary>], iteration_bounds = array<i64: 25>, scalar_prefetch = 0 : i64, scratch_operands = 0 : i64, tpu.core_type = #tpu.core_type<tc>, window_params = [{transform_indices = @transform_0, window_bounds = array<i64: 400, 128>}, {transform_indices = @transform_1, window_bounds = array<i64: 6400, 128>}, {transform_indices = @transform_2, window_bounds = array<i64: 6400, 128>}, {transform_indices = @transform_3, window_bounds = array<i64: 6400, 1>}, {transform_indices = @transform_4, window_bounds = array<i64: 400, 1>}, {pipeline_mode = #tpu.pipeline_mode<synchronous>, transform_indices = @transform_5, window_bounds = array<i64: 128, 128>}, {pipeline_mode = #tpu.pipeline_mode<synchronous>, transform_indices = @transform_6, window_bounds = array<i64: 128, 128>}, {pipeline_mode = #tpu.pipeline_mode<synchronous>, transform_indices = @transform_7, window_bounds = array<i64: 1, 128>}, {pipeline_mode = #tpu.pipeline_mode<synchronous>, transform_indices = @transform_8, window_bounds = array<i64: 128, 128>}, {pipeline_mode = #tpu.pipeline_mode<synchronous>, transform_indices = @transform_9, window_bounds = array<i64: 1, 128>}, {pipeline_mode = #tpu.pipeline_mode<synchronous>, transform_indices = @transform_10, window_bounds = array<i64: 128, 128>}, {pipeline_mode = #tpu.pipeline_mode<synchronous>, transform_indices = @transform_11, window_bounds = array<i64: 1, 128>}, {pipeline_mode = #tpu.pipeline_mode<synchronous>, transform_indices = @transform_12, window_bounds = array<i64: 1, 128>}, {pipeline_mode = #tpu.pipeline_mode<synchronous>, transform_indices = @transform_13, window_bounds = array<i64: 1, 128>}, {pipeline_mode = #tpu.pipeline_mode<synchronous>, transform_indices = @transform_14, window_bounds = array<i64: 128, 512>}, {pipeline_mode = #tpu.pipeline_mode<synchronous>, transform_indices = @transform_15, window_bounds = array<i64: 1, 512>}, {pipeline_mode = #tpu.pipeline_mode<synchronous>, transform_indices = @transform_16, window_bounds = array<i64: 512, 128>}, {pipeline_mode = #tpu.pipeline_mode<synchronous>, transform_indices = @transform_17, window_bounds = array<i64: 1, 128>}, {pipeline_mode = #tpu.pipeline_mode<synchronous>, transform_indices = @transform_18, window_bounds = array<i64: 1, 128>}, {pipeline_mode = #tpu.pipeline_mode<synchronous>, transform_indices = @transform_19, window_bounds = array<i64: 1, 128>}, {pipeline_mode = #tpu.pipeline_mode<synchronous>, transform_indices = @transform_20, window_bounds = array<i64: 128, 256>}, {transform_indices = @transform_21, window_bounds = array<i64: 400, 128>}, {transform_indices = @transform_22, window_bounds = array<i64: 400, 256>}]} {
    %get3A = arith.constant 0 : index
    %get3A_0 = arith.constant 0 : index
    %get3A_1 = vector.load %arg1[%get3A, %get3A_0] : memref<400x128xf32, #tpu.memory_space<vmem>>, vector<400x128xf32>
    %get3A_2 = arith.constant 0 : index
    %get3A_3 = arith.constant 0 : index
    %get3A_4 = vector.load %arg2[%get3A_2, %get3A_3] : memref<6400x128xbf16, #tpu.memory_space<vmem>>, vector<6400x128xbf16>
    %get3A_5 = arith.constant 0 : index
    %get3A_6 = arith.constant 0 : index
    %get3A_7 = vector.load %arg6[%get3A_5, %get3A_6] : memref<128x128xbf16, #tpu.memory_space<vmem>>, vector<128x128xbf16>
    %convert_element_type3A = arith.truncf %get3A_1 : vector<400x128xf32> to vector<400x128xbf16>
    %dot_general3A = arith.constant dense<0.000000e+00> : vector<400x128xf32>
    %dot_general3A_8 = tpu.matmul %convert_element_type3A, %get3A_7, %dot_general3A {dimension_numbers = #tpu.dot_dimension_numbers<[1], [0], [0], [1], [0, 0, 1, 1], [], []>, transpose_lhs_hint = false} : vector<400x128xbf16>, vector<128x128xbf16>, vector<400x128xf32> -> vector<400x128xf32>
    %get3A_9 = arith.constant 0 : index
    %get3A_10 = arith.constant 0 : index
    %get3A_11 = vector.load %arg8[%get3A_9, %get3A_10] : memref<1x128xf32, #tpu.memory_space<vmem>>, vector<1x128xf32>
    %add3A = vector.broadcast %get3A_11 : vector<1x128xf32> to vector<400x128xf32>
    %add3A_12 = arith.addf %dot_general3A_8, %add3A : vector<400x128xf32>
    %get3A_13 = arith.constant 0 : index
    %get3A_14 = arith.constant 0 : index
    %get3A_15 = vector.load %arg7[%get3A_13, %get3A_14] : memref<128x128xbf16, #tpu.memory_space<vmem>>, vector<128x128xbf16>
    %dot_general3A_16 = arith.constant dense<0.000000e+00> : vector<6400x128xf32>
    %dot_general3A_17 = tpu.matmul %get3A_4, %get3A_15, %dot_general3A_16 {dimension_numbers = #tpu.dot_dimension_numbers<[1], [0], [0], [1], [0, 0, 1, 1], [], []>, transpose_lhs_hint = false} : vector<6400x128xbf16>, vector<128x128xbf16>, vector<6400x128xf32> -> vector<6400x128xf32>
    %get3A_18 = arith.constant 0 : index
    %get3A_19 = arith.constant 0 : index
    %get3A_20 = vector.load %arg3[%get3A_18, %get3A_19] : memref<6400x128xf32, #tpu.memory_space<vmem>>, vector<6400x128xf32>
    %add3A_21 = arith.addf %dot_general3A_17, %get3A_20 : vector<6400x128xf32>
    %reshape3A = vector.shape_cast %add3A_21 : vector<6400x128xf32> to vector<400x16x128xf32>
    %broadcast_in_dim3A = vector.shape_cast %add3A_12 : vector<400x128xf32> to vector<400x1x128xf32>
    %add3A_22 = vector.broadcast %broadcast_in_dim3A : vector<400x1x128xf32> to vector<400x16x128xf32>
    %add3A_23 = arith.addf %reshape3A, %add3A_22 : vector<400x16x128xf32>
    %convert_element_type3A_24 = arith.truncf %add3A_23 : vector<400x16x128xf32> to vector<400x16x128xbf16>
    %integer_pow3A = arith.mulf %convert_element_type3A_24, %convert_element_type3A_24 : vector<400x16x128xbf16>
    %integer_pow3A_25 = arith.mulf %convert_element_type3A_24, %integer_pow3A : vector<400x16x128xbf16>
    %mul3A = arith.constant 4.467770e-02 : bf16
    %mul3A_26 = vector.broadcast %mul3A : bf16 to vector<400x16x128xbf16>
    %mul3A_27 = arith.mulf %mul3A_26, %integer_pow3A_25 : vector<400x16x128xbf16>
    %add3A_28 = arith.addf %convert_element_type3A_24, %mul3A_27 : vector<400x16x128xbf16>
    %mul3A_29 = arith.constant 7.968750e-01 : bf16
    %mul3A_30 = vector.broadcast %mul3A_29 : bf16 to vector<400x16x128xbf16>
    %mul3A_31 = arith.mulf %mul3A_30, %add3A_28 : vector<400x16x128xbf16>
    %tanh3A = math.tanh %mul3A_31 : vector<400x16x128xbf16>
    %add3A_32 = arith.constant 1.000000e+00 : bf16
    %add3A_33 = vector.broadcast %add3A_32 : bf16 to vector<400x16x128xbf16>
    %add3A_34 = arith.addf %add3A_33, %tanh3A : vector<400x16x128xbf16>
    %mul3A_35 = arith.constant 5.000000e-01 : bf16
    %mul3A_36 = vector.broadcast %mul3A_35 : bf16 to vector<400x16x128xbf16>
    %mul3A_37 = arith.mulf %mul3A_36, %add3A_34 : vector<400x16x128xbf16>
    %mul3A_38 = arith.mulf %convert_element_type3A_24, %mul3A_37 : vector<400x16x128xbf16>
    %reshape3A_39 = vector.shape_cast %mul3A_38 : vector<400x16x128xbf16> to vector<6400x128xbf16>
    %get3A_40 = arith.constant 0 : index
    %get3A_41 = arith.constant 0 : index
    %get3A_42 = vector.load %arg9[%get3A_40, %get3A_41] : memref<128x128xbf16, #tpu.memory_space<vmem>>, vector<128x128xbf16>
    %dot_general3A_43 = arith.constant dense<0.000000e+00> : vector<6400x128xf32>
    %dot_general3A_44 = tpu.matmul %reshape3A_39, %get3A_42, %dot_general3A_43 {dimension_numbers = #tpu.dot_dimension_numbers<[1], [0], [0], [1], [0, 0, 1, 1], [], []>, transpose_lhs_hint = false} : vector<6400x128xbf16>, vector<128x128xbf16>, vector<6400x128xf32> -> vector<6400x128xf32>
    %convert_element_type3A_45 = arith.truncf %dot_general3A_44 : vector<6400x128xf32> to vector<6400x128xbf16>
    %get3A_46 = arith.constant 0 : index
    %get3A_47 = arith.constant 0 : index
    %get3A_48 = vector.load %arg10[%get3A_46, %get3A_47] : memref<1x128xbf16, #tpu.memory_space<vmem>>, vector<1x128xbf16>
    %add3A_49 = vector.broadcast %get3A_48 : vector<1x128xbf16> to vector<6400x128xbf16>
    %add3A_50 = arith.addf %convert_element_type3A_45, %add3A_49 : vector<6400x128xbf16>
    %integer_pow3A_51 = arith.mulf %add3A_50, %add3A_50 : vector<6400x128xbf16>
    %integer_pow3A_52 = arith.mulf %add3A_50, %integer_pow3A_51 : vector<6400x128xbf16>
    %mul3A_53 = arith.constant 4.467770e-02 : bf16
    %mul3A_54 = vector.broadcast %mul3A_53 : bf16 to vector<6400x128xbf16>
    %mul3A_55 = arith.mulf %mul3A_54, %integer_pow3A_52 : vector<6400x128xbf16>
    %add3A_56 = arith.addf %add3A_50, %mul3A_55 : vector<6400x128xbf16>
    %mul3A_57 = arith.constant 7.968750e-01 : bf16
    %mul3A_58 = vector.broadcast %mul3A_57 : bf16 to vector<6400x128xbf16>
    %mul3A_59 = arith.mulf %mul3A_58, %add3A_56 : vector<6400x128xbf16>
    %tanh3A_60 = math.tanh %mul3A_59 : vector<6400x128xbf16>
    %add3A_61 = arith.constant 1.000000e+00 : bf16
    %add3A_62 = vector.broadcast %add3A_61 : bf16 to vector<6400x128xbf16>
    %add3A_63 = arith.addf %add3A_62, %tanh3A_60 : vector<6400x128xbf16>
    %mul3A_64 = arith.constant 5.000000e-01 : bf16
    %mul3A_65 = vector.broadcast %mul3A_64 : bf16 to vector<6400x128xbf16>
    %mul3A_66 = arith.mulf %mul3A_65, %add3A_63 : vector<6400x128xbf16>
    %mul3A_67 = arith.mulf %add3A_50, %mul3A_66 : vector<6400x128xbf16>
    %get3A_68 = arith.constant 0 : index
    %get3A_69 = arith.constant 0 : index
    %get3A_70 = vector.load %arg11[%get3A_68, %get3A_69] : memref<128x128xbf16, #tpu.memory_space<vmem>>, vector<128x128xbf16>
    %dot_general3A_71 = arith.constant dense<0.000000e+00> : vector<6400x128xf32>
    %dot_general3A_72 = tpu.matmul %mul3A_67, %get3A_70, %dot_general3A_71 {dimension_numbers = #tpu.dot_dimension_numbers<[1], [0], [0], [1], [0, 0, 1, 1], [], []>, transpose_lhs_hint = false} : vector<6400x128xbf16>, vector<128x128xbf16>, vector<6400x128xf32> -> vector<6400x128xf32>
    %get3A_73 = arith.constant 0 : index
    %get3A_74 = arith.constant 0 : index
    %get3A_75 = vector.load %arg12[%get3A_73, %get3A_74] : memref<1x128xf32, #tpu.memory_space<vmem>>, vector<1x128xf32>
    %add3A_76 = vector.broadcast %get3A_75 : vector<1x128xf32> to vector<6400x128xf32>
    %add3A_77 = arith.addf %dot_general3A_72, %add3A_76 : vector<6400x128xf32>
    %get3A_78 = arith.constant 0 : index
    %get3A_79 = arith.constant 0 : index
    %get3A_80 = vector.load %arg4[%get3A_78, %get3A_79] : memref<6400x1xf32, #tpu.memory_space<vmem>>, vector<6400x1xf32>
    %mul3A_81 = vector.broadcast %get3A_80 : vector<6400x1xf32> to vector<6400x128xf32>
    %mul3A_82 = arith.mulf %add3A_77, %mul3A_81 : vector<6400x128xf32>
    %reshape3A_83 = vector.shape_cast %mul3A_82 : vector<6400x128xf32> to vector<400x16x128xf32>
    %reduce_sum3A = arith.constant dense<0.000000e+00> : vector<400x128xf32>
    %reduce_sum3A_84 = vector.multi_reduction <add>, %reshape3A_83, %reduce_sum3A [1] : vector<400x16x128xf32> to vector<400x128xf32>
    %mul3A_85 = arith.constant 0.0333333351 : f32
    %mul3A_86 = vector.broadcast %mul3A_85 : f32 to vector<400x128xf32>
    %mul3A_87 = arith.mulf %reduce_sum3A_84, %mul3A_86 : vector<400x128xf32>
    %add3A_88 = arith.addf %get3A_1, %mul3A_87 : vector<400x128xf32>
    %get3A_89 = arith.constant 0 : index
    %get3A_90 = arith.constant 0 : index
    %get3A_91 = vector.load %arg13[%get3A_89, %get3A_90] : memref<1x128xf32, #tpu.memory_space<vmem>>, vector<1x128xf32>
    %get3A_92 = arith.constant 0 : index
    %get3A_93 = arith.constant 0 : index
    %get3A_94 = vector.load %arg14[%get3A_92, %get3A_93] : memref<1x128xf32, #tpu.memory_space<vmem>>, vector<1x128xf32>
    %reduce_sum3A_95 = arith.constant dense<0.000000e+00> : vector<400xf32>
    %reduce_sum3A_96 = vector.multi_reduction <add>, %add3A_88, %reduce_sum3A_95 [1] : vector<400x128xf32> to vector<400xf32>
    %broadcast_in_dim3A_97 = vector.shape_cast %reduce_sum3A_96 : vector<400xf32> to vector<400x1xf32>
    %div3A = arith.constant 1.280000e+02 : f32
    %div3A_98 = vector.broadcast %div3A : f32 to vector<400x1xf32>
    %div3A_99 = arith.divf %broadcast_in_dim3A_97, %div3A_98 : vector<400x1xf32>
    %sub3A = vector.broadcast %div3A_99 : vector<400x1xf32> to vector<400x128xf32>
    %sub3A_100 = arith.subf %add3A_88, %sub3A : vector<400x128xf32>
    %mul3A_101 = arith.mulf %sub3A_100, %sub3A_100 : vector<400x128xf32>
    %reduce_sum3A_102 = arith.constant dense<0.000000e+00> : vector<400xf32>
    %reduce_sum3A_103 = vector.multi_reduction <add>, %mul3A_101, %reduce_sum3A_102 [1] : vector<400x128xf32> to vector<400xf32>
    %broadcast_in_dim3A_104 = vector.shape_cast %reduce_sum3A_103 : vector<400xf32> to vector<400x1xf32>
    %div3A_105 = arith.constant 1.280000e+02 : f32
    %div3A_106 = vector.broadcast %div3A_105 : f32 to vector<400x1xf32>
    %div3A_107 = arith.divf %broadcast_in_dim3A_104, %div3A_106 : vector<400x1xf32>
    %add3A_108 = arith.constant 9.99999974E-6 : f32
    %add3A_109 = vector.broadcast %add3A_108 : f32 to vector<400x1xf32>
    %add3A_110 = arith.addf %div3A_107, %add3A_109 : vector<400x1xf32>
    %rsqrt3A = math.rsqrt %add3A_110 : vector<400x1xf32>
    %mul3A_111 = vector.broadcast %rsqrt3A : vector<400x1xf32> to vector<400x128xf32>
    %mul3A_112 = vector.broadcast %get3A_91 : vector<1x128xf32> to vector<400x128xf32>
    %mul3A_113 = arith.mulf %mul3A_111, %mul3A_112 : vector<400x128xf32>
    %mul3A_114 = arith.mulf %sub3A_100, %mul3A_113 : vector<400x128xf32>
    %add3A_115 = vector.broadcast %get3A_94 : vector<1x128xf32> to vector<400x128xf32>
    %add3A_116 = arith.addf %mul3A_114, %add3A_115 : vector<400x128xf32>
    %get3A_117 = arith.constant 0 : index
    %get3A_118 = arith.constant 0 : index
    %get3A_119 = vector.load %arg15[%get3A_117, %get3A_118] : memref<128x512xbf16, #tpu.memory_space<vmem>>, vector<128x512xbf16>
    %convert_element_type3A_120 = arith.truncf %add3A_116 : vector<400x128xf32> to vector<400x128xbf16>
    %dot_general3A_121 = arith.constant dense<0.000000e+00> : vector<400x512xf32>
    %dot_general3A_122 = tpu.matmul %convert_element_type3A_120, %get3A_119, %dot_general3A_121 {dimension_numbers = #tpu.dot_dimension_numbers<[1], [0], [0], [1], [0, 0, 1, 1], [], []>, transpose_lhs_hint = false} : vector<400x128xbf16>, vector<128x512xbf16>, vector<400x512xf32> -> vector<400x512xf32>
    %convert_element_type3A_123 = arith.truncf %dot_general3A_122 : vector<400x512xf32> to vector<400x512xbf16>
    %get3A_124 = arith.constant 0 : index
    %get3A_125 = arith.constant 0 : index
    %get3A_126 = vector.load %arg16[%get3A_124, %get3A_125] : memref<1x512xbf16, #tpu.memory_space<vmem>>, vector<1x512xbf16>
    %add3A_127 = vector.broadcast %get3A_126 : vector<1x512xbf16> to vector<400x512xbf16>
    %add3A_128 = arith.addf %convert_element_type3A_123, %add3A_127 : vector<400x512xbf16>
    %integer_pow3A_129 = arith.mulf %add3A_128, %add3A_128 : vector<400x512xbf16>
    %integer_pow3A_130 = arith.mulf %add3A_128, %integer_pow3A_129 : vector<400x512xbf16>
    %mul3A_131 = arith.constant 4.467770e-02 : bf16
    %mul3A_132 = vector.broadcast %mul3A_131 : bf16 to vector<400x512xbf16>
    %mul3A_133 = arith.mulf %mul3A_132, %integer_pow3A_130 : vector<400x512xbf16>
    %add3A_134 = arith.addf %add3A_128, %mul3A_133 : vector<400x512xbf16>
    %mul3A_135 = arith.constant 7.968750e-01 : bf16
    %mul3A_136 = vector.broadcast %mul3A_135 : bf16 to vector<400x512xbf16>
    %mul3A_137 = arith.mulf %mul3A_136, %add3A_134 : vector<400x512xbf16>
    %tanh3A_138 = math.tanh %mul3A_137 : vector<400x512xbf16>
    %add3A_139 = arith.constant 1.000000e+00 : bf16
    %add3A_140 = vector.broadcast %add3A_139 : bf16 to vector<400x512xbf16>
    %add3A_141 = arith.addf %add3A_140, %tanh3A_138 : vector<400x512xbf16>
    %mul3A_142 = arith.constant 5.000000e-01 : bf16
    %mul3A_143 = vector.broadcast %mul3A_142 : bf16 to vector<400x512xbf16>
    %mul3A_144 = arith.mulf %mul3A_143, %add3A_141 : vector<400x512xbf16>
    %mul3A_145 = arith.mulf %add3A_128, %mul3A_144 : vector<400x512xbf16>
    %get3A_146 = arith.constant 0 : index
    %get3A_147 = arith.constant 0 : index
    %get3A_148 = vector.load %arg17[%get3A_146, %get3A_147] : memref<512x128xbf16, #tpu.memory_space<vmem>>, vector<512x128xbf16>
    %dot_general3A_149 = arith.constant dense<0.000000e+00> : vector<400x128xf32>
    %dot_general3A_150 = tpu.matmul %mul3A_145, %get3A_148, %dot_general3A_149 {dimension_numbers = #tpu.dot_dimension_numbers<[1], [0], [0], [1], [0, 0, 1, 1], [], []>, transpose_lhs_hint = false} : vector<400x512xbf16>, vector<512x128xbf16>, vector<400x128xf32> -> vector<400x128xf32>
    %get3A_151 = arith.constant 0 : index
    %get3A_152 = arith.constant 0 : index
    %get3A_153 = vector.load %arg18[%get3A_151, %get3A_152] : memref<1x128xf32, #tpu.memory_space<vmem>>, vector<1x128xf32>
    %add3A_154 = vector.broadcast %get3A_153 : vector<1x128xf32> to vector<400x128xf32>
    %add3A_155 = arith.addf %dot_general3A_150, %add3A_154 : vector<400x128xf32>
    %add3A_156 = arith.addf %add3A_116, %add3A_155 : vector<400x128xf32>
    %get3A_157 = arith.constant 0 : index
    %get3A_158 = arith.constant 0 : index
    %get3A_159 = vector.load %arg19[%get3A_157, %get3A_158] : memref<1x128xf32, #tpu.memory_space<vmem>>, vector<1x128xf32>
    %get3A_160 = arith.constant 0 : index
    %get3A_161 = arith.constant 0 : index
    %get3A_162 = vector.load %arg20[%get3A_160, %get3A_161] : memref<1x128xf32, #tpu.memory_space<vmem>>, vector<1x128xf32>
    %reduce_sum3A_163 = arith.constant dense<0.000000e+00> : vector<400xf32>
    %reduce_sum3A_164 = vector.multi_reduction <add>, %add3A_156, %reduce_sum3A_163 [1] : vector<400x128xf32> to vector<400xf32>
    %broadcast_in_dim3A_165 = vector.shape_cast %reduce_sum3A_164 : vector<400xf32> to vector<400x1xf32>
    %div3A_166 = arith.constant 1.280000e+02 : f32
    %div3A_167 = vector.broadcast %div3A_166 : f32 to vector<400x1xf32>
    %div3A_168 = arith.divf %broadcast_in_dim3A_165, %div3A_167 : vector<400x1xf32>
    %sub3A_169 = vector.broadcast %div3A_168 : vector<400x1xf32> to vector<400x128xf32>
    %sub3A_170 = arith.subf %add3A_156, %sub3A_169 : vector<400x128xf32>
    %mul3A_171 = arith.mulf %sub3A_170, %sub3A_170 : vector<400x128xf32>
    %reduce_sum3A_172 = arith.constant dense<0.000000e+00> : vector<400xf32>
    %reduce_sum3A_173 = vector.multi_reduction <add>, %mul3A_171, %reduce_sum3A_172 [1] : vector<400x128xf32> to vector<400xf32>
    %broadcast_in_dim3A_174 = vector.shape_cast %reduce_sum3A_173 : vector<400xf32> to vector<400x1xf32>
    %div3A_175 = arith.constant 1.280000e+02 : f32
    %div3A_176 = vector.broadcast %div3A_175 : f32 to vector<400x1xf32>
    %div3A_177 = arith.divf %broadcast_in_dim3A_174, %div3A_176 : vector<400x1xf32>
    %add3A_178 = arith.constant 9.99999974E-6 : f32
    %add3A_179 = vector.broadcast %add3A_178 : f32 to vector<400x1xf32>
    %add3A_180 = arith.addf %div3A_177, %add3A_179 : vector<400x1xf32>
    %rsqrt3A_181 = math.rsqrt %add3A_180 : vector<400x1xf32>
    %mul3A_182 = vector.broadcast %rsqrt3A_181 : vector<400x1xf32> to vector<400x128xf32>
    %mul3A_183 = vector.broadcast %get3A_159 : vector<1x128xf32> to vector<400x128xf32>
    %mul3A_184 = arith.mulf %mul3A_182, %mul3A_183 : vector<400x128xf32>
    %mul3A_185 = arith.mulf %sub3A_170, %mul3A_184 : vector<400x128xf32>
    %add3A_186 = vector.broadcast %get3A_162 : vector<1x128xf32> to vector<400x128xf32>
    %add3A_187 = arith.addf %mul3A_185, %add3A_186 : vector<400x128xf32>
    %get3A_188 = arith.constant 0 : index
    %get3A_189 = arith.constant 0 : index
    %get3A_190 = vector.load %arg5[%get3A_188, %get3A_189] : memref<400x1xf32, #tpu.memory_space<vmem>>, vector<400x1xf32>
    %mul3A_191 = vector.broadcast %get3A_190 : vector<400x1xf32> to vector<400x128xf32>
    %mul3A_192 = arith.mulf %add3A_187, %mul3A_191 : vector<400x128xf32>
    %swap3A = arith.constant 0 : index
    %swap3A_193 = arith.constant 0 : index
    %swap3A_194 = vector.load %arg22[%swap3A, %swap3A_193] : memref<400x128xf32, #tpu.memory_space<vmem>>, vector<400x128xf32>
    tpu.vector_store %arg22[%swap3A, %swap3A_193], %mul3A_192 {strides = array<i32>} : memref<400x128xf32, #tpu.memory_space<vmem>>, vector<400x128xf32>,
    %get3A_195 = arith.constant 0 : index
    %get3A_196 = arith.constant 0 : index
    %get3A_197 = vector.load %arg21[%get3A_195, %get3A_196] : memref<128x256xbf16, #tpu.memory_space<vmem>>, vector<128x256xbf16>
    %convert_element_type3A_198 = arith.truncf %mul3A_192 : vector<400x128xf32> to vector<400x128xbf16>
    %dot_general3A_199 = arith.constant dense<0.000000e+00> : vector<400x256xf32>
    %dot_general3A_200 = tpu.matmul %convert_element_type3A_198, %get3A_197, %dot_general3A_199 {dimension_numbers = #tpu.dot_dimension_numbers<[1], [0], [0], [1], [0, 0, 1, 1], [], []>, transpose_lhs_hint = false} : vector<400x128xbf16>, vector<128x256xbf16>, vector<400x256xf32> -> vector<400x256xf32>
    %swap3A_201 = arith.constant 0 : index
    %swap3A_202 = arith.constant 0 : index
    %swap3A_203 = vector.load %arg23[%swap3A_201, %swap3A_202] : memref<400x256xf32, #tpu.memory_space<vmem>>, vector<400x256xf32>
    tpu.vector_store %arg23[%swap3A_201, %swap3A_202], %dot_general3A_200 {strides = array<i32>} : memref<400x256xf32, #tpu.memory_space<vmem>>, vector<400x256xf32>,
    return
  }
  func.func @transform_0(%arg0: i32) -> (i32, i32) {
    %c0_i32 = arith.constant 0 : i32
    %c0_i32_0 = arith.constant 0 : i32
    return %arg0, %c0_i32 : i32, i32
  }
  func.func @transform_1(%arg0: i32) -> (i32, i32) {
    %c0_i32 = arith.constant 0 : i32
    %c0_i32_0 = arith.constant 0 : i32
    return %arg0, %c0_i32 : i32, i32
  }
  func.func @transform_2(%arg0: i32) -> (i32, i32) {
    %c0_i32 = arith.constant 0 : i32
    %c0_i32_0 = arith.constant 0 : i32
    return %arg0, %c0_i32 : i32, i32
  }
  func.func @transform_3(%arg0: i32) -> (i32, i32) {
    %c0_i32 = arith.constant 0 : i32
    %c0_i32_0 = arith.constant 0 : i32
    return %arg0, %c0_i32 : i32, i32
  }
  func.func @transform_4(%arg0: i32) -> (i32, i32) {
    %c0_i32 = arith.constant 0 : i32
    %c0_i32_0 = arith.constant 0 : i32
    return %arg0, %c0_i32 : i32, i32
  }
  func.func @transform_5(%arg0: i32) -> (i32, i32) {
    %c0_i32 = arith.constant 0 : i32
    %c0_i32_0 = arith.constant 0 : i32
    %c0_i32_1 = arith.constant 0 : i32
    return %c0_i32, %c0_i32_0 : i32, i32
  }
  func.func @transform_6(%arg0: i32) -> (i32, i32) {
    %c0_i32 = arith.constant 0 : i32
    %c0_i32_0 = arith.constant 0 : i32
    %c0_i32_1 = arith.constant 0 : i32
    return %c0_i32, %c0_i32_0 : i32, i32
  }
  func.func @transform_7(%arg0: i32) -> (i32, i32) {
    %c0_i32 = arith.constant 0 : i32
    %c0_i32_0 = arith.constant 0 : i32
    %c0_i32_1 = arith.constant 0 : i32
    return %c0_i32, %c0_i32_0 : i32, i32
  }
  func.func @transform_8(%arg0: i32) -> (i32, i32) {
    %c0_i32 = arith.constant 0 : i32
    %c0_i32_0 = arith.constant 0 : i32
    %c0_i32_1 = arith.constant 0 : i32
    return %c0_i32, %c0_i32_0 : i32, i32
  }
  func.func @transform_9(%arg0: i32) -> (i32, i32) {
    %c0_i32 = arith.constant 0 : i32
    %c0_i32_0 = arith.constant 0 : i32
    %c0_i32_1 = arith.constant 0 : i32
    return %c0_i32, %c0_i32_0 : i32, i32
  }
  func.func @transform_10(%arg0: i32) -> (i32, i32) {
    %c0_i32 = arith.constant 0 : i32
    %c0_i32_0 = arith.constant 0 : i32
    %c0_i32_1 = arith.constant 0 : i32
    return %c0_i32, %c0_i32_0 : i32, i32
  }
  func.func @transform_11(%arg0: i32) -> (i32, i32) {
    %c0_i32 = arith.constant 0 : i32
    %c0_i32_0 = arith.constant 0 : i32
    %c0_i32_1 = arith.constant 0 : i32
    return %c0_i32, %c0_i32_0 : i32, i32
  }
  func.func @transform_12(%arg0: i32) -> (i32, i32) {
    %c0_i32 = arith.constant 0 : i32
    %c0_i32_0 = arith.constant 0 : i32
    %c0_i32_1 = arith.constant 0 : i32
    return %c0_i32, %c0_i32_0 : i32, i32
  }
  func.func @transform_13(%arg0: i32) -> (i32, i32) {
    %c0_i32 = arith.constant 0 : i32
    %c0_i32_0 = arith.constant 0 : i32
    %c0_i32_1 = arith.constant 0 : i32
    return %c0_i32, %c0_i32_0 : i32, i32
  }
  func.func @transform_14(%arg0: i32) -> (i32, i32) {
    %c0_i32 = arith.constant 0 : i32
    %c0_i32_0 = arith.constant 0 : i32
    %c0_i32_1 = arith.constant 0 : i32
    return %c0_i32, %c0_i32_0 : i32, i32
  }
  func.func @transform_15(%arg0: i32) -> (i32, i32) {
    %c0_i32 = arith.constant 0 : i32
    %c0_i32_0 = arith.constant 0 : i32
    %c0_i32_1 = arith.constant 0 : i32
    return %c0_i32, %c0_i32_0 : i32, i32
  }
  func.func @transform_16(%arg0: i32) -> (i32, i32) {
    %c0_i32 = arith.constant 0 : i32
    %c0_i32_0 = arith.constant 0 : i32
    %c0_i32_1 = arith.constant 0 : i32
    return %c0_i32, %c0_i32_0 : i32, i32
  }
  func.func @transform_17(%arg0: i32) -> (i32, i32) {
    %c0_i32 = arith.constant 0 : i32
    %c0_i32_0 = arith.constant 0 : i32
    %c0_i32_1 = arith.constant 0 : i32
    return %c0_i32, %c0_i32_0 : i32, i32
  }
  func.func @transform_18(%arg0: i32) -> (i32, i32) {
    %c0_i32 = arith.constant 0 : i32
    %c0_i32_0 = arith.constant 0 : i32
    %c0_i32_1 = arith.constant 0 : i32
    return %c0_i32, %c0_i32_0 : i32, i32
  }
  func.func @transform_19(%arg0: i32) -> (i32, i32) {
    %c0_i32 = arith.constant 0 : i32
    %c0_i32_0 = arith.constant 0 : i32
    %c0_i32_1 = arith.constant 0 : i32
    return %c0_i32, %c0_i32_0 : i32, i32
  }
  func.func @transform_20(%arg0: i32) -> (i32, i32) {
    %c0_i32 = arith.constant 0 : i32
    %c0_i32_0 = arith.constant 0 : i32
    %c0_i32_1 = arith.constant 0 : i32
    return %c0_i32, %c0_i32_0 : i32, i32
  }
  func.func @transform_21(%arg0: i32) -> (i32, i32) {
    %c0_i32 = arith.constant 0 : i32
    %c0_i32_0 = arith.constant 0 : i32
    return %arg0, %c0_i32 : i32, i32
  }
  func.func @transform_22(%arg0: i32) -> (i32, i32) {
    %c0_i32 = arith.constant 0 : i32
    %c0_i32_0 = arith.constant 0 : i32
    return %arg0, %c0_i32 : i32, i32
  }
}

module attributes {stable_mosaic.version = 14 : i64} {
  func.func @_pass2_body(%arg0: i32, %arg1: memref<400x128xf32, #tpu.memory_space<vmem>>, %arg2: memref<6400x128xbf16, #tpu.memory_space<vmem>>, %arg3: memref<6400x256xf32, #tpu.memory_space<vmem>>, %arg4: memref<6400x1xf32, #tpu.memory_space<vmem>>, %arg5: memref<400x1xf32, #tpu.memory_space<vmem>>, %arg6: memref<128x128xbf16, #tpu.memory_space<vmem>>, %arg7: memref<128x128xbf16, #tpu.memory_space<vmem>>, %arg8: memref<1x128xf32, #tpu.memory_space<vmem>>, %arg9: memref<128x128xbf16, #tpu.memory_space<vmem>>, %arg10: memref<1x128xbf16, #tpu.memory_space<vmem>>, %arg11: memref<128x128xbf16, #tpu.memory_space<vmem>>, %arg12: memref<1x128xf32, #tpu.memory_space<vmem>>, %arg13: memref<1x128xf32, #tpu.memory_space<vmem>>, %arg14: memref<1x128xf32, #tpu.memory_space<vmem>>, %arg15: memref<128x128xbf16, #tpu.memory_space<vmem>>, %arg16: memref<128x128xbf16, #tpu.memory_space<vmem>>, %arg17: memref<1x128xf32, #tpu.memory_space<vmem>>, %arg18: memref<128x128xbf16, #tpu.memory_space<vmem>>, %arg19: memref<1x128xbf16, #tpu.memory_space<vmem>>, %arg20: memref<128x128xbf16, #tpu.memory_space<vmem>>, %arg21: memref<1x128xf32, #tpu.memory_space<vmem>>, %arg22: memref<1x128xf32, #tpu.memory_space<vmem>>, %arg23: memref<1x128xf32, #tpu.memory_space<vmem>>, %arg24: memref<128x512xbf16, #tpu.memory_space<vmem>>, %arg25: memref<1x512xbf16, #tpu.memory_space<vmem>>, %arg26: memref<512x128xbf16, #tpu.memory_space<vmem>>, %arg27: memref<1x128xf32, #tpu.memory_space<vmem>>, %arg28: memref<1x128xf32, #tpu.memory_space<vmem>>, %arg29: memref<1x128xf32, #tpu.memory_space<vmem>>, %arg30: memref<400x128xf32, #tpu.memory_space<vmem>>) attributes {dimension_semantics = [#tpu.dimension_semantics<arbitrary>], iteration_bounds = array<i64: 25>, scalar_prefetch = 0 : i64, scratch_operands = 0 : i64, tpu.core_type = #tpu.core_type<tc>, window_params = [{transform_indices = @transform_0, window_bounds = array<i64: 400, 128>}, {transform_indices = @transform_1, window_bounds = array<i64: 6400, 128>}, {transform_indices = @transform_2, window_bounds = array<i64: 6400, 256>}, {transform_indices = @transform_3, window_bounds = array<i64: 6400, 1>}, {transform_indices = @transform_4, window_bounds = array<i64: 400, 1>}, {pipeline_mode = #tpu.pipeline_mode<synchronous>, transform_indices = @transform_5, window_bounds = array<i64: 128, 128>}, {pipeline_mode = #tpu.pipeline_mode<synchronous>, transform_indices = @transform_6, window_bounds = array<i64: 128, 128>}, {pipeline_mode = #tpu.pipeline_mode<synchronous>, transform_indices = @transform_7, window_bounds = array<i64: 1, 128>}, {pipeline_mode = #tpu.pipeline_mode<synchronous>, transform_indices = @transform_8, window_bounds = array<i64: 128, 128>}, {pipeline_mode = #tpu.pipeline_mode<synchronous>, transform_indices = @transform_9, window_bounds = array<i64: 1, 128>}, {pipeline_mode = #tpu.pipeline_mode<synchronous>, transform_indices = @transform_10, window_bounds = array<i64: 128, 128>}, {pipeline_mode = #tpu.pipeline_mode<synchronous>, transform_indices = @transform_11, window_bounds = array<i64: 1, 128>}, {pipeline_mode = #tpu.pipeline_mode<synchronous>, transform_indices = @transform_12, window_bounds = array<i64: 1, 128>}, {pipeline_mode = #tpu.pipeline_mode<synchronous>, transform_indices = @transform_13, window_bounds = array<i64: 1, 128>}, {pipeline_mode = #tpu.pipeline_mode<synchronous>, transform_indices = @transform_14, window_bounds = array<i64: 128, 128>}, {pipeline_mode = #tpu.pipeline_mode<synchronous>, transform_indices = @transform_15, window_bounds = array<i64: 128, 128>}, {pipeline_mode = #tpu.pipeline_mode<synchronous>, transform_indices = @transform_16, window_bounds = array<i64: 1, 128>}, {pipeline_mode = #tpu.pipeline_mode<synchronous>, transform_indices = @transform_17, window_bounds = array<i64: 128, 128>}, {pipeline_mode = #tpu.pipeline_mode<synchronous>, transform_indices = @transform_18, window_bounds = array<i64: 1, 128>}, {pipeline_mode = #tpu.pipeline_mode<synchronous>, transform_indices = @transform_19, window_bounds = array<i64: 128, 128>}, {pipeline_mode = #tpu.pipeline_mode<synchronous>, transform_indices = @transform_20, window_bounds = array<i64: 1, 128>}, {pipeline_mode = #tpu.pipeline_mode<synchronous>, transform_indices = @transform_21, window_bounds = array<i64: 1, 128>}, {pipeline_mode = #tpu.pipeline_mode<synchronous>, transform_indices = @transform_22, window_bounds = array<i64: 1, 128>}, {pipeline_mode = #tpu.pipeline_mode<synchronous>, transform_indices = @transform_23, window_bounds = array<i64: 128, 512>}, {pipeline_mode = #tpu.pipeline_mode<synchronous>, transform_indices = @transform_24, window_bounds = array<i64: 1, 512>}, {pipeline_mode = #tpu.pipeline_mode<synchronous>, transform_indices = @transform_25, window_bounds = array<i64: 512, 128>}, {pipeline_mode = #tpu.pipeline_mode<synchronous>, transform_indices = @transform_26, window_bounds = array<i64: 1, 128>}, {pipeline_mode = #tpu.pipeline_mode<synchronous>, transform_indices = @transform_27, window_bounds = array<i64: 1, 128>}, {pipeline_mode = #tpu.pipeline_mode<synchronous>, transform_indices = @transform_28, window_bounds = array<i64: 1, 128>}, {transform_indices = @transform_29, window_bounds = array<i64: 400, 128>}]} {
    %get3A = arith.constant 0 : index
    %get3A_0 = arith.constant 0 : index
    %get3A_1 = vector.load %arg1[%get3A, %get3A_0] : memref<400x128xf32, #tpu.memory_space<vmem>>, vector<400x128xf32>
    %get3A_2 = arith.constant 0 : index
    %get3A_3 = arith.constant 0 : index
    %get3A_4 = vector.load %arg2[%get3A_2, %get3A_3] : memref<6400x128xbf16, #tpu.memory_space<vmem>>, vector<6400x128xbf16>
    %get3A_5 = arith.constant 0 : index
    %get3A_6 = arith.constant 0 : index
    %get3A_7 = vector.load %arg3[%get3A_5, %get3A_6] : memref<6400x256xf32, #tpu.memory_space<vmem>>, vector<6400x256xf32>
    %get3A_8 = arith.constant 0 : index
    %get3A_9 = arith.constant 0 : index
    %get3A_10 = vector.load %arg6[%get3A_8, %get3A_9] : memref<128x128xbf16, #tpu.memory_space<vmem>>, vector<128x128xbf16>
    %convert_element_type3A = arith.truncf %get3A_1 : vector<400x128xf32> to vector<400x128xbf16>
    %dot_general3A = arith.constant dense<0.000000e+00> : vector<400x128xf32>
    %dot_general3A_11 = tpu.matmul %convert_element_type3A, %get3A_10, %dot_general3A {dimension_numbers = #tpu.dot_dimension_numbers<[1], [0], [0], [1], [0, 0, 1, 1], [], []>, transpose_lhs_hint = false} : vector<400x128xbf16>, vector<128x128xbf16>, vector<400x128xf32> -> vector<400x128xf32>
    %get3A_12 = arith.constant 0 : index
    %get3A_13 = arith.constant 0 : index
    %get3A_14 = vector.load %arg8[%get3A_12, %get3A_13] : memref<1x128xf32, #tpu.memory_space<vmem>>, vector<1x128xf32>
    %add3A = vector.broadcast %get3A_14 : vector<1x128xf32> to vector<400x128xf32>
    %add3A_15 = arith.addf %dot_general3A_11, %add3A : vector<400x128xf32>
    %get3A_16 = arith.constant 0 : index
    %get3A_17 = arith.constant 0 : index
    %get3A_18 = vector.load %arg7[%get3A_16, %get3A_17] : memref<128x128xbf16, #tpu.memory_space<vmem>>, vector<128x128xbf16>
    %dot_general3A_19 = arith.constant dense<0.000000e+00> : vector<6400x128xf32>
    %dot_general3A_20 = tpu.matmul %get3A_4, %get3A_18, %dot_general3A_19 {dimension_numbers = #tpu.dot_dimension_numbers<[1], [0], [0], [1], [0, 0, 1, 1], [], []>, transpose_lhs_hint = false} : vector<6400x128xbf16>, vector<128x128xbf16>, vector<6400x128xf32> -> vector<6400x128xf32>
    %slice3A = vector.extract_strided_slice %get3A_7 {offsets = [0, 0], sizes = [6400, 128], strides = [1, 1]} : vector<6400x256xf32> to vector<6400x128xf32>
    %add3A_21 = arith.addf %dot_general3A_20, %slice3A : vector<6400x128xf32>
    %reshape3A = vector.shape_cast %add3A_21 : vector<6400x128xf32> to vector<400x16x128xf32>
    %broadcast_in_dim3A = vector.shape_cast %add3A_15 : vector<400x128xf32> to vector<400x1x128xf32>
    %add3A_22 = vector.broadcast %broadcast_in_dim3A : vector<400x1x128xf32> to vector<400x16x128xf32>
    %add3A_23 = arith.addf %reshape3A, %add3A_22 : vector<400x16x128xf32>
    %convert_element_type3A_24 = arith.truncf %add3A_23 : vector<400x16x128xf32> to vector<400x16x128xbf16>
    %integer_pow3A = arith.mulf %convert_element_type3A_24, %convert_element_type3A_24 : vector<400x16x128xbf16>
    %integer_pow3A_25 = arith.mulf %convert_element_type3A_24, %integer_pow3A : vector<400x16x128xbf16>
    %mul3A = arith.constant 4.467770e-02 : bf16
    %mul3A_26 = vector.broadcast %mul3A : bf16 to vector<400x16x128xbf16>
    %mul3A_27 = arith.mulf %mul3A_26, %integer_pow3A_25 : vector<400x16x128xbf16>
    %add3A_28 = arith.addf %convert_element_type3A_24, %mul3A_27 : vector<400x16x128xbf16>
    %mul3A_29 = arith.constant 7.968750e-01 : bf16
    %mul3A_30 = vector.broadcast %mul3A_29 : bf16 to vector<400x16x128xbf16>
    %mul3A_31 = arith.mulf %mul3A_30, %add3A_28 : vector<400x16x128xbf16>
    %tanh3A = math.tanh %mul3A_31 : vector<400x16x128xbf16>
    %add3A_32 = arith.constant 1.000000e+00 : bf16
    %add3A_33 = vector.broadcast %add3A_32 : bf16 to vector<400x16x128xbf16>
    %add3A_34 = arith.addf %add3A_33, %tanh3A : vector<400x16x128xbf16>
    %mul3A_35 = arith.constant 5.000000e-01 : bf16
    %mul3A_36 = vector.broadcast %mul3A_35 : bf16 to vector<400x16x128xbf16>
    %mul3A_37 = arith.mulf %mul3A_36, %add3A_34 : vector<400x16x128xbf16>
    %mul3A_38 = arith.mulf %convert_element_type3A_24, %mul3A_37 : vector<400x16x128xbf16>
    %reshape3A_39 = vector.shape_cast %mul3A_38 : vector<400x16x128xbf16> to vector<6400x128xbf16>
    %get3A_40 = arith.constant 0 : index
    %get3A_41 = arith.constant 0 : index
    %get3A_42 = vector.load %arg9[%get3A_40, %get3A_41] : memref<128x128xbf16, #tpu.memory_space<vmem>>, vector<128x128xbf16>
    %dot_general3A_43 = arith.constant dense<0.000000e+00> : vector<6400x128xf32>
    %dot_general3A_44 = tpu.matmul %reshape3A_39, %get3A_42, %dot_general3A_43 {dimension_numbers = #tpu.dot_dimension_numbers<[1], [0], [0], [1], [0, 0, 1, 1], [], []>, transpose_lhs_hint = false} : vector<6400x128xbf16>, vector<128x128xbf16>, vector<6400x128xf32> -> vector<6400x128xf32>
    %convert_element_type3A_45 = arith.truncf %dot_general3A_44 : vector<6400x128xf32> to vector<6400x128xbf16>
    %get3A_46 = arith.constant 0 : index
    %get3A_47 = arith.constant 0 : index
    %get3A_48 = vector.load %arg10[%get3A_46, %get3A_47] : memref<1x128xbf16, #tpu.memory_space<vmem>>, vector<1x128xbf16>
    %add3A_49 = vector.broadcast %get3A_48 : vector<1x128xbf16> to vector<6400x128xbf16>
    %add3A_50 = arith.addf %convert_element_type3A_45, %add3A_49 : vector<6400x128xbf16>
    %integer_pow3A_51 = arith.mulf %add3A_50, %add3A_50 : vector<6400x128xbf16>
    %integer_pow3A_52 = arith.mulf %add3A_50, %integer_pow3A_51 : vector<6400x128xbf16>
    %mul3A_53 = arith.constant 4.467770e-02 : bf16
    %mul3A_54 = vector.broadcast %mul3A_53 : bf16 to vector<6400x128xbf16>
    %mul3A_55 = arith.mulf %mul3A_54, %integer_pow3A_52 : vector<6400x128xbf16>
    %add3A_56 = arith.addf %add3A_50, %mul3A_55 : vector<6400x128xbf16>
    %mul3A_57 = arith.constant 7.968750e-01 : bf16
    %mul3A_58 = vector.broadcast %mul3A_57 : bf16 to vector<6400x128xbf16>
    %mul3A_59 = arith.mulf %mul3A_58, %add3A_56 : vector<6400x128xbf16>
    %tanh3A_60 = math.tanh %mul3A_59 : vector<6400x128xbf16>
    %add3A_61 = arith.constant 1.000000e+00 : bf16
    %add3A_62 = vector.broadcast %add3A_61 : bf16 to vector<6400x128xbf16>
    %add3A_63 = arith.addf %add3A_62, %tanh3A_60 : vector<6400x128xbf16>
    %mul3A_64 = arith.constant 5.000000e-01 : bf16
    %mul3A_65 = vector.broadcast %mul3A_64 : bf16 to vector<6400x128xbf16>
    %mul3A_66 = arith.mulf %mul3A_65, %add3A_63 : vector<6400x128xbf16>
    %mul3A_67 = arith.mulf %add3A_50, %mul3A_66 : vector<6400x128xbf16>
    %get3A_68 = arith.constant 0 : index
    %get3A_69 = arith.constant 0 : index
    %get3A_70 = vector.load %arg11[%get3A_68, %get3A_69] : memref<128x128xbf16, #tpu.memory_space<vmem>>, vector<128x128xbf16>
    %dot_general3A_71 = arith.constant dense<0.000000e+00> : vector<6400x128xf32>
    %dot_general3A_72 = tpu.matmul %mul3A_67, %get3A_70, %dot_general3A_71 {dimension_numbers = #tpu.dot_dimension_numbers<[1], [0], [0], [1], [0, 0, 1, 1], [], []>, transpose_lhs_hint = false} : vector<6400x128xbf16>, vector<128x128xbf16>, vector<6400x128xf32> -> vector<6400x128xf32>
    %get3A_73 = arith.constant 0 : index
    %get3A_74 = arith.constant 0 : index
    %get3A_75 = vector.load %arg12[%get3A_73, %get3A_74] : memref<1x128xf32, #tpu.memory_space<vmem>>, vector<1x128xf32>
    %add3A_76 = vector.broadcast %get3A_75 : vector<1x128xf32> to vector<6400x128xf32>
    %add3A_77 = arith.addf %dot_general3A_72, %add3A_76 : vector<6400x128xf32>
    %convert_element_type3A_78 = arith.extf %get3A_4 : vector<6400x128xbf16> to vector<6400x128xf32>
    %add3A_79 = arith.addf %convert_element_type3A_78, %add3A_77 : vector<6400x128xf32>
    %get3A_80 = arith.constant 0 : index
    %get3A_81 = arith.constant 0 : index
    %get3A_82 = vector.load %arg13[%get3A_80, %get3A_81] : memref<1x128xf32, #tpu.memory_space<vmem>>, vector<1x128xf32>
    %get3A_83 = arith.constant 0 : index
    %get3A_84 = arith.constant 0 : index
    %get3A_85 = vector.load %arg14[%get3A_83, %get3A_84] : memref<1x128xf32, #tpu.memory_space<vmem>>, vector<1x128xf32>
    %reduce_sum3A = arith.constant dense<0.000000e+00> : vector<6400xf32>
    %reduce_sum3A_86 = vector.multi_reduction <add>, %add3A_79, %reduce_sum3A [1] : vector<6400x128xf32> to vector<6400xf32>
    %broadcast_in_dim3A_87 = vector.shape_cast %reduce_sum3A_86 : vector<6400xf32> to vector<6400x1xf32>
    %div3A = arith.constant 1.280000e+02 : f32
    %div3A_88 = vector.broadcast %div3A : f32 to vector<6400x1xf32>
    %div3A_89 = arith.divf %broadcast_in_dim3A_87, %div3A_88 : vector<6400x1xf32>
    %sub3A = vector.broadcast %div3A_89 : vector<6400x1xf32> to vector<6400x128xf32>
    %sub3A_90 = arith.subf %add3A_79, %sub3A : vector<6400x128xf32>
    %mul3A_91 = arith.mulf %sub3A_90, %sub3A_90 : vector<6400x128xf32>
    %reduce_sum3A_92 = arith.constant dense<0.000000e+00> : vector<6400xf32>
    %reduce_sum3A_93 = vector.multi_reduction <add>, %mul3A_91, %reduce_sum3A_92 [1] : vector<6400x128xf32> to vector<6400xf32>
    %broadcast_in_dim3A_94 = vector.shape_cast %reduce_sum3A_93 : vector<6400xf32> to vector<6400x1xf32>
    %div3A_95 = arith.constant 1.280000e+02 : f32
    %div3A_96 = vector.broadcast %div3A_95 : f32 to vector<6400x1xf32>
    %div3A_97 = arith.divf %broadcast_in_dim3A_94, %div3A_96 : vector<6400x1xf32>
    %add3A_98 = arith.constant 9.99999974E-6 : f32
    %add3A_99 = vector.broadcast %add3A_98 : f32 to vector<6400x1xf32>
    %add3A_100 = arith.addf %div3A_97, %add3A_99 : vector<6400x1xf32>
    %rsqrt3A = math.rsqrt %add3A_100 : vector<6400x1xf32>
    %mul3A_101 = vector.broadcast %rsqrt3A : vector<6400x1xf32> to vector<6400x128xf32>
    %mul3A_102 = vector.broadcast %get3A_82 : vector<1x128xf32> to vector<6400x128xf32>
    %mul3A_103 = arith.mulf %mul3A_101, %mul3A_102 : vector<6400x128xf32>
    %mul3A_104 = arith.mulf %sub3A_90, %mul3A_103 : vector<6400x128xf32>
    %add3A_105 = vector.broadcast %get3A_85 : vector<1x128xf32> to vector<6400x128xf32>
    %add3A_106 = arith.addf %mul3A_104, %add3A_105 : vector<6400x128xf32>
    %get3A_107 = arith.constant 0 : index
    %get3A_108 = arith.constant 0 : index
    %get3A_109 = vector.load %arg15[%get3A_107, %get3A_108] : memref<128x128xbf16, #tpu.memory_space<vmem>>, vector<128x128xbf16>
    %convert_element_type3A_110 = arith.truncf %get3A_1 : vector<400x128xf32> to vector<400x128xbf16>
    %dot_general3A_111 = arith.constant dense<0.000000e+00> : vector<400x128xf32>
    %dot_general3A_112 = tpu.matmul %convert_element_type3A_110, %get3A_109, %dot_general3A_111 {dimension_numbers = #tpu.dot_dimension_numbers<[1], [0], [0], [1], [0, 0, 1, 1], [], []>, transpose_lhs_hint = false} : vector<400x128xbf16>, vector<128x128xbf16>, vector<400x128xf32> -> vector<400x128xf32>
    %get3A_113 = arith.constant 0 : index
    %get3A_114 = arith.constant 0 : index
    %get3A_115 = vector.load %arg17[%get3A_113, %get3A_114] : memref<1x128xf32, #tpu.memory_space<vmem>>, vector<1x128xf32>
    %add3A_116 = vector.broadcast %get3A_115 : vector<1x128xf32> to vector<400x128xf32>
    %add3A_117 = arith.addf %dot_general3A_112, %add3A_116 : vector<400x128xf32>
    %get3A_118 = arith.constant 0 : index
    %get3A_119 = arith.constant 0 : index
    %get3A_120 = vector.load %arg16[%get3A_118, %get3A_119] : memref<128x128xbf16, #tpu.memory_space<vmem>>, vector<128x128xbf16>
    %convert_element_type3A_121 = arith.truncf %add3A_106 : vector<6400x128xf32> to vector<6400x128xbf16>
    %dot_general3A_122 = arith.constant dense<0.000000e+00> : vector<6400x128xf32>
    %dot_general3A_123 = tpu.matmul %convert_element_type3A_121, %get3A_120, %dot_general3A_122 {dimension_numbers = #tpu.dot_dimension_numbers<[1], [0], [0], [1], [0, 0, 1, 1], [], []>, transpose_lhs_hint = false} : vector<6400x128xbf16>, vector<128x128xbf16>, vector<6400x128xf32> -> vector<6400x128xf32>
    %slice3A_124 = vector.extract_strided_slice %get3A_7 {offsets = [0, 128], sizes = [6400, 128], strides = [1, 1]} : vector<6400x256xf32> to vector<6400x128xf32>
    %add3A_125 = arith.addf %dot_general3A_123, %slice3A_124 : vector<6400x128xf32>
    %reshape3A_126 = vector.shape_cast %add3A_125 : vector<6400x128xf32> to vector<400x16x128xf32>
    %broadcast_in_dim3A_127 = vector.shape_cast %add3A_117 : vector<400x128xf32> to vector<400x1x128xf32>
    %add3A_128 = vector.broadcast %broadcast_in_dim3A_127 : vector<400x1x128xf32> to vector<400x16x128xf32>
    %add3A_129 = arith.addf %reshape3A_126, %add3A_128 : vector<400x16x128xf32>
    %convert_element_type3A_130 = arith.truncf %add3A_129 : vector<400x16x128xf32> to vector<400x16x128xbf16>
    %integer_pow3A_131 = arith.mulf %convert_element_type3A_130, %convert_element_type3A_130 : vector<400x16x128xbf16>
    %integer_pow3A_132 = arith.mulf %convert_element_type3A_130, %integer_pow3A_131 : vector<400x16x128xbf16>
    %mul3A_133 = arith.constant 4.467770e-02 : bf16
    %mul3A_134 = vector.broadcast %mul3A_133 : bf16 to vector<400x16x128xbf16>
    %mul3A_135 = arith.mulf %mul3A_134, %integer_pow3A_132 : vector<400x16x128xbf16>
    %add3A_136 = arith.addf %convert_element_type3A_130, %mul3A_135 : vector<400x16x128xbf16>
    %mul3A_137 = arith.constant 7.968750e-01 : bf16
    %mul3A_138 = vector.broadcast %mul3A_137 : bf16 to vector<400x16x128xbf16>
    %mul3A_139 = arith.mulf %mul3A_138, %add3A_136 : vector<400x16x128xbf16>
    %tanh3A_140 = math.tanh %mul3A_139 : vector<400x16x128xbf16>
    %add3A_141 = arith.constant 1.000000e+00 : bf16
    %add3A_142 = vector.broadcast %add3A_141 : bf16 to vector<400x16x128xbf16>
    %add3A_143 = arith.addf %add3A_142, %tanh3A_140 : vector<400x16x128xbf16>
    %mul3A_144 = arith.constant 5.000000e-01 : bf16
    %mul3A_145 = vector.broadcast %mul3A_144 : bf16 to vector<400x16x128xbf16>
    %mul3A_146 = arith.mulf %mul3A_145, %add3A_143 : vector<400x16x128xbf16>
    %mul3A_147 = arith.mulf %convert_element_type3A_130, %mul3A_146 : vector<400x16x128xbf16>
    %reshape3A_148 = vector.shape_cast %mul3A_147 : vector<400x16x128xbf16> to vector<6400x128xbf16>
    %get3A_149 = arith.constant 0 : index
    %get3A_150 = arith.constant 0 : index
    %get3A_151 = vector.load %arg18[%get3A_149, %get3A_150] : memref<128x128xbf16, #tpu.memory_space<vmem>>, vector<128x128xbf16>
    %dot_general3A_152 = arith.constant dense<0.000000e+00> : vector<6400x128xf32>
    %dot_general3A_153 = tpu.matmul %reshape3A_148, %get3A_151, %dot_general3A_152 {dimension_numbers = #tpu.dot_dimension_numbers<[1], [0], [0], [1], [0, 0, 1, 1], [], []>, transpose_lhs_hint = false} : vector<6400x128xbf16>, vector<128x128xbf16>, vector<6400x128xf32> -> vector<6400x128xf32>
    %convert_element_type3A_154 = arith.truncf %dot_general3A_153 : vector<6400x128xf32> to vector<6400x128xbf16>
    %get3A_155 = arith.constant 0 : index
    %get3A_156 = arith.constant 0 : index
    %get3A_157 = vector.load %arg19[%get3A_155, %get3A_156] : memref<1x128xbf16, #tpu.memory_space<vmem>>, vector<1x128xbf16>
    %add3A_158 = vector.broadcast %get3A_157 : vector<1x128xbf16> to vector<6400x128xbf16>
    %add3A_159 = arith.addf %convert_element_type3A_154, %add3A_158 : vector<6400x128xbf16>
    %integer_pow3A_160 = arith.mulf %add3A_159, %add3A_159 : vector<6400x128xbf16>
    %integer_pow3A_161 = arith.mulf %add3A_159, %integer_pow3A_160 : vector<6400x128xbf16>
    %mul3A_162 = arith.constant 4.467770e-02 : bf16
    %mul3A_163 = vector.broadcast %mul3A_162 : bf16 to vector<6400x128xbf16>
    %mul3A_164 = arith.mulf %mul3A_163, %integer_pow3A_161 : vector<6400x128xbf16>
    %add3A_165 = arith.addf %add3A_159, %mul3A_164 : vector<6400x128xbf16>
    %mul3A_166 = arith.constant 7.968750e-01 : bf16
    %mul3A_167 = vector.broadcast %mul3A_166 : bf16 to vector<6400x128xbf16>
    %mul3A_168 = arith.mulf %mul3A_167, %add3A_165 : vector<6400x128xbf16>
    %tanh3A_169 = math.tanh %mul3A_168 : vector<6400x128xbf16>
    %add3A_170 = arith.constant 1.000000e+00 : bf16
    %add3A_171 = vector.broadcast %add3A_170 : bf16 to vector<6400x128xbf16>
    %add3A_172 = arith.addf %add3A_171, %tanh3A_169 : vector<6400x128xbf16>
    %mul3A_173 = arith.constant 5.000000e-01 : bf16
    %mul3A_174 = vector.broadcast %mul3A_173 : bf16 to vector<6400x128xbf16>
    %mul3A_175 = arith.mulf %mul3A_174, %add3A_172 : vector<6400x128xbf16>
    %mul3A_176 = arith.mulf %add3A_159, %mul3A_175 : vector<6400x128xbf16>
    %get3A_177 = arith.constant 0 : index
    %get3A_178 = arith.constant 0 : index
    %get3A_179 = vector.load %arg20[%get3A_177, %get3A_178] : memref<128x128xbf16, #tpu.memory_space<vmem>>, vector<128x128xbf16>
    %dot_general3A_180 = arith.constant dense<0.000000e+00> : vector<6400x128xf32>
    %dot_general3A_181 = tpu.matmul %mul3A_176, %get3A_179, %dot_general3A_180 {dimension_numbers = #tpu.dot_dimension_numbers<[1], [0], [0], [1], [0, 0, 1, 1], [], []>, transpose_lhs_hint = false} : vector<6400x128xbf16>, vector<128x128xbf16>, vector<6400x128xf32> -> vector<6400x128xf32>
    %get3A_182 = arith.constant 0 : index
    %get3A_183 = arith.constant 0 : index
    %get3A_184 = vector.load %arg21[%get3A_182, %get3A_183] : memref<1x128xf32, #tpu.memory_space<vmem>>, vector<1x128xf32>
    %add3A_185 = vector.broadcast %get3A_184 : vector<1x128xf32> to vector<6400x128xf32>
    %add3A_186 = arith.addf %dot_general3A_181, %add3A_185 : vector<6400x128xf32>
    %get3A_187 = arith.constant 0 : index
    %get3A_188 = arith.constant 0 : index
    %get3A_189 = vector.load %arg4[%get3A_187, %get3A_188] : memref<6400x1xf32, #tpu.memory_space<vmem>>, vector<6400x1xf32>
    %mul3A_190 = vector.broadcast %get3A_189 : vector<6400x1xf32> to vector<6400x128xf32>
    %mul3A_191 = arith.mulf %add3A_186, %mul3A_190 : vector<6400x128xf32>
    %reshape3A_192 = vector.shape_cast %mul3A_191 : vector<6400x128xf32> to vector<400x16x128xf32>
    %reduce_sum3A_193 = arith.constant dense<0.000000e+00> : vector<400x128xf32>
    %reduce_sum3A_194 = vector.multi_reduction <add>, %reshape3A_192, %reduce_sum3A_193 [1] : vector<400x16x128xf32> to vector<400x128xf32>
    %mul3A_195 = arith.constant 0.0333333351 : f32
    %mul3A_196 = vector.broadcast %mul3A_195 : f32 to vector<400x128xf32>
    %mul3A_197 = arith.mulf %reduce_sum3A_194, %mul3A_196 : vector<400x128xf32>
    %add3A_198 = arith.addf %get3A_1, %mul3A_197 : vector<400x128xf32>
    %get3A_199 = arith.constant 0 : index
    %get3A_200 = arith.constant 0 : index
    %get3A_201 = vector.load %arg22[%get3A_199, %get3A_200] : memref<1x128xf32, #tpu.memory_space<vmem>>, vector<1x128xf32>
    %get3A_202 = arith.constant 0 : index
    %get3A_203 = arith.constant 0 : index
    %get3A_204 = vector.load %arg23[%get3A_202, %get3A_203] : memref<1x128xf32, #tpu.memory_space<vmem>>, vector<1x128xf32>
    %reduce_sum3A_205 = arith.constant dense<0.000000e+00> : vector<400xf32>
    %reduce_sum3A_206 = vector.multi_reduction <add>, %add3A_198, %reduce_sum3A_205 [1] : vector<400x128xf32> to vector<400xf32>
    %broadcast_in_dim3A_207 = vector.shape_cast %reduce_sum3A_206 : vector<400xf32> to vector<400x1xf32>
    %div3A_208 = arith.constant 1.280000e+02 : f32
    %div3A_209 = vector.broadcast %div3A_208 : f32 to vector<400x1xf32>
    %div3A_210 = arith.divf %broadcast_in_dim3A_207, %div3A_209 : vector<400x1xf32>
    %sub3A_211 = vector.broadcast %div3A_210 : vector<400x1xf32> to vector<400x128xf32>
    %sub3A_212 = arith.subf %add3A_198, %sub3A_211 : vector<400x128xf32>
    %mul3A_213 = arith.mulf %sub3A_212, %sub3A_212 : vector<400x128xf32>
    %reduce_sum3A_214 = arith.constant dense<0.000000e+00> : vector<400xf32>
    %reduce_sum3A_215 = vector.multi_reduction <add>, %mul3A_213, %reduce_sum3A_214 [1] : vector<400x128xf32> to vector<400xf32>
    %broadcast_in_dim3A_216 = vector.shape_cast %reduce_sum3A_215 : vector<400xf32> to vector<400x1xf32>
    %div3A_217 = arith.constant 1.280000e+02 : f32
    %div3A_218 = vector.broadcast %div3A_217 : f32 to vector<400x1xf32>
    %div3A_219 = arith.divf %broadcast_in_dim3A_216, %div3A_218 : vector<400x1xf32>
    %add3A_220 = arith.constant 9.99999974E-6 : f32
    %add3A_221 = vector.broadcast %add3A_220 : f32 to vector<400x1xf32>
    %add3A_222 = arith.addf %div3A_219, %add3A_221 : vector<400x1xf32>
    %rsqrt3A_223 = math.rsqrt %add3A_222 : vector<400x1xf32>
    %mul3A_224 = vector.broadcast %rsqrt3A_223 : vector<400x1xf32> to vector<400x128xf32>
    %mul3A_225 = vector.broadcast %get3A_201 : vector<1x128xf32> to vector<400x128xf32>
    %mul3A_226 = arith.mulf %mul3A_224, %mul3A_225 : vector<400x128xf32>
    %mul3A_227 = arith.mulf %sub3A_212, %mul3A_226 : vector<400x128xf32>
    %add3A_228 = vector.broadcast %get3A_204 : vector<1x128xf32> to vector<400x128xf32>
    %add3A_229 = arith.addf %mul3A_227, %add3A_228 : vector<400x128xf32>
    %get3A_230 = arith.constant 0 : index
    %get3A_231 = arith.constant 0 : index
    %get3A_232 = vector.load %arg24[%get3A_230, %get3A_231] : memref<128x512xbf16, #tpu.memory_space<vmem>>, vector<128x512xbf16>
    %convert_element_type3A_233 = arith.truncf %add3A_229 : vector<400x128xf32> to vector<400x128xbf16>
    %dot_general3A_234 = arith.constant dense<0.000000e+00> : vector<400x512xf32>
    %dot_general3A_235 = tpu.matmul %convert_element_type3A_233, %get3A_232, %dot_general3A_234 {dimension_numbers = #tpu.dot_dimension_numbers<[1], [0], [0], [1], [0, 0, 1, 1], [], []>, transpose_lhs_hint = false} : vector<400x128xbf16>, vector<128x512xbf16>, vector<400x512xf32> -> vector<400x512xf32>
    %convert_element_type3A_236 = arith.truncf %dot_general3A_235 : vector<400x512xf32> to vector<400x512xbf16>
    %get3A_237 = arith.constant 0 : index
    %get3A_238 = arith.constant 0 : index
    %get3A_239 = vector.load %arg25[%get3A_237, %get3A_238] : memref<1x512xbf16, #tpu.memory_space<vmem>>, vector<1x512xbf16>
    %add3A_240 = vector.broadcast %get3A_239 : vector<1x512xbf16> to vector<400x512xbf16>
    %add3A_241 = arith.addf %convert_element_type3A_236, %add3A_240 : vector<400x512xbf16>
    %integer_pow3A_242 = arith.mulf %add3A_241, %add3A_241 : vector<400x512xbf16>
    %integer_pow3A_243 = arith.mulf %add3A_241, %integer_pow3A_242 : vector<400x512xbf16>
    %mul3A_244 = arith.constant 4.467770e-02 : bf16
    %mul3A_245 = vector.broadcast %mul3A_244 : bf16 to vector<400x512xbf16>
    %mul3A_246 = arith.mulf %mul3A_245, %integer_pow3A_243 : vector<400x512xbf16>
    %add3A_247 = arith.addf %add3A_241, %mul3A_246 : vector<400x512xbf16>
    %mul3A_248 = arith.constant 7.968750e-01 : bf16
    %mul3A_249 = vector.broadcast %mul3A_248 : bf16 to vector<400x512xbf16>
    %mul3A_250 = arith.mulf %mul3A_249, %add3A_247 : vector<400x512xbf16>
    %tanh3A_251 = math.tanh %mul3A_250 : vector<400x512xbf16>
    %add3A_252 = arith.constant 1.000000e+00 : bf16
    %add3A_253 = vector.broadcast %add3A_252 : bf16 to vector<400x512xbf16>
    %add3A_254 = arith.addf %add3A_253, %tanh3A_251 : vector<400x512xbf16>
    %mul3A_255 = arith.constant 5.000000e-01 : bf16
    %mul3A_256 = vector.broadcast %mul3A_255 : bf16 to vector<400x512xbf16>
    %mul3A_257 = arith.mulf %mul3A_256, %add3A_254 : vector<400x512xbf16>
    %mul3A_258 = arith.mulf %add3A_241, %mul3A_257 : vector<400x512xbf16>
    %get3A_259 = arith.constant 0 : index
    %get3A_260 = arith.constant 0 : index
    %get3A_261 = vector.load %arg26[%get3A_259, %get3A_260] : memref<512x128xbf16, #tpu.memory_space<vmem>>, vector<512x128xbf16>
    %dot_general3A_262 = arith.constant dense<0.000000e+00> : vector<400x128xf32>
    %dot_general3A_263 = tpu.matmul %mul3A_258, %get3A_261, %dot_general3A_262 {dimension_numbers = #tpu.dot_dimension_numbers<[1], [0], [0], [1], [0, 0, 1, 1], [], []>, transpose_lhs_hint = false} : vector<400x512xbf16>, vector<512x128xbf16>, vector<400x128xf32> -> vector<400x128xf32>
    %get3A_264 = arith.constant 0 : index
    %get3A_265 = arith.constant 0 : index
    %get3A_266 = vector.load %arg27[%get3A_264, %get3A_265] : memref<1x128xf32, #tpu.memory_space<vmem>>, vector<1x128xf32>
    %add3A_267 = vector.broadcast %get3A_266 : vector<1x128xf32> to vector<400x128xf32>
    %add3A_268 = arith.addf %dot_general3A_263, %add3A_267 : vector<400x128xf32>
    %add3A_269 = arith.addf %add3A_229, %add3A_268 : vector<400x128xf32>
    %get3A_270 = arith.constant 0 : index
    %get3A_271 = arith.constant 0 : index
    %get3A_272 = vector.load %arg28[%get3A_270, %get3A_271] : memref<1x128xf32, #tpu.memory_space<vmem>>, vector<1x128xf32>
    %get3A_273 = arith.constant 0 : index
    %get3A_274 = arith.constant 0 : index
    %get3A_275 = vector.load %arg29[%get3A_273, %get3A_274] : memref<1x128xf32, #tpu.memory_space<vmem>>, vector<1x128xf32>
    %reduce_sum3A_276 = arith.constant dense<0.000000e+00> : vector<400xf32>
    %reduce_sum3A_277 = vector.multi_reduction <add>, %add3A_269, %reduce_sum3A_276 [1] : vector<400x128xf32> to vector<400xf32>
    %broadcast_in_dim3A_278 = vector.shape_cast %reduce_sum3A_277 : vector<400xf32> to vector<400x1xf32>
    %div3A_279 = arith.constant 1.280000e+02 : f32
    %div3A_280 = vector.broadcast %div3A_279 : f32 to vector<400x1xf32>
    %div3A_281 = arith.divf %broadcast_in_dim3A_278, %div3A_280 : vector<400x1xf32>
    %sub3A_282 = vector.broadcast %div3A_281 : vector<400x1xf32> to vector<400x128xf32>
    %sub3A_283 = arith.subf %add3A_269, %sub3A_282 : vector<400x128xf32>
    %mul3A_284 = arith.mulf %sub3A_283, %sub3A_283 : vector<400x128xf32>
    %reduce_sum3A_285 = arith.constant dense<0.000000e+00> : vector<400xf32>
    %reduce_sum3A_286 = vector.multi_reduction <add>, %mul3A_284, %reduce_sum3A_285 [1] : vector<400x128xf32> to vector<400xf32>
    %broadcast_in_dim3A_287 = vector.shape_cast %reduce_sum3A_286 : vector<400xf32> to vector<400x1xf32>
    %div3A_288 = arith.constant 1.280000e+02 : f32
    %div3A_289 = vector.broadcast %div3A_288 : f32 to vector<400x1xf32>
    %div3A_290 = arith.divf %broadcast_in_dim3A_287, %div3A_289 : vector<400x1xf32>
    %add3A_291 = arith.constant 9.99999974E-6 : f32
    %add3A_292 = vector.broadcast %add3A_291 : f32 to vector<400x1xf32>
    %add3A_293 = arith.addf %div3A_290, %add3A_292 : vector<400x1xf32>
    %rsqrt3A_294 = math.rsqrt %add3A_293 : vector<400x1xf32>
    %mul3A_295 = vector.broadcast %rsqrt3A_294 : vector<400x1xf32> to vector<400x128xf32>
    %mul3A_296 = vector.broadcast %get3A_272 : vector<1x128xf32> to vector<400x128xf32>
    %mul3A_297 = arith.mulf %mul3A_295, %mul3A_296 : vector<400x128xf32>
    %mul3A_298 = arith.mulf %sub3A_283, %mul3A_297 : vector<400x128xf32>
    %add3A_299 = vector.broadcast %get3A_275 : vector<1x128xf32> to vector<400x128xf32>
    %add3A_300 = arith.addf %mul3A_298, %add3A_299 : vector<400x128xf32>
    %get3A_301 = arith.constant 0 : index
    %get3A_302 = arith.constant 0 : index
    %get3A_303 = vector.load %arg5[%get3A_301, %get3A_302] : memref<400x1xf32, #tpu.memory_space<vmem>>, vector<400x1xf32>
    %mul3A_304 = vector.broadcast %get3A_303 : vector<400x1xf32> to vector<400x128xf32>
    %mul3A_305 = arith.mulf %add3A_300, %mul3A_304 : vector<400x128xf32>
    %swap3A = arith.constant 0 : index
    %swap3A_306 = arith.constant 0 : index
    %swap3A_307 = vector.load %arg30[%swap3A, %swap3A_306] : memref<400x128xf32, #tpu.memory_space<vmem>>, vector<400x128xf32>
    tpu.vector_store %arg30[%swap3A, %swap3A_306], %mul3A_305 {strides = array<i32>} : memref<400x128xf32, #tpu.memory_space<vmem>>, vector<400x128xf32>,
    return
  }
  func.func @transform_0(%arg0: i32) -> (i32, i32) {
    %c0_i32 = arith.constant 0 : i32
    %c0_i32_0 = arith.constant 0 : i32
    return %arg0, %c0_i32 : i32, i32
  }
  func.func @transform_1(%arg0: i32) -> (i32, i32) {
    %c0_i32 = arith.constant 0 : i32
    %c0_i32_0 = arith.constant 0 : i32
    return %arg0, %c0_i32 : i32, i32
  }
  func.func @transform_2(%arg0: i32) -> (i32, i32) {
    %c0_i32 = arith.constant 0 : i32
    %c0_i32_0 = arith.constant 0 : i32
    return %arg0, %c0_i32 : i32, i32
  }
  func.func @transform_3(%arg0: i32) -> (i32, i32) {
    %c0_i32 = arith.constant 0 : i32
    %c0_i32_0 = arith.constant 0 : i32
    return %arg0, %c0_i32 : i32, i32
  }
  func.func @transform_4(%arg0: i32) -> (i32, i32) {
    %c0_i32 = arith.constant 0 : i32
    %c0_i32_0 = arith.constant 0 : i32
    return %arg0, %c0_i32 : i32, i32
  }
  func.func @transform_5(%arg0: i32) -> (i32, i32) {
    %c0_i32 = arith.constant 0 : i32
    %c0_i32_0 = arith.constant 0 : i32
    %c0_i32_1 = arith.constant 0 : i32
    return %c0_i32, %c0_i32_0 : i32, i32
  }
  func.func @transform_6(%arg0: i32) -> (i32, i32) {
    %c0_i32 = arith.constant 0 : i32
    %c0_i32_0 = arith.constant 0 : i32
    %c0_i32_1 = arith.constant 0 : i32
    return %c0_i32, %c0_i32_0 : i32, i32
  }
  func.func @transform_7(%arg0: i32) -> (i32, i32) {
    %c0_i32 = arith.constant 0 : i32
    %c0_i32_0 = arith.constant 0 : i32
    %c0_i32_1 = arith.constant 0 : i32
    return %c0_i32, %c0_i32_0 : i32, i32
  }
  func.func @transform_8(%arg0: i32) -> (i32, i32) {
    %c0_i32 = arith.constant 0 : i32
    %c0_i32_0 = arith.constant 0 : i32
    %c0_i32_1 = arith.constant 0 : i32
    return %c0_i32, %c0_i32_0 : i32, i32
  }
  func.func @transform_9(%arg0: i32) -> (i32, i32) {
    %c0_i32 = arith.constant 0 : i32
    %c0_i32_0 = arith.constant 0 : i32
    %c0_i32_1 = arith.constant 0 : i32
    return %c0_i32, %c0_i32_0 : i32, i32
  }
  func.func @transform_10(%arg0: i32) -> (i32, i32) {
    %c0_i32 = arith.constant 0 : i32
    %c0_i32_0 = arith.constant 0 : i32
    %c0_i32_1 = arith.constant 0 : i32
    return %c0_i32, %c0_i32_0 : i32, i32
  }
  func.func @transform_11(%arg0: i32) -> (i32, i32) {
    %c0_i32 = arith.constant 0 : i32
    %c0_i32_0 = arith.constant 0 : i32
    %c0_i32_1 = arith.constant 0 : i32
    return %c0_i32, %c0_i32_0 : i32, i32
  }
  func.func @transform_12(%arg0: i32) -> (i32, i32) {
    %c0_i32 = arith.constant 0 : i32
    %c0_i32_0 = arith.constant 0 : i32
    %c0_i32_1 = arith.constant 0 : i32
    return %c0_i32, %c0_i32_0 : i32, i32
  }
  func.func @transform_13(%arg0: i32) -> (i32, i32) {
    %c0_i32 = arith.constant 0 : i32
    %c0_i32_0 = arith.constant 0 : i32
    %c0_i32_1 = arith.constant 0 : i32
    return %c0_i32, %c0_i32_0 : i32, i32
  }
  func.func @transform_14(%arg0: i32) -> (i32, i32) {
    %c0_i32 = arith.constant 0 : i32
    %c0_i32_0 = arith.constant 0 : i32
    %c0_i32_1 = arith.constant 0 : i32
    return %c0_i32, %c0_i32_0 : i32, i32
  }
  func.func @transform_15(%arg0: i32) -> (i32, i32) {
    %c0_i32 = arith.constant 0 : i32
    %c0_i32_0 = arith.constant 0 : i32
    %c0_i32_1 = arith.constant 0 : i32
    return %c0_i32, %c0_i32_0 : i32, i32
  }
  func.func @transform_16(%arg0: i32) -> (i32, i32) {
    %c0_i32 = arith.constant 0 : i32
    %c0_i32_0 = arith.constant 0 : i32
    %c0_i32_1 = arith.constant 0 : i32
    return %c0_i32, %c0_i32_0 : i32, i32
  }
  func.func @transform_17(%arg0: i32) -> (i32, i32) {
    %c0_i32 = arith.constant 0 : i32
    %c0_i32_0 = arith.constant 0 : i32
    %c0_i32_1 = arith.constant 0 : i32
    return %c0_i32, %c0_i32_0 : i32, i32
  }
  func.func @transform_18(%arg0: i32) -> (i32, i32) {
    %c0_i32 = arith.constant 0 : i32
    %c0_i32_0 = arith.constant 0 : i32
    %c0_i32_1 = arith.constant 0 : i32
    return %c0_i32, %c0_i32_0 : i32, i32
  }
  func.func @transform_19(%arg0: i32) -> (i32, i32) {
    %c0_i32 = arith.constant 0 : i32
    %c0_i32_0 = arith.constant 0 : i32
    %c0_i32_1 = arith.constant 0 : i32
    return %c0_i32, %c0_i32_0 : i32, i32
  }
  func.func @transform_20(%arg0: i32) -> (i32, i32) {
    %c0_i32 = arith.constant 0 : i32
    %c0_i32_0 = arith.constant 0 : i32
    %c0_i32_1 = arith.constant 0 : i32
    return %c0_i32, %c0_i32_0 : i32, i32
  }
  func.func @transform_21(%arg0: i32) -> (i32, i32) {
    %c0_i32 = arith.constant 0 : i32
    %c0_i32_0 = arith.constant 0 : i32
    %c0_i32_1 = arith.constant 0 : i32
    return %c0_i32, %c0_i32_0 : i32, i32
  }
  func.func @transform_22(%arg0: i32) -> (i32, i32) {
    %c0_i32 = arith.constant 0 : i32
    %c0_i32_0 = arith.constant 0 : i32
    %c0_i32_1 = arith.constant 0 : i32
    return %c0_i32, %c0_i32_0 : i32, i32
  }
  func.func @transform_23(%arg0: i32) -> (i32, i32) {
    %c0_i32 = arith.constant 0 : i32
    %c0_i32_0 = arith.constant 0 : i32
    %c0_i32_1 = arith.constant 0 : i32
    return %c0_i32, %c0_i32_0 : i32, i32
  }
  func.func @transform_24(%arg0: i32) -> (i32, i32) {
    %c0_i32 = arith.constant 0 : i32
    %c0_i32_0 = arith.constant 0 : i32
    %c0_i32_1 = arith.constant 0 : i32
    return %c0_i32, %c0_i32_0 : i32, i32
  }
  func.func @transform_25(%arg0: i32) -> (i32, i32) {
    %c0_i32 = arith.constant 0 : i32
    %c0_i32_0 = arith.constant 0 : i32
    %c0_i32_1 = arith.constant 0 : i32
    return %c0_i32, %c0_i32_0 : i32, i32
  }
  func.func @transform_26(%arg0: i32) -> (i32, i32) {
    %c0_i32 = arith.constant 0 : i32
    %c0_i32_0 = arith.constant 0 : i32
    %c0_i32_1 = arith.constant 0 : i32
    return %c0_i32, %c0_i32_0 : i32, i32
  }
  func.func @transform_27(%arg0: i32) -> (i32, i32) {
    %c0_i32 = arith.constant 0 : i32
    %c0_i32_0 = arith.constant 0 : i32
    %c0_i32_1 = arith.constant 0 : i32
    return %c0_i32, %c0_i32_0 : i32, i32
  }
  func.func @transform_28(%arg0: i32) -> (i32, i32) {
    %c0_i32 = arith.constant 0 : i32
    %c0_i32_0 = arith.constant 0 : i32
    %c0_i32_1 = arith.constant 0 : i32
    return %c0_i32, %c0_i32_0 : i32, i32
  }
  func.func @transform_29(%arg0: i32) -> (i32, i32) {
    %c0_i32 = arith.constant 0 : i32
    %c0_i32_0 = arith.constant 0 : i32
    return %arg0, %c0_i32 : i32, i32
  }
}

</mosaic_0001>

<sc_bundles>
// kernel: kernel.10.cloned.1.call-start
scs
__scs_entry_jumppad:
0x0: {  	(pc) =	sbr.rel $0x88, $3  }
0x1: {  	(tag) =	ssettag $0x0;
	lr =	simm.s32 $0x1  }
0x2: {  	[smem:$0x3F78] =	sst lr;
	_ =	strace $0xD0000000  }
0x3: {  	_ = 	snop  }
0x4: {  	_ = 	snop  }
0x5: {  	_ = 	snop  }
0x6: {  	_ = 	snop  }
0x7: {  	_ = 	snop  }
__scs_overlays_trampoline_lowered:
0x8: {  	[smem:$0x3F87] =	sst s0  }
0x9: {  	[smem:$0x3F88] =	sst s1  }
0xa: {  	[smem:$0x3F89] =	sst s2  }
0xb: {  	[smem:$0x3F8A] =	sst s3  }
0xc: {  	[smem:$0x3F8B] =	sst s4  }
0xd: {  	[smem:$0x3F8C] =	sst s5  }
0xe: {  	[smem:$0x3F8D] =	sst s6  }
0xf: {  	[smem:$0x3F8E] =	sst s7  }
0x10: {  	[smem:$0x3F8F] =	sst s8  }
0x11: {  	[smem:$0x3F90] =	sst s9;
	s0 =	simm.s32 @!p0 $0x0  }
0x12: {  	s1 =	sld [smem:$0x3F76];
	s0 =	simm.s32 @p0 $0x1  }
0x13: {  	[smem:$0x3F91] =	sst s0;
	s0 =	simm.s32 @!p1 $0x0  }
0x14: {  	s2 =	sld [smem:$0x3F75];
	s0 =	simm.s32 @p1 $0x1  }
0x15: {  	[smem:$0x3F92] =	sst s0;
	s0 =	simm.s32 @!p2 $0x0  }
0x16: {  	s3 =	sld [smem:$0x3FDB];
	s0 =	simm.s32 @p2 $0x1  }
0x17: {  	s4 =	simm.s32 $0x1BF5;
	[smem:$0x3F94] =	sst s0  }
0x18: {  	s0 =	sld [smem:$0x3F77];
	_ =	swait.ge [sflag:s4], $0x0  }
0x19: {  	s7 =	sld [smem:$0x3F78]  }
0x1a: {  	s8 =	sadd.s32 $0xFFFFE003, lr  }
0x1b: {  	s9 =	sadd.s32 $0xFFFFFEF7, lr;
	s5 =	simm.s32 $0xFFFFFFFF;
	p2 =	slt.u32 s8, $0xFFFFF086  }
0x1c: {  	p1 =	slt.u32 s9, $0xF7A;
	s5 =	simm.s32 @!p2 $0x0  }
0x1d: {  	s5 =	simm.s32 @p1 $0x1;
	p0 =	seq.s32 s7, s2  }
0x1e: {  	s7 =	smul.u32 @!p0 $0xF7A, s2;
	p2 =	seq.s32 @!p0 s5, $0x0  }
0x1f: {  	s9 =	smul.u32 $0xF7A, s1;
	s8 =	simm.s32 @!p0 $0x1BF5;
	p2 =	por !p2, p0  }
0x20: {  	[sflag:s8] =	ssyncset.s32 @!p0 $0xFFFFF086;
	s6 =	sadd.s32 @!p0 s3, s7;
	s7 =	simm.s32 @!p0 $0x108  }
0x21: {  	s3 =	sadd.s32 s3, s9;
	s6 =	sadd.s32 @!p0 $0x88, s6;
	s7 =	simm.s32 @p2 $0x1082  }
0x22: {  	[simem:s7], [sflag:s8] =	dma.local @!p0 [hbm:s6], $0xF7A  }
0x23: {  	s9 =	sor.u32 $0xD0000000, s2;
	s6 =	simm.s32 $0x108;
	_ =	swait.ge @!p0 [sflag:s8], $0x0  }
0x24: {  	s3 =	sadd.s32 $0x88, s3;
	s6 =	simm.s32 @!p1 $0x1082;
	[sflag:s4] =	ssyncset.s32 $0xFFFFF086  }
0x25: {  	[simem:s6], [sflag:s4] =	dma.local [hbm:s3], $0xF7A  }
0x26: {  	[smem:$0x3F78] =	sst s1;
	(tag) =	ssettag s2;
	_ =	strace s9  }
0x27: {  	s1 =	sld [smem:$0x3F88]  }
0x28: {  	s2 =	sld [smem:$0x3F89]  }
0x29: {  	s4 =	sld [smem:$0x3F8B]  }
0x2a: {  	p0 =	seq.s32 s5, $0x0;
	s5 =	sld [smem:$0x3F8C]  }
0x2b: {  	s6 =	sld [smem:$0x3F8D]  }
0x2c: {  	s7 =	sld [smem:$0x3F8E]  }
0x2d: {  	s3 =	simm.s32 $0x108;
	s8 =	sld [smem:$0x3F8F]  }
0x2e: {  	s3 =	simm.s32 @!p0 $0x1082;
	s9 =	sld [smem:$0x3F90]  }
0x2f: {  	lr =	sadd.s32 s0, s3;
	s0 =	sld [smem:$0x3F87]  }
0x30: {  	s3 =	sld [smem:$0x3F8A]  }
0x31: {  	[smem:$0x3F93] =	sst s10  }
0x32: {  	s10 =	sld [smem:$0x3F91];
	_ =	sdelay $0x3  }
0x33: {  	p0 =	seq.s32 s10, $0x1;
	s10 =	sld [smem:$0x3F93];
	_ =	sdelay $0x3  }
0x34: {  	[smem:$0x3F93] =	sst s10  }
0x35: {  	s10 =	sld [smem:$0x3F92];
	_ =	sdelay $0x3  }
0x36: {  	p1 =	seq.s32 s10, $0x1;
	s10 =	sld [smem:$0x3F93];
	_ =	sdelay $0x3  }
0x37: {  	[smem:$0x3F93] =	sst s10  }
0x38: {  	s10 =	sld [smem:$0x3F94]  }
0x39: {  	_ = 	snop;
	(pc) =	sbr.ind lr, $3  }
0x3a: {  	_ = 	snop  }
0x3b: {  	_ = 	snop  }
0x3c: {  	p2 =	seq.s32 s10, $0x1;
	s10 =	sld [smem:$0x3F93]  }
0x3d: {  	_ =	shalt  }
0x3e: {  	_ =	shalt  }
0x3f: {  	_ =	shalt  }
0x40: {  	_ =	shalt  }
0x41: {  	_ =	shalt  }
0x42: {  	_ =	shalt  }
0x43: {  	_ =	shalt  }
0x44: {  	_ =	shalt  }
0x45: {  	_ =	shalt  }
0x46: {  	_ =	shalt  }
0x47: {  	_ =	shalt  }
0x48: {  	_ =	shalt  }
0x49: {  	_ =	shalt  }
0x4a: {  	_ =	shalt  }
0x4b: {  	_ =	shalt  }
0x4c: {  	_ =	shalt  }
0x4d: {  	_ =	shalt  }
0x4e: {  	_ =	shalt  }
0x4f: {  	_ =	shalt  }
0x50: {  	_ =	shalt  }
0x51: {  	_ =	shalt  }
0x52: {  	_ =	shalt  }
0x53: {  	_ =	shalt  }
0x54: {  	_ =	shalt  }
0x55: {  	_ =	shalt  }
0x56: {  	_ =	shalt  }
0x57: {  	_ =	shalt  }
0x58: {  	_ =	shalt  }
0x59: {  	_ =	shalt  }
0x5a: {  	_ =	shalt  }
0x5b: {  	_ =	shalt  }
0x5c: {  	_ =	shalt  }
0x5d: {  	_ =	shalt  }
0x5e: {  	_ =	shalt  }
0x5f: {  	_ =	shalt  }
0x60: {  	_ =	shalt  }
0x61: {  	_ =	shalt  }
0x62: {  	_ =	shalt  }
0x63: {  	_ =	shalt  }
0x64: {  	_ =	shalt  }
0x65: {  	_ =	shalt  }
0x66: {  	_ =	shalt  }
0x67: {  	_ =	shalt  }
0x68: {  	_ =	shalt  }
0x69: {  	_ =	shalt  }
0x6a: {  	_ =	shalt  }
0x6b: {  	_ =	shalt  }
0x6c: {  	_ =	shalt  }
0x6d: {  	_ =	shalt  }
0x6e: {  	_ =	shalt  }
0x6f: {  	_ =	shalt  }
0x70: {  	_ =	shalt  }
0x71: {  	_ =	shalt  }
0x72: {  	_ =	shalt  }
0x73: {  	_ =	shalt  }
0x74: {  	_ =	shalt  }
0x75: {  	_ =	shalt  }
0x76: {  	_ =	shalt  }
0x77: {  	_ =	shalt  }
0x78: {  	_ =	shalt  }
0x79: {  	_ =	shalt  }
0x7a: {  	_ =	shalt  }
0x7b: {  	_ =	shalt  }
0x7c: {  	_ =	shalt  }
0x7d: {  	_ =	shalt  }
0x7e: {  	_ =	shalt  }
0x7f: {  	_ =	shalt  }
0x80: {  	_ =	shalt  }
0x81: {  	_ =	shalt  }
0x82: {  	_ =	shalt  }
0x83: {  	_ =	shalt  }
0x84: {  	_ =	shalt  }
0x85: {  	_ =	shalt  }
0x86: {  	_ =	shalt  }
0x87: {  	_ =	shalt  }
.Lfunc_end0:
.L_simem_size_0:
called_computation.1_lowered:
.L_overlay_start_0:
0x88: {  	s2 =	sld [smem:$0x3FD9]  }
0x89: {  	s3 =	sld [smem:$0x3FFE];
	_ =	sdelay $0x1  }
0x8a: {  	s1 =	srdreg.scid  }
0x8b: {  	s0 =	sand.u32 $0x1, s1  }
0x8c: {  	s16 =	sshll.u32 s0, $0xA;
	s2 =	sadd.s32 s3, s2  }
0x8d: {  	s2 =	sadd.s32 s2, s16  }
0x8e: {  	[smem:$0x3F9F] =	sst s2  }
0x8f: {  	_ = 	snop  }
0x90: {  	(tm) =	ssettm $0x1  }
0x91: {  	s17 =	sld [smem:$0x3FFB];
	_ =	sdelay $0x3  }
0x92: {  	_ =	strace s17  }
0x93: {  	s2 =	sld [smem:$0x3FFC];
	_ =	sdelay $0x3  }
0x94: {  	_ =	strace s2  }
0x95: {  	s2 =	sld [smem:$0x3FFD];
	_ =	sdelay $0x3  }
0x96: {  	_ =	strace s2  }
0x97: {  	_ =	strace $0x8FFFFFFF  }
0x98: {  	s18 =	sld [smem:$0x3FDB];
	_ =	sdelay $0x1  }
0x99: {  	s19 =	simm.s32 $_scs_section_size  }
0x9a: {  	s4 =	simm.s32 $_size__tile_overlayer_lowered;
	s5 =	simm.s32 $_tile_overlayer_lowered  }
0x9b: {  	s22 =	simm.s32 $0x1BFF;
	s21 =	sshll.u32 s5, $0x1;
	s2 =	sadd.s32 s19, s18  }
0x9c: {  	s6 =	simm.s32 $0x0;
	s20 =	sshll.u32 s4, $0x1;
	s4 =	sadd.s32 s21, s2  }
0x9d: {  	[timem:s6], [sflag:s22] =	dma.local [hbm:s4], s20  }
0x9e: {  	_ =	swait.ge [sflag:s22], s20  }
0x9f: {  	s3 =	ssub.s32 $0x0, s20;
	[sflag:s22] =	ssyncset.done $0x0  }
0xa0: {  	[sflag:s22] =	ssyncadd.s32 s3;
	_ =	sdelay $0x1  }
0xa1: {  	s23 =	simm.s32 $0x1B8B  }
0xa2: {  	_ =	swait.ge [sflag:s23], $0x1  }
0xa3: {  	[sflag:s23] =	ssyncset.done $0x0  }
0xa4: {  	s25 =	simm.s32 $0x1B8E;
	s24 =	sld [smem:$0x3FFE];
	[sflag:s23] =	ssyncadd.s32 $0xFFFFFFFF  }
0xa5: {  	s26 =	simm.s32 $execute0_lowered;
	[smem:$0x3FD2] =	sst s25  }
0xa6: {  	s4 =	sshll.u32 s26, $0x1;
	_ =	strace $0x80000049;
	[dreg:$0x1] =	wrdreg $0xFFFFFFFF  }
0xa7: {  	s28 =	simm.s32 $_size_execute0_lowered;
	s2 =	sadd.s32 s2, s4;
	[dreg:$0x0] =	wrdreg $0x0  }
0xa8: {  	s4 =	sshll.u32 s28, $0x1;
	[dreg:$0x2] =	wrdreg s2  }
0xa9: {  	[dreg:$0x3] =	wrdreg s4  }
0xaa: {  	[dreg:$0x4] =	wrdreg $0xC0  }
0xab: {  	_ =	task [dreg:s6], $0x5FFFF  }
0xac: {  	[dreg:$0x1] =	wrdreg $0xFFFFFFFF  }
0xad: {  	[dreg:$0x0] =	wrdreg $0x60  }
0xae: {  	[dreg:$0x2] =	wrdreg s24  }
0xaf: {  	[dreg:$0x3] =	wrdreg $0x9  }
0xb0: {  	_ =	task.clear_ibuf [dreg:s6], $0x4FFFF;
	_ =	strace $0x90000049  }
0xb1: {  	s29 =	simm.s32 $0x9;
	_ =	strace $0x8000004B  }
0xb2: {  	_ =	swait.ge [sflag:s29], $0x1  }
0xb3: {  	[sflag:s29] =	ssyncadd.s32 $0xFFFFFFFF  }
0xb4: {  	_ =	strace $0x9000004B  }
0xb5: {  	_ =	sfence  }
0xb6: {  	s30 =	sld [smem:$0x0];
	_ =	sdelay $0x2  }
0xb7: {  	s31 =	sshll.u32 s1, $0xD;
	s1 =	sshrl.u32 s1, $0x2  }
0xb8: {  	s3 =	sand.u32 $0x4000, s31;
	s1 =	sadd.s32 s1, s30  }
0xb9: {  	s0 =	sor.u32 s3, s0;
	s1 =	sshll.u32 s1, $0x11  }
0xba: {  	s0 =	sor.u32 s1, s0  }
0xbb: {  	s0 =	sadd.s32 $0x8F2B, s0  }
0xbc: {  	[sflag:s0] =	ssyncadd.remote.s32 $0x1  }
0xbd: {  	_ =	sfence.sel $0xFFFF  }
0xbe: {  	[dreg:$0x0] =	wrdreg $0xFFFFFFFF;
	(pc) =	sbr.abs _section_cstart, $3  }
0xbf: {  	[dreg:$0x1] =	wrdreg $0xFFFFFFFF  }
0xc0: {  	_ =	task.clear_ibuf [dreg:s6], $0x2FFFF;
	_ =	strace $0x9FFFFFFF  }
0xc1: {  	(tm) =	ssettm $0x7FFFFFFF  }
tec
execute0_lowered:
.L_overlay_start_1:
0x0: {  	(tag) =	ssettag $0x1  }
0x1: {  	s0 =	srdreg.scid  }
0x2: {  	s10 =	stileid.u32;
	s1 =	rddreg [dreg:$0x0];
	s2 =	simm.s32 $0x0  }
0x3: {  	s19 =	simm.s32 $0x1400;
	s29 =	simm.s32 $0x2400;
	s30 =	simm.s32 $0x3400  }
0x4: {  	s28 =	simm.s32 $0x5400;
	s12 =	simm.s32 $0x8400;
	s13 =	simm.s32 $0x8C00  }
0x5: {  	s31 =	simm.s32 $0x9400;
	s14 =	simm.s32 $0x9C00;
	s11 =	simm.s32 $0xA400  }
0x6: {  	s15 =	simm.s32 $0x1;
	s16 =	simm.s32 $0x2;
	s17 =	simm.s32 $0x3  }
0x7: {  	s18 =	simm.s32 $0x4;
	s0 =	sand.u32 $0x1, s0;
	s7 =	smul.u32 $0x280000, s10  }
0x8: {  	s3 =	sshll.u32 s10, $0x1;
	[smem:$0x7FF] =	sst s2;
	s21 =	smul.u32 $0x50000, s10  }
0x9: {  	s10 =	simm.s32 $0x7C00;
	s4 =	sor.u32 s0, s3;
	s9 =	smul.u32 $0x140000, s0  }
0xa: {  	_ =	strace $0x8000004A;
	s6 =	ssub.s32 $0x2, s0;
	s0 =	smul.u32 $0x28000, s0  }
0xb: {  	s3 =	sadd.s32 $0x65F200, s1;
	s5 =	smul.u32 $0x1400, s4;
	s8 =	sshrl.u32 s6, $0x1  }
0xc: {  	s4 =	smul.u32 $0x140000, s4;
	s6 =	ssub.s32 s6, s8;
	s20 =	sadd.s32 s9, s7  }
0xd: {  	s7 =	simm.s32 $0x6400;
	s8 =	simm.s32 $0x6C00;
	s9 =	simm.s32 $0x7400  }
0xe: {  	s5 =	sshrl.u32 s5, $0x3;
	s4 =	sshrl.u32 s4, $0x3;
	s26 =	smax.u32 s6, $0x1  }
0xf: {  	s6 =	simm.s32 $0xD400;
	s5 =	sadd.s32 s5, s1;
	s1 =	sadd.s32 $0x6AD400, s1  }
0x10: {  	[dreg:$0x9] =	wrdreg s26;
	s5 =	sadd.s32 $0x8800, s5;
	s4 =	sadd.s32 s1, s4  }
0x11: {  	s26 =	simm.s32 $0x1C00;
	[dreg:$0x4] =	wrdreg s5;
	s22 =	sadd.s32 $0x26000, s4  }
0x12: {  	s5 =	sshrl.u32 s20, $0x3;
	s23 =	sadd.s32 $0x26800, s4;
	[dreg:$0x5] =	wrdreg s22  }
0x13: {  	s24 =	sadd.s32 $0x27000, s4;
	s25 =	sadd.s32 $0x27800, s4;
	[dreg:$0x6] =	wrdreg s23  }
0x14: {  	s4 =	simm.s32 $0x4C00;
	s20 =	simm.s32 $0x5;
	[dreg:$0x7] =	wrdreg s24  }
0x15: {  	s5 =	sadd.s32 s5, s1;
	s1 =	sadd.s32 s21, s1;
	[dreg:$0x8] =	wrdreg s25  }
0x16: {  	s25 =	simm.s32 $0x2C00;
	s21 =	simm.s32 $0x6;
	s22 =	simm.s32 $0x7  }
0x17: {  	v2 =	vlaneseq.u32;
	s23 =	simm.s32 $0x8;
	s24 =	simm.s32 $0x0;
	[dreg:$0x2] =	wrdreg s5  }
0x18: {  	vm0 =	vmmov $0xffff;
	v1 =	vshrl.u32 v2, $0x3;
	s0 =	sadd.s32 s0, s1;
	s1 =	simm.s32 $0x3C00;
	[dreg:$0xa] =	wrdreg s24  }
0x19: {  	v0 =	vand.u32 $0x7, v2;
	v2 =	vor.u32 $0x8, v2;
	v1 =	vmul.u32 $0x8, v1;
	s5 =	simm.s32 $0x5C00;
	[dreg:$0x3] =	wrdreg s0;
	s0 =	simm.s32 $0x4400  }
.LBB2_1:
0x1a: {  	s24 =	rddreg [dreg:$0x4]  }
0x1b: {  	[tilespmem:s2], [sflag:$0x9] =	stream.linear.gather [hbm4b:s24+s2], $0x1400, $0x38;
	[tilespmem:$0x11400] =	vst v63  }
0x1c: {  	s24 =	simm.s32 $0x9  }
0x1d: {  	_ =	swait.ge [sflag:s24], $0x1400  }
0x1e: {  	[sflag:s24] =	ssyncset.done $0x0  }
0x1f: {  	[sflag:s24] =	ssyncadd.s32 $0xFFFFEC00  }
0x20: {  	v3 =	vld [tilespmem:$0x0];
	_ =	sdelay $0x4  }
0x21: {  	v4 =	vshll.u32 v3, $0x1  }
0x22: {  	v3 =	vand.u32 $0x7, v3;
	v4 =	vand.u32 $0xFFFFFFF0, v4  }
0x23: {  	v3 =	vor.u32 v3, v4  }
0x24: {  	v4 =	vperm.xlane v3, v0;
	_ =	sdelay $0x1  }
0x25: {  	v3 =	vperm.xlane v3, v2;
	v4 =	vadd.s32 v1, v4;
	_ =	sdelay $0x1  }
0x26: {  	v3 =	vadd.s32 v1, v3;
	_ =	sdelay $0x2  }
0x27: {  	[tilespmem:s19], [sflag:$0x1] =	stream.indirect_vreg.gather [hbm4b:s3+s2], $0x80, v4, vm0, $0xb8;
	[tilespmem:$0x11400] =	vst v63  }
0x28: {  	_ = 	snop  }
0x29: {  	[tilespmem:s26], [sflag:$0x1] =	stream.indirect_vreg.gather [hbm4b:s3+s2], $0x80, v3, vm0, $0xb8;
	[tilespmem:$0x11400] =	vst v63  }
0x2a: {  	v3 =	vld [tilespmem:$0x10];
	_ =	sdelay $0x4  }
0x2b: {  	v49 =	vshll.u32 v3, $0x1  }
0x2c: {  	v3 =	vand.u32 $0x7, v3;
	v4 =	vand.u32 $0xFFFFFFF0, v49  }
0x2d: {  	v3 =	vor.u32 v3, v4  }
0x2e: {  	v4 =	vperm.xlane v3, v0;
	_ =	sdelay $0x1  }
0x2f: {  	v3 =	vperm.xlane v3, v2;
	v4 =	vadd.s32 v1, v4;
	_ =	sdelay $0x1  }
0x30: {  	v3 =	vadd.s32 v1, v3;
	_ =	sdelay $0x2  }
0x31: {  	[tilespmem:s29], [sflag:$0x1] =	stream.indirect_vreg.gather [hbm4b:s3+s2], $0x80, v4, vm0, $0xb8;
	[tilespmem:$0x11400] =	vst v63  }
0x32: {  	_ = 	snop  }
0x33: {  	[tilespmem:s25], [sflag:$0x1] =	stream.indirect_vreg.gather [hbm4b:s3+s2], $0x80, v3, vm0, $0xb8;
	[tilespmem:$0x11400] =	vst v63  }
0x34: {  	v3 =	vld [tilespmem:$0x20];
	_ =	sdelay $0x4  }
0x35: {  	v50 =	vshll.u32 v3, $0x1  }
0x36: {  	v3 =	vand.u32 $0x7, v3;
	v4 =	vand.u32 $0xFFFFFFF0, v50  }
0x37: {  	v3 =	vor.u32 v3, v4  }
0x38: {  	v4 =	vperm.xlane v3, v0;
	_ =	sdelay $0x1  }
0x39: {  	v3 =	vperm.xlane v3, v2;
	v4 =	vadd.s32 v1, v4;
	_ =	sdelay $0x1  }
0x3a: {  	v3 =	vadd.s32 v1, v3;
	_ =	sdelay $0x2  }
0x3b: {  	[tilespmem:s30], [sflag:$0x1] =	stream.indirect_vreg.gather [hbm4b:s3+s2], $0x80, v4, vm0, $0xb8;
	[tilespmem:$0x11400] =	vst v63  }
0x3c: {  	_ = 	snop  }
0x3d: {  	[tilespmem:s1], [sflag:$0x1] =	stream.indirect_vreg.gather [hbm4b:s3+s2], $0x80, v3, vm0, $0xb8;
	[tilespmem:$0x11400] =	vst v63  }
0x3e: {  	v3 =	vld [tilespmem:$0x30];
	_ =	sdelay $0x4  }
0x3f: {  	v51 =	vshll.u32 v3, $0x1  }
0x40: {  	v3 =	vand.u32 $0x7, v3;
	v4 =	vand.u32 $0xFFFFFFF0, v51  }
0x41: {  	v3 =	vor.u32 v3, v4  }
0x42: {  	v4 =	vperm.xlane v3, v0;
	_ =	sdelay $0x1  }
0x43: {  	v3 =	vperm.xlane v3, v2;
	v4 =	vadd.s32 v1, v4;
	_ =	sdelay $0x1  }
0x44: {  	v3 =	vadd.s32 v1, v3;
	_ =	sdelay $0x2  }
0x45: {  	[tilespmem:s0], [sflag:$0x1] =	stream.indirect_vreg.gather [hbm4b:s3+s2], $0x80, v4, vm0, $0xb8;
	[tilespmem:$0x11400] =	vst v63  }
0x46: {  	_ = 	snop  }
0x47: {  	[tilespmem:s4], [sflag:$0x1] =	stream.indirect_vreg.gather [hbm4b:s3+s2], $0x80, v3, vm0, $0xb8;
	[tilespmem:$0x11400] =	vst v63  }
0x48: {  	v3 =	vld [tilespmem:$0x40];
	_ =	sdelay $0x4  }
0x49: {  	v52 =	vshll.u32 v3, $0x1  }
0x4a: {  	v3 =	vand.u32 $0x7, v3;
	v4 =	vand.u32 $0xFFFFFFF0, v52  }
0x4b: {  	v3 =	vor.u32 v3, v4  }
0x4c: {  	v4 =	vperm.xlane v3, v0;
	_ =	sdelay $0x1  }
0x4d: {  	v3 =	vperm.xlane v3, v2;
	v4 =	vadd.s32 v1, v4;
	_ =	sdelay $0x1  }
0x4e: {  	v3 =	vadd.s32 v1, v3;
	_ =	sdelay $0x2  }
0x4f: {  	[tilespmem:s28], [sflag:$0x2] =	stream.indirect_vreg.gather [hbm4b:s3+s2], $0x80, v4, vm0, $0xb8;
	[tilespmem:$0x11400] =	vst v63  }
0x50: {  	_ = 	snop  }
0x51: {  	[tilespmem:s5], [sflag:$0x2] =	stream.indirect_vreg.gather [hbm4b:s3+s2], $0x80, v3, vm0, $0xb8;
	[tilespmem:$0x11400] =	vst v63  }
0x52: {  	v3 =	vld [tilespmem:$0x50];
	_ =	sdelay $0x4  }
0x53: {  	v53 =	vshll.u32 v3, $0x1  }
0x54: {  	v3 =	vand.u32 $0x7, v3;
	v4 =	vand.u32 $0xFFFFFFF0, v53  }
0x55: {  	v3 =	vor.u32 v3, v4  }
0x56: {  	v4 =	vperm.xlane v3, v0;
	_ =	sdelay $0x1  }
0x57: {  	v3 =	vperm.xlane v3, v2;
	v4 =	vadd.s32 v1, v4;
	_ =	sdelay $0x1  }
0x58: {  	v3 =	vadd.s32 v1, v3;
	_ =	sdelay $0x2  }
0x59: {  	[tilespmem:s7], [sflag:$0x2] =	stream.indirect_vreg.gather [hbm4b:s3+s2], $0x80, v4, vm0, $0xb8;
	[tilespmem:$0x11400] =	vst v63  }
0x5a: {  	_ = 	snop  }
0x5b: {  	[tilespmem:s8], [sflag:$0x2] =	stream.indirect_vreg.gather [hbm4b:s3+s2], $0x80, v3, vm0, $0xb8;
	[tilespmem:$0x11400] =	vst v63  }
0x5c: {  	v3 =	vld [tilespmem:$0x60];
	_ =	sdelay $0x4  }
0x5d: {  	v54 =	vshll.u32 v3, $0x1  }
0x5e: {  	v3 =	vand.u32 $0x7, v3;
	v4 =	vand.u32 $0xFFFFFFF0, v54  }
0x5f: {  	v3 =	vor.u32 v3, v4  }
0x60: {  	v4 =	vperm.xlane v3, v0;
	_ =	sdelay $0x1  }
0x61: {  	v3 =	vperm.xlane v3, v2;
	v4 =	vadd.s32 v1, v4;
	_ =	sdelay $0x1  }
0x62: {  	v3 =	vadd.s32 v1, v3;
	_ =	sdelay $0x2  }
0x63: {  	[tilespmem:s9], [sflag:$0x2] =	stream.indirect_vreg.gather [hbm4b:s3+s2], $0x80, v4, vm0, $0xb8;
	[tilespmem:$0x11400] =	vst v63  }
0x64: {  	_ = 	snop  }
0x65: {  	[tilespmem:s10], [sflag:$0x2] =	stream.indirect_vreg.gather [hbm4b:s3+s2], $0x80, v3, vm0, $0xb8;
	[tilespmem:$0x11400] =	vst v63  }
0x66: {  	v3 =	vld [tilespmem:$0x70];
	_ =	sdelay $0x4  }
0x67: {  	v55 =	vshll.u32 v3, $0x1  }
0x68: {  	v3 =	vand.u32 $0x7, v3;
	v4 =	vand.u32 $0xFFFFFFF0, v55  }
0x69: {  	v3 =	vor.u32 v3, v4  }
0x6a: {  	v4 =	vperm.xlane v3, v0;
	_ =	sdelay $0x1  }
0x6b: {  	v3 =	vperm.xlane v3, v2;
	v4 =	vadd.s32 v1, v4;
	_ =	sdelay $0x1  }
0x6c: {  	v3 =	vadd.s32 v1, v3;
	_ =	sdelay $0x2  }
0x6d: {  	[tilespmem:s12], [sflag:$0x2] =	stream.indirect_vreg.gather [hbm4b:s3+s2], $0x80, v4, vm0, $0xb8;
	[tilespmem:$0x11400] =	vst v63  }
0x6e: {  	_ = 	snop  }
0x6f: {  	[tilespmem:s13], [sflag:$0x2] =	stream.indirect_vreg.gather [hbm4b:s3+s2], $0x80, v3, vm0, $0xb8;
	[tilespmem:$0x11400] =	vst v63  }
0x70: {  	v3 =	vld [tilespmem:$0x80];
	_ =	sdelay $0x4  }
0x71: {  	v56 =	vshll.u32 v3, $0x1  }
0x72: {  	v3 =	vand.u32 $0x7, v3;
	v4 =	vand.u32 $0xFFFFFFF0, v56  }
0x73: {  	v3 =	vor.u32 v3, v4  }
0x74: {  	v4 =	vperm.xlane v3, v0;
	_ =	sdelay $0x1  }
0x75: {  	v3 =	vperm.xlane v3, v2;
	v4 =	vadd.s32 v1, v4;
	_ =	sdelay $0x1  }
0x76: {  	v3 =	vadd.s32 v1, v3;
	_ =	sdelay $0x2  }
0x77: {  	[tilespmem:s31], [sflag:$0x3] =	stream.indirect_vreg.gather [hbm4b:s3+s2], $0x80, v4, vm0, $0xb8;
	[tilespmem:$0x11400] =	vst v63  }
0x78: {  	_ = 	snop  }
0x79: {  	[tilespmem:s14], [sflag:$0x3] =	stream.indirect_vreg.gather [hbm4b:s3+s2], $0x80, v3, vm0, $0xb8;
	[tilespmem:$0x11400] =	vst v63  }
0x7a: {  	v3 =	vld [tilespmem:$0x90];
	_ =	sdelay $0x4  }
0x7b: {  	v57 =	vshll.u32 v3, $0x1  }
0x7c: {  	v3 =	vand.u32 $0x7, v3;
	v4 =	vand.u32 $0xFFFFFFF0, v57  }
0x7d: {  	v3 =	vor.u32 v3, v4  }
0x7e: {  	v4 =	vperm.xlane v3, v0;
	_ =	sdelay $0x1  }
0x7f: {  	v3 =	vperm.xlane v3, v2;
	v4 =	vadd.s32 v1, v4;
	_ =	sdelay $0x1  }
0x80: {  	v3 =	vadd.s32 v1, v3;
	_ =	sdelay $0x2  }
0x81: {  	[tilespmem:s11], [sflag:$0x3] =	stream.indirect_vreg.gather [hbm4b:s3+s2], $0x80, v4, vm0, $0xb8;
	[tilespmem:$0x11400] =	vst v63  }
0x82: {  	s12 =	simm.s32 $0xAC00  }
0x83: {  	[tilespmem:s12], [sflag:$0x3] =	stream.indirect_vreg.gather [hbm4b:s3+s2], $0x80, v3, vm0, $0xb8;
	[tilespmem:$0x11400] =	vst v63  }
0x84: {  	v3 =	vld [tilespmem:$0xA0];
	_ =	sdelay $0x4  }
0x85: {  	v58 =	vshll.u32 v3, $0x1  }
0x86: {  	v3 =	vand.u32 $0x7, v3;
	v4 =	vand.u32 $0xFFFFFFF0, v58  }
0x87: {  	v3 =	vor.u32 v3, v4  }
0x88: {  	v4 =	vperm.xlane v3, v0;
	_ =	sdelay $0x1  }
0x89: {  	v3 =	vperm.xlane v3, v2;
	v4 =	vadd.s32 v1, v4;
	_ =	sdelay $0x1  }
0x8a: {  	v3 =	vadd.s32 v1, v3;
	_ =	sdelay $0x1  }
0x8b: {  	s13 =	simm.s32 $0xB400  }
0x8c: {  	[tilespmem:s13], [sflag:$0x3] =	stream.indirect_vreg.gather [hbm4b:s3+s2], $0x80, v4, vm0, $0xb8;
	[tilespmem:$0x11400] =	vst v63  }
0x8d: {  	s14 =	simm.s32 $0xBC00  }
0x8e: {  	[tilespmem:s14], [sflag:$0x3] =	stream.indirect_vreg.gather [hbm4b:s3+s2], $0x80, v3, vm0, $0xb8;
	[tilespmem:$0x11400] =	vst v63  }
0x8f: {  	v3 =	vld [tilespmem:$0xB0];
	_ =	sdelay $0x4  }
0x90: {  	v59 =	vshll.u32 v3, $0x1  }
0x91: {  	v3 =	vand.u32 $0x7, v3;
	v4 =	vand.u32 $0xFFFFFFF0, v59  }
0x92: {  	v3 =	vor.u32 v3, v4  }
0x93: {  	v4 =	vperm.xlane v3, v0;
	_ =	sdelay $0x1  }
0x94: {  	v3 =	vperm.xlane v3, v2;
	v4 =	vadd.s32 v1, v4;
	_ =	sdelay $0x1  }
0x95: {  	v3 =	vadd.s32 v1, v3;
	_ =	sdelay $0x1  }
0x96: {  	s19 =	simm.s32 $0xC400  }
0x97: {  	[tilespmem:s19], [sflag:$0x3] =	stream.indirect_vreg.gather [hbm4b:s3+s2], $0x80, v4, vm0, $0xb8;
	[tilespmem:$0x11400] =	vst v63  }
0x98: {  	s24 =	simm.s32 $0xCC00  }
0x99: {  	[tilespmem:s24], [sflag:$0x3] =	stream.indirect_vreg.gather [hbm4b:s3+s2], $0x80, v3, vm0, $0xb8;
	[tilespmem:$0x11400] =	vst v63  }
0x9a: {  	v3 =	vld [tilespmem:$0xC0];
	_ =	sdelay $0x4  }
0x9b: {  	v60 =	vshll.u32 v3, $0x1  }
0x9c: {  	v3 =	vand.u32 $0x7, v3;
	v4 =	vand.u32 $0xFFFFFFF0, v60  }
0x9d: {  	v3 =	vor.u32 v3, v4  }
0x9e: {  	v4 =	vperm.xlane v3, v0;
	_ =	sdelay $0x1  }
0x9f: {  	v3 =	vperm.xlane v3, v2;
	v4 =	vadd.s32 v1, v4;
	_ =	sdelay $0x1  }
0xa0: {  	v3 =	vadd.s32 v1, v3;
	_ =	sdelay $0x2  }
0xa1: {  	[tilespmem:s6], [sflag:$0x4] =	stream.indirect_vreg.gather [hbm4b:s3+s2], $0x80, v4, vm0, $0xb8;
	[tilespmem:$0x11400] =	vst v63  }
0xa2: {  	s25 =	simm.s32 $0xDC00  }
0xa3: {  	[tilespmem:s25], [sflag:$0x4] =	stream.indirect_vreg.gather [hbm4b:s3+s2], $0x80, v3, vm0, $0xb8;
	[tilespmem:$0x11400] =	vst v63  }
0xa4: {  	v3 =	vld [tilespmem:$0xD0];
	_ =	sdelay $0x4  }
0xa5: {  	v61 =	vshll.u32 v3, $0x1  }
0xa6: {  	v3 =	vand.u32 $0x7, v3;
	v4 =	vand.u32 $0xFFFFFFF0, v61  }
0xa7: {  	v3 =	vor.u32 v3, v4  }
0xa8: {  	v4 =	vperm.xlane v3, v0;
	_ =	sdelay $0x1  }
0xa9: {  	v3 =	vperm.xlane v3, v2;
	v4 =	vadd.s32 v1, v4;
	_ =	sdelay $0x1  }
0xaa: {  	v3 =	vadd.s32 v1, v3;
	_ =	sdelay $0x1  }
0xab: {  	s26 =	simm.s32 $0xE400  }
0xac: {  	[tilespmem:s26], [sflag:$0x4] =	stream.indirect_vreg.gather [hbm4b:s3+s2], $0x80, v4, vm0, $0xb8;
	[tilespmem:$0x11400] =	vst v63  }
0xad: {  	s28 =	simm.s32 $0xEC00  }
0xae: {  	[tilespmem:s28], [sflag:$0x4] =	stream.indirect_vreg.gather [hbm4b:s3+s2], $0x80, v3, vm0, $0xb8;
	[tilespmem:$0x11400] =	vst v63  }
0xaf: {  	v3 =	vld [tilespmem:$0xE0];
	_ =	sdelay $0x4  }
0xb0: {  	v62 =	vshll.u32 v3, $0x1  }
0xb1: {  	v3 =	vand.u32 $0x7, v3;
	v4 =	vand.u32 $0xFFFFFFF0, v62  }
0xb2: {  	v3 =	vor.u32 v3, v4  }
0xb3: {  	v4 =	vperm.xlane v3, v0;
	_ =	sdelay $0x1  }
0xb4: {  	v3 =	vperm.xlane v3, v2;
	v4 =	vadd.s32 v1, v4;
	_ =	sdelay $0x1  }
0xb5: {  	v3 =	vadd.s32 v1, v3;
	_ =	sdelay $0x1  }
0xb6: {  	s29 =	simm.s32 $0xF400  }
0xb7: {  	[tilespmem:s29], [sflag:$0x4] =	stream.indirect_vreg.gather [hbm4b:s3+s2], $0x80, v4, vm0, $0xb8;
	[tilespmem:$0x11400] =	vst v63  }
0xb8: {  	s31 =	simm.s32 $0xFC00  }
0xb9: {  	[tilespmem:s31], [sflag:$0x4] =	stream.indirect_vreg.gather [hbm4b:s3+s2], $0x80, v3, vm0, $0xb8;
	[tilespmem:$0x11400] =	vst v63  }
0xba: {  	v3 =	vld [tilespmem:$0xF0];
	_ =	sdelay $0x4  }
0xbb: {  	v63 =	vshll.u32 v3, $0x1  }
0xbc: {  	v3 =	vand.u32 $0x7, v3;
	v4 =	vand.u32 $0xFFFFFFF0, v63  }
0xbd: {  	v3 =	vor.u32 v3, v4  }
0xbe: {  	v4 =	vperm.xlane v3, v0;
	_ =	sdelay $0x1  }
0xbf: {  	v3 =	vperm.xlane v3, v2;
	v4 =	vadd.s32 v1, v4  }
0xc0: {  	s30 =	simm.s32 $0x10400;
	s0 =	simm.s32 $0x10C00  }
0xc1: {  	s4 =	simm.s32 $0x4C00;
	s5 =	simm.s32 $0x5C00;
	s7 =	simm.s32 $0x6400;
	v3 =	vadd.s32 v1, v3  }
0xc2: {  	s8 =	simm.s32 $0x6C00;
	s9 =	simm.s32 $0x7400;
	s10 =	simm.s32 $0x7C00  }
0xc3: {  	s11 =	simm.s32 $0xA400;
	s12 =	simm.s32 $0x8400;
	s13 =	simm.s32 $0x8C00  }
0xc4: {  	[tilespmem:s30], [sflag:$0x4] =	stream.indirect_vreg.gather [hbm4b:s3+s2], $0x80, v4, vm0, $0xb8;
	[tilespmem:$0x11400] =	vst v63  }
0xc5: {  	s14 =	simm.s32 $0x9C00;
	s24 =	simm.s32 $0x1F0;
	s25 =	simm.s32 $0x0  }
0xc6: {  	[tilespmem:s0], [sflag:$0x4] =	stream.indirect_vreg.gather [hbm4b:s3+s2], $0x80, v3, vm0, $0xb8;
	[tilespmem:$0x11400] =	vst v63  }
.LBB2_2:
0xc7: {  	_ =	swait.ge [sflag:s15], $0x4000  }
0xc8: {  	s26 =	rddreg [dreg:$0x2];
	[sflag:s15] =	ssyncset.done $0x0  }
0xc9: {  	s28 =	simm.s32 $0x1400;
	[sflag:s15] =	ssyncadd.s32 $0xFFFFC000;
	s26 =	sadd.s32 s25, s26  }
0xca: {  	[hbm4b:s26+s2] =	stream.linear.scatter [tilespmem:s28], [sflag:$0x5], $0x4000, $0x38;
	[tilespmem:$0x11400] =	vst v63  }
0xcb: {  	_ =	swait.ge [sflag:s16], $0x4000  }
0xcc: {  	s19 =	rddreg [dreg:$0x3]  }
0xcd: {  	[sflag:s16] =	ssyncset.done $0x0;
	s26 =	sadd.s32 s25, s19  }
0xce: {  	s31 =	simm.s32 $0x5400;
	[sflag:s16] =	ssyncadd.s32 $0xFFFFC000;
	s29 =	sadd.s32 $0x800, s26  }
0xcf: {  	[hbm4b:s29+s2] =	stream.linear.scatter [tilespmem:s31], [sflag:$0x6], $0x4000, $0x38;
	[tilespmem:$0x11400] =	vst v63  }
0xd0: {  	_ =	swait.ge [sflag:s17], $0x4000  }
0xd1: {  	[sflag:s17] =	ssyncset.done $0x0  }
0xd2: {  	s1 =	simm.s32 $0x9400;
	s29 =	sadd.s32 $0x1000, s26;
	[sflag:s17] =	ssyncadd.s32 $0xFFFFC000  }
0xd3: {  	[hbm4b:s29+s2] =	stream.linear.scatter [tilespmem:s1], [sflag:$0x7], $0x4000, $0x38;
	[tilespmem:$0x11400] =	vst v63  }
0xd4: {  	_ =	swait.ge [sflag:s18], $0x4000  }
0xd5: {  	[sflag:s18] =	ssyncset.done $0x0  }
0xd6: {  	s26 =	sadd.s32 $0x1800, s26;
	[sflag:s18] =	ssyncadd.s32 $0xFFFFC000  }
0xd7: {  	[hbm4b:s26+s2] =	stream.linear.scatter [tilespmem:s6], [sflag:$0x8], $0x4000, $0x38;
	[tilespmem:$0x11400] =	vst v63  }
0xd8: {  	_ =	swait.ge [sflag:s20], $0x4000  }
0xd9: {  	[sflag:s20] =	ssyncset.done $0x0  }
0xda: {  	[sflag:s20] =	ssyncadd.s32 $0xFFFFC000  }
0xdb: {  	v3 =	vld [tilespmem:s24+$0xFFFFFF10];
	_ =	sdelay $0x4  }
0xdc: {  	v4 =	vshll.u32 v3, $0x1  }
0xdd: {  	v3 =	vand.u32 $0x7, v3;
	v4 =	vand.u32 $0xFFFFFFF0, v4  }
0xde: {  	v3 =	vor.u32 v3, v4  }
0xdf: {  	v4 =	vperm.xlane v3, v0;
	_ =	sdelay $0x1  }
0xe0: {  	v3 =	vperm.xlane v3, v2;
	v4 =	vadd.s32 v1, v4;
	_ =	sdelay $0x1  }
0xe1: {  	v3 =	vadd.s32 v1, v3;
	_ =	sdelay $0x2  }
0xe2: {  	[tilespmem:s28], [sflag:$0x1] =	stream.indirect_vreg.gather [hbm4b:s3+s2], $0x80, v4, vm0, $0xb8;
	[tilespmem:$0x11400] =	vst v63  }
0xe3: {  	s26 =	simm.s32 $0x1C00  }
0xe4: {  	[tilespmem:s26], [sflag:$0x1] =	stream.indirect_vreg.gather [hbm4b:s3+s2], $0x80, v3, vm0, $0xb8;
	[tilespmem:$0x11400] =	vst v63  }
0xe5: {  	v3 =	vld [tilespmem:s24+$0xFFFFFF20];
	_ =	sdelay $0x4  }
0xe6: {  	v49 =	vshll.u32 v3, $0x1  }
0xe7: {  	v3 =	vand.u32 $0x7, v3;
	v4 =	vand.u32 $0xFFFFFFF0, v49  }
0xe8: {  	v3 =	vor.u32 v3, v4  }
0xe9: {  	v4 =	vperm.xlane v3, v0;
	_ =	sdelay $0x1  }
0xea: {  	v3 =	vperm.xlane v3, v2;
	v4 =	vadd.s32 v1, v4;
	_ =	sdelay $0x1  }
0xeb: {  	v3 =	vadd.s32 v1, v3;
	_ =	sdelay $0x1  }
0xec: {  	s29 =	simm.s32 $0x2400  }
0xed: {  	[tilespmem:s29], [sflag:$0x1] =	stream.indirect_vreg.gather [hbm4b:s3+s2], $0x80, v4, vm0, $0xb8;
	[tilespmem:$0x11400] =	vst v63  }
0xee: {  	s28 =	simm.s32 $0x2C00  }
0xef: {  	[tilespmem:s28], [sflag:$0x1] =	stream.indirect_vreg.gather [hbm4b:s3+s2], $0x80, v3, vm0, $0xb8;
	[tilespmem:$0x11400] =	vst v63  }
0xf0: {  	v3 =	vld [tilespmem:s24+$0xFFFFFF30];
	_ =	sdelay $0x4  }
0xf1: {  	v50 =	vshll.u32 v3, $0x1  }
0xf2: {  	v3 =	vand.u32 $0x7, v3;
	v4 =	vand.u32 $0xFFFFFFF0, v50  }
0xf3: {  	v3 =	vor.u32 v3, v4  }
0xf4: {  	v4 =	vperm.xlane v3, v0;
	_ =	sdelay $0x1  }
0xf5: {  	v3 =	vperm.xlane v3, v2;
	v4 =	vadd.s32 v1, v4;
	_ =	sdelay $0x1  }
0xf6: {  	v3 =	vadd.s32 v1, v3;
	_ =	sdelay $0x1  }
0xf7: {  	s28 =	simm.s32 $0x3400  }
0xf8: {  	[tilespmem:s28], [sflag:$0x1] =	stream.indirect_vreg.gather [hbm4b:s3+s2], $0x80, v4, vm0, $0xb8;
	[tilespmem:$0x11400] =	vst v63  }
0xf9: {  	s28 =	simm.s32 $0x3C00  }
0xfa: {  	[tilespmem:s28], [sflag:$0x1] =	stream.indirect_vreg.gather [hbm4b:s3+s2], $0x80, v3, vm0, $0xb8;
	[tilespmem:$0x11400] =	vst v63  }
0xfb: {  	v3 =	vld [tilespmem:s24+$0xFFFFFF40];
	_ =	sdelay $0x4  }
0xfc: {  	v51 =	vshll.u32 v3, $0x1  }
0xfd: {  	v3 =	vand.u32 $0x7, v3;
	v4 =	vand.u32 $0xFFFFFFF0, v51  }
0xfe: {  	v3 =	vor.u32 v3, v4  }
0xff: {  	v4 =	vperm.xlane v3, v0;
	_ =	sdelay $0x1  }
0x100: {  	v3 =	vperm.xlane v3, v2;
	v4 =	vadd.s32 v1, v4;
	_ =	sdelay $0x1  }
0x101: {  	v3 =	vadd.s32 v1, v3;
	_ =	sdelay $0x1  }
0x102: {  	s28 =	simm.s32 $0x4400  }
0x103: {  	[tilespmem:s28], [sflag:$0x1] =	stream.indirect_vreg.gather [hbm4b:s3+s2], $0x80, v4, vm0, $0xb8;
	[tilespmem:$0x11400] =	vst v63  }
0x104: {  	_ = 	snop  }
0x105: {  	[tilespmem:s4], [sflag:$0x1] =	stream.indirect_vreg.gather [hbm4b:s3+s2], $0x80, v3, vm0, $0xb8;
	[tilespmem:$0x11400] =	vst v63  }
0x106: {  	_ =	swait.ge [sflag:s21], $0x4000  }
0x107: {  	[sflag:s21] =	ssyncset.done $0x0  }
0x108: {  	[sflag:s21] =	ssyncadd.s32 $0xFFFFC000  }
0x109: {  	v3 =	vld [tilespmem:s24+$0xFFFFFF50];
	_ =	sdelay $0x4  }
0x10a: {  	v52 =	vshll.u32 v3, $0x1  }
0x10b: {  	v3 =	vand.u32 $0x7, v3;
	v4 =	vand.u32 $0xFFFFFFF0, v52  }
0x10c: {  	v3 =	vor.u32 v3, v4  }
0x10d: {  	v4 =	vperm.xlane v3, v0;
	_ =	sdelay $0x1  }
0x10e: {  	v3 =	vperm.xlane v3, v2;
	v4 =	vadd.s32 v1, v4;
	_ =	sdelay $0x1  }
0x10f: {  	v3 =	vadd.s32 v1, v3;
	_ =	sdelay $0x2  }
0x110: {  	[tilespmem:s31], [sflag:$0x2] =	stream.indirect_vreg.gather [hbm4b:s3+s2], $0x80, v4, vm0, $0xb8;
	[tilespmem:$0x11400] =	vst v63  }
0x111: {  	_ = 	snop  }
0x112: {  	[tilespmem:s5], [sflag:$0x2] =	stream.indirect_vreg.gather [hbm4b:s3+s2], $0x80, v3, vm0, $0xb8;
	[tilespmem:$0x11400] =	vst v63  }
0x113: {  	v3 =	vld [tilespmem:s24+$0xFFFFFF60];
	_ =	sdelay $0x4  }
0x114: {  	v53 =	vshll.u32 v3, $0x1  }
0x115: {  	v3 =	vand.u32 $0x7, v3;
	v4 =	vand.u32 $0xFFFFFFF0, v53  }
0x116: {  	v3 =	vor.u32 v3, v4  }
0x117: {  	v4 =	vperm.xlane v3, v0;
	_ =	sdelay $0x1  }
0x118: {  	v3 =	vperm.xlane v3, v2;
	v4 =	vadd.s32 v1, v4;
	_ =	sdelay $0x1  }
0x119: {  	v3 =	vadd.s32 v1, v3;
	_ =	sdelay $0x2  }
0x11a: {  	[tilespmem:s7], [sflag:$0x2] =	stream.indirect_vreg.gather [hbm4b:s3+s2], $0x80, v4, vm0, $0xb8;
	[tilespmem:$0x11400] =	vst v63  }
0x11b: {  	_ = 	snop  }
0x11c: {  	[tilespmem:s8], [sflag:$0x2] =	stream.indirect_vreg.gather [hbm4b:s3+s2], $0x80, v3, vm0, $0xb8;
	[tilespmem:$0x11400] =	vst v63  }
0x11d: {  	v3 =	vld [tilespmem:s24+$0xFFFFFF70];
	_ =	sdelay $0x4  }
0x11e: {  	v54 =	vshll.u32 v3, $0x1  }
0x11f: {  	v3 =	vand.u32 $0x7, v3;
	v4 =	vand.u32 $0xFFFFFFF0, v54  }
0x120: {  	v3 =	vor.u32 v3, v4  }
0x121: {  	v4 =	vperm.xlane v3, v0;
	_ =	sdelay $0x1  }
0x122: {  	v3 =	vperm.xlane v3, v2;
	v4 =	vadd.s32 v1, v4;
	_ =	sdelay $0x1  }
0x123: {  	v3 =	vadd.s32 v1, v3;
	_ =	sdelay $0x2  }
0x124: {  	[tilespmem:s9], [sflag:$0x2] =	stream.indirect_vreg.gather [hbm4b:s3+s2], $0x80, v4, vm0, $0xb8;
	[tilespmem:$0x11400] =	vst v63  }
0x125: {  	_ = 	snop  }
0x126: {  	[tilespmem:s10], [sflag:$0x2] =	stream.indirect_vreg.gather [hbm4b:s3+s2], $0x80, v3, vm0, $0xb8;
	[tilespmem:$0x11400] =	vst v63  }
0x127: {  	v3 =	vld [tilespmem:s24+$0xFFFFFF80];
	_ =	sdelay $0x4  }
0x128: {  	v55 =	vshll.u32 v3, $0x1  }
0x129: {  	v3 =	vand.u32 $0x7, v3;
	v4 =	vand.u32 $0xFFFFFFF0, v55  }
0x12a: {  	v3 =	vor.u32 v3, v4  }
0x12b: {  	v4 =	vperm.xlane v3, v0;
	_ =	sdelay $0x1  }
0x12c: {  	v3 =	vperm.xlane v3, v2;
	v4 =	vadd.s32 v1, v4;
	_ =	sdelay $0x1  }
0x12d: {  	v3 =	vadd.s32 v1, v3;
	_ =	sdelay $0x2  }
0x12e: {  	[tilespmem:s12], [sflag:$0x2] =	stream.indirect_vreg.gather [hbm4b:s3+s2], $0x80, v4, vm0, $0xb8;
	[tilespmem:$0x11400] =	vst v63  }
0x12f: {  	_ = 	snop  }
0x130: {  	[tilespmem:s13], [sflag:$0x2] =	stream.indirect_vreg.gather [hbm4b:s3+s2], $0x80, v3, vm0, $0xb8;
	[tilespmem:$0x11400] =	vst v63  }
0x131: {  	_ =	swait.ge [sflag:s22], $0x4000  }
0x132: {  	[sflag:s22] =	ssyncset.done $0x0  }
0x133: {  	[sflag:s22] =	ssyncadd.s32 $0xFFFFC000  }
0x134: {  	v3 =	vld [tilespmem:s24+$0xFFFFFF90];
	_ =	sdelay $0x4  }
0x135: {  	v56 =	vshll.u32 v3, $0x1  }
0x136: {  	v3 =	vand.u32 $0x7, v3;
	v4 =	vand.u32 $0xFFFFFFF0, v56  }
0x137: {  	v3 =	vor.u32 v3, v4  }
0x138: {  	v4 =	vperm.xlane v3, v0;
	_ =	sdelay $0x1  }
0x139: {  	v3 =	vperm.xlane v3, v2;
	v4 =	vadd.s32 v1, v4;
	_ =	sdelay $0x1  }
0x13a: {  	v3 =	vadd.s32 v1, v3;
	_ =	sdelay $0x2  }
0x13b: {  	[tilespmem:s1], [sflag:$0x3] =	stream.indirect_vreg.gather [hbm4b:s3+s2], $0x80, v4, vm0, $0xb8;
	[tilespmem:$0x11400] =	vst v63  }
0x13c: {  	_ = 	snop  }
0x13d: {  	[tilespmem:s14], [sflag:$0x3] =	stream.indirect_vreg.gather [hbm4b:s3+s2], $0x80, v3, vm0, $0xb8;
	[tilespmem:$0x11400] =	vst v63  }
0x13e: {  	v3 =	vld [tilespmem:s24+$0xFFFFFFA0];
	_ =	sdelay $0x4  }
0x13f: {  	v57 =	vshll.u32 v3, $0x1  }
0x140: {  	v3 =	vand.u32 $0x7, v3;
	v4 =	vand.u32 $0xFFFFFFF0, v57  }
0x141: {  	v3 =	vor.u32 v3, v4  }
0x142: {  	v4 =	vperm.xlane v3, v0;
	_ =	sdelay $0x1  }
0x143: {  	v3 =	vperm.xlane v3, v2;
	v4 =	vadd.s32 v1, v4;
	_ =	sdelay $0x1  }
0x144: {  	v3 =	vadd.s32 v1, v3;
	_ =	sdelay $0x2  }
0x145: {  	[tilespmem:s11], [sflag:$0x3] =	stream.indirect_vreg.gather [hbm4b:s3+s2], $0x80, v4, vm0, $0xb8;
	[tilespmem:$0x11400] =	vst v63  }
0x146: {  	s1 =	simm.s32 $0xAC00  }
0x147: {  	[tilespmem:s1], [sflag:$0x3] =	stream.indirect_vreg.gather [hbm4b:s3+s2], $0x80, v3, vm0, $0xb8;
	[tilespmem:$0x11400] =	vst v63  }
0x148: {  	v3 =	vld [tilespmem:s24+$0xFFFFFFB0];
	_ =	sdelay $0x4  }
0x149: {  	v58 =	vshll.u32 v3, $0x1  }
0x14a: {  	v3 =	vand.u32 $0x7, v3;
	v4 =	vand.u32 $0xFFFFFFF0, v58  }
0x14b: {  	v3 =	vor.u32 v3, v4  }
0x14c: {  	v4 =	vperm.xlane v3, v0;
	_ =	sdelay $0x1  }
0x14d: {  	v3 =	vperm.xlane v3, v2;
	v4 =	vadd.s32 v1, v4;
	_ =	sdelay $0x1  }
0x14e: {  	v3 =	vadd.s32 v1, v3;
	_ =	sdelay $0x1  }
0x14f: {  	s1 =	simm.s32 $0xB400  }
0x150: {  	[tilespmem:s1], [sflag:$0x3] =	stream.indirect_vreg.gather [hbm4b:s3+s2], $0x80, v4, vm0, $0xb8;
	[tilespmem:$0x11400] =	vst v63  }
0x151: {  	s1 =	simm.s32 $0xBC00  }
0x152: {  	[tilespmem:s1], [sflag:$0x3] =	stream.indirect_vreg.gather [hbm4b:s3+s2], $0x80, v3, vm0, $0xb8;
	[tilespmem:$0x11400] =	vst v63  }
0x153: {  	v3 =	vld [tilespmem:s24+$0xFFFFFFC0];
	_ =	sdelay $0x4  }
0x154: {  	v59 =	vshll.u32 v3, $0x1  }
0x155: {  	v3 =	vand.u32 $0x7, v3;
	v4 =	vand.u32 $0xFFFFFFF0, v59  }
0x156: {  	v3 =	vor.u32 v3, v4  }
0x157: {  	v4 =	vperm.xlane v3, v0;
	_ =	sdelay $0x1  }
0x158: {  	v3 =	vperm.xlane v3, v2;
	v4 =	vadd.s32 v1, v4;
	_ =	sdelay $0x1  }
0x159: {  	v3 =	vadd.s32 v1, v3;
	_ =	sdelay $0x1  }
0x15a: {  	s1 =	simm.s32 $0xC400  }
0x15b: {  	[tilespmem:s1], [sflag:$0x3] =	stream.indirect_vreg.gather [hbm4b:s3+s2], $0x80, v4, vm0, $0xb8;
	[tilespmem:$0x11400] =	vst v63  }
0x15c: {  	s1 =	simm.s32 $0xCC00  }
0x15d: {  	[tilespmem:s1], [sflag:$0x3] =	stream.indirect_vreg.gather [hbm4b:s3+s2], $0x80, v3, vm0, $0xb8;
	[tilespmem:$0x11400] =	vst v63  }
0x15e: {  	_ =	swait.ge [sflag:s23], $0x4000  }
0x15f: {  	[sflag:s23] =	ssyncset.done $0x0  }
0x160: {  	[sflag:s23] =	ssyncadd.s32 $0xFFFFC000  }
0x161: {  	v3 =	vld [tilespmem:s24+$0xFFFFFFD0];
	_ =	sdelay $0x4  }
0x162: {  	v60 =	vshll.u32 v3, $0x1  }
0x163: {  	v3 =	vand.u32 $0x7, v3;
	v4 =	vand.u32 $0xFFFFFFF0, v60  }
0x164: {  	v3 =	vor.u32 v3, v4  }
0x165: {  	v4 =	vperm.xlane v3, v0;
	_ =	sdelay $0x1  }
0x166: {  	v3 =	vperm.xlane v3, v2;
	v4 =	vadd.s32 v1, v4;
	_ =	sdelay $0x1  }
0x167: {  	v3 =	vadd.s32 v1, v3;
	_ =	sdelay $0x2  }
0x168: {  	[tilespmem:s6], [sflag:$0x4] =	stream.indirect_vreg.gather [hbm4b:s3+s2], $0x80, v4, vm0, $0xb8;
	[tilespmem:$0x11400] =	vst v63  }
0x169: {  	s1 =	simm.s32 $0xDC00  }
0x16a: {  	[tilespmem:s1], [sflag:$0x4] =	stream.indirect_vreg.gather [hbm4b:s3+s2], $0x80, v3, vm0, $0xb8;
	[tilespmem:$0x11400] =	vst v63  }
0x16b: {  	v3 =	vld [tilespmem:s24+$0xFFFFFFE0];
	_ =	sdelay $0x4  }
0x16c: {  	v61 =	vshll.u32 v3, $0x1  }
0x16d: {  	v3 =	vand.u32 $0x7, v3;
	v4 =	vand.u32 $0xFFFFFFF0, v61  }
0x16e: {  	v3 =	vor.u32 v3, v4  }
0x16f: {  	v4 =	vperm.xlane v3, v0;
	_ =	sdelay $0x1  }
0x170: {  	v3 =	vperm.xlane v3, v2;
	v4 =	vadd.s32 v1, v4;
	_ =	sdelay $0x1  }
0x171: {  	v3 =	vadd.s32 v1, v3;
	_ =	sdelay $0x1  }
0x172: {  	s1 =	simm.s32 $0xE400  }
0x173: {  	[tilespmem:s1], [sflag:$0x4] =	stream.indirect_vreg.gather [hbm4b:s3+s2], $0x80, v4, vm0, $0xb8;
	[tilespmem:$0x11400] =	vst v63  }
0x174: {  	s1 =	simm.s32 $0xEC00  }
0x175: {  	[tilespmem:s1], [sflag:$0x4] =	stream.indirect_vreg.gather [hbm4b:s3+s2], $0x80, v3, vm0, $0xb8;
	[tilespmem:$0x11400] =	vst v63  }
0x176: {  	v3 =	vld [tilespmem:s24+$0xFFFFFFF0];
	_ =	sdelay $0x4  }
0x177: {  	v62 =	vshll.u32 v3, $0x1  }
0x178: {  	v3 =	vand.u32 $0x7, v3;
	v4 =	vand.u32 $0xFFFFFFF0, v62  }
0x179: {  	v3 =	vor.u32 v3, v4  }
0x17a: {  	v4 =	vperm.xlane v3, v0;
	_ =	sdelay $0x1  }
0x17b: {  	v3 =	vperm.xlane v3, v2;
	v4 =	vadd.s32 v1, v4;
	_ =	sdelay $0x1  }
0x17c: {  	v3 =	vadd.s32 v1, v3;
	_ =	sdelay $0x1  }
0x17d: {  	s1 =	simm.s32 $0xF400  }
0x17e: {  	[tilespmem:s1], [sflag:$0x4] =	stream.indirect_vreg.gather [hbm4b:s3+s2], $0x80, v4, vm0, $0xb8;
	[tilespmem:$0x11400] =	vst v63  }
0x17f: {  	s1 =	simm.s32 $0xFC00  }
0x180: {  	[tilespmem:s1], [sflag:$0x4] =	stream.indirect_vreg.gather [hbm4b:s3+s2], $0x80, v3, vm0, $0xb8;
	[tilespmem:$0x11400] =	vst v63  }
0x181: {  	v3 =	vld [tilespmem:s24+$0x0];
	_ =	sdelay $0x4  }
0x182: {  	v63 =	vshll.u32 v3, $0x1  }
0x183: {  	v3 =	vand.u32 $0x7, v3;
	v4 =	vand.u32 $0xFFFFFFF0, v63  }
0x184: {  	v3 =	vor.u32 v3, v4  }
0x185: {  	v4 =	vperm.xlane v3, v0;
	_ =	sdelay $0x1  }
0x186: {  	v3 =	vperm.xlane v3, v2;
	v4 =	vadd.s32 v1, v4;
	_ =	sdelay $0x1  }
0x187: {  	p0 =	sne.s32 s25, $0x24000;
	v3 =	vadd.s32 v1, v3  }
.Ltmp0:
0x188: {  	_ = 	snop;
	(pc) =	sbr.rel @p0 .LBB2_2-.Ltmp0, $4  }
0x189: {  	s19 =	simm.s32 $0x1400;
	s25 =	sadd.s32 $0x2000, s25  }
0x18a: {  	[tilespmem:s30], [sflag:$0x4] =	stream.indirect_vreg.gather [hbm4b:s3+s2], $0x80, v4, vm0, $0xb8;
	[tilespmem:$0x11400] =	vst v63  }
0x18b: {  	s28 =	simm.s32 $0x5400;
	s31 =	simm.s32 $0x9400;
	s24 =	sadd.s32 $0x100, s24  }
0x18c: {  	[tilespmem:s0], [sflag:$0x4] =	stream.indirect_vreg.gather [hbm4b:s3+s2], $0x80, v3, vm0, $0xb8;
	[tilespmem:$0x11400] =	vst v63  }
0x18d: {  	_ =	swait.ge [sflag:s15], $0x4000  }
0x18e: {  	[sflag:s15] =	ssyncset.done $0x0  }
0x18f: {  	s24 =	rddreg [dreg:$0x5];
	[sflag:s15] =	ssyncadd.s32 $0xFFFFC000  }
0x190: {  	[hbm4b:s24+s2] =	stream.linear.scatter [tilespmem:s19], [sflag:$0x5], $0x4000, $0x38;
	[tilespmem:$0x11400] =	vst v63  }
0x191: {  	_ =	swait.ge [sflag:s16], $0x4000  }
0x192: {  	[sflag:s16] =	ssyncset.done $0x0  }
0x193: {  	s12 =	rddreg [dreg:$0x6];
	[sflag:s16] =	ssyncadd.s32 $0xFFFFC000  }
0x194: {  	[hbm4b:s12+s2] =	stream.linear.scatter [tilespmem:s28], [sflag:$0x6], $0x4000, $0x38;
	[tilespmem:$0x11400] =	vst v63  }
0x195: {  	_ =	swait.ge [sflag:s17], $0x4000  }
0x196: {  	[sflag:s17] =	ssyncset.done $0x0  }
0x197: {  	s13 =	rddreg [dreg:$0x7];
	[sflag:s17] =	ssyncadd.s32 $0xFFFFC000  }
0x198: {  	[hbm4b:s13+s2] =	stream.linear.scatter [tilespmem:s31], [sflag:$0x7], $0x4000, $0x38;
	[tilespmem:$0x11400] =	vst v63  }
0x199: {  	_ =	swait.ge [sflag:s18], $0x4000  }
0x19a: {  	[sflag:s18] =	ssyncset.done $0x0  }
0x19b: {  	s14 =	rddreg [dreg:$0x8];
	[sflag:s18] =	ssyncadd.s32 $0xFFFFC000  }
0x19c: {  	[hbm4b:s14+s2] =	stream.linear.scatter [tilespmem:s6], [sflag:$0x8], $0x4000, $0x38;
	[tilespmem:$0x11400] =	vst v63  }
0x19d: {  	_ =	swait.ge [sflag:s20], $0x4000  }
0x19e: {  	[sflag:s20] =	ssyncset.done $0x0  }
0x19f: {  	[sflag:s20] =	ssyncadd.s32 $0xFFFFC000  }
0x1a0: {  	_ =	swait.ge [sflag:s21], $0x4000  }
0x1a1: {  	[sflag:s21] =	ssyncset.done $0x0  }
0x1a2: {  	[sflag:s21] =	ssyncadd.s32 $0xFFFFC000  }
0x1a3: {  	_ =	swait.ge [sflag:s22], $0x4000  }
0x1a4: {  	[sflag:s22] =	ssyncset.done $0x0  }
0x1a5: {  	[sflag:s22] =	ssyncadd.s32 $0xFFFFC000  }
0x1a6: {  	_ =	swait.ge [sflag:s23], $0x4000  }
0x1a7: {  	s0 =	rddreg [dreg:$0xa]  }
0x1a8: {  	s30 =	simm.s32 $0x3400;
	s25 =	rddreg [dreg:$0x9];
	s0 =	sadd.s32 $0x1, s0  }
0x1a9: {  	s1 =	simm.s32 $0x3C00;
	s4 =	simm.s32 $0x4C00;
	p0 =	sne.s32 s0, s25  }
.Ltmp1:
0x1aa: {  	s5 =	simm.s32 $0x5C00;
	s7 =	simm.s32 $0x6400;
	(pc) =	sbr.rel @p0 .LBB2_1-.Ltmp1, $4  }
0x1ab: {  	s8 =	simm.s32 $0x6C00;
	s9 =	simm.s32 $0x7400;
	s10 =	simm.s32 $0x7C00  }
0x1ac: {  	s11 =	simm.s32 $0xA400;
	s12 =	simm.s32 $0x8400;
	[sflag:s23] =	ssyncset.done $0x0  }
0x1ad: {  	s13 =	simm.s32 $0x8C00;
	s14 =	simm.s32 $0x9C00;
	[sflag:s23] =	ssyncadd.s32 $0xFFFFC000  }
0x1ae: {  	[dreg:$0xa] =	wrdreg s0;
	s25 =	simm.s32 $0x2C00;
	s0 =	simm.s32 $0x4400  }
0x1af: {  	_ =	sfence.sel $0x180000  }
0x1b0: {  	[bflag:$0x0] =	sbarrier.arrive $0xFFFF  }
0x1b1: {  	_ =	strace $0x9000004A  }
0x1b2: {  	s0 =	stileid.u32;
	[bflag:$0x2] =	sbarrier.arrive $0xFFFF  }
0x1b3: {  	p0 =	sne.s32 s0, $0x0;
	s0 =	rddreg [dreg:$0x1]  }
0x1b4: {  	s0 =	sadd.s32 @!p0 $0x100000, s0  }
0x1b5: {  	[sflag:s0] =	ssyncadd.tile.s32 @!p0 $0x1;
	_ =	shalt  }
.Lfunc_end2:
_tile_overlayer_lowered:
.L_overlay_start_2:
0x1b6: {  	(tag) =	ssettag $0x2  }
0x1b7: {  	s0 =	rddreg [dreg:$0x0];
	s2 =	stileid.u32  }
0x1b8: {  	s1 =	rddreg [dreg:$0x1];
	p0 =	sne.s32 s2, $0x0  }
0x1b9: {  	s3 =	rddreg [dreg:$0x2];
	[bflag:$0x3] =	sbarrier.arrive $0xFFFF;
	s2 =	simm.s32 @!p0 $0x1C09  }
0x1ba: {  	[timem:s3], [sflag:s2] =	dma.local @!p0 [hbm:s0], s1  }
0x1bb: {  	s0 =	simm.s32 @!p0 $0x9  }
0x1bc: {  	_ =	swait.ge @!p0 [sflag:s0], s1  }
0x1bd: {  	s1 =	ssub.s32 @!p0 $0x0, s1;
	[sflag:s0] =	ssyncset.done @!p0 $0x0  }
0x1be: {  	[sflag:s0] =	ssyncadd.s32 @!p0 s1  }
0x1bf: {  	[bflag:$0x3] =	sbarrier.arrive $0xFFFF  }
0x1c0: {  	_ =	shalt  }

// kernel: kernel.7.cloned.1.call-start
scs
__scs_entry_jumppad:
0x0: {  	(pc) =	sbr.rel $0x88, $3  }
0x1: {  	(tag) =	ssettag $0x0;
	lr =	simm.s32 $0x1  }
0x2: {  	[smem:$0x3F78] =	sst lr;
	_ =	strace $0xD0000000  }
0x3: {  	_ = 	snop  }
0x4: {  	_ = 	snop  }
0x5: {  	_ = 	snop  }
0x6: {  	_ = 	snop  }
0x7: {  	_ = 	snop  }
__scs_overlays_trampoline_lowered:
0x8: {  	[smem:$0x3F87] =	sst s0  }
0x9: {  	[smem:$0x3F88] =	sst s1  }
0xa: {  	[smem:$0x3F89] =	sst s2  }
0xb: {  	[smem:$0x3F8A] =	sst s3  }
0xc: {  	[smem:$0x3F8B] =	sst s4  }
0xd: {  	[smem:$0x3F8C] =	sst s5  }
0xe: {  	[smem:$0x3F8D] =	sst s6  }
0xf: {  	[smem:$0x3F8E] =	sst s7  }
0x10: {  	[smem:$0x3F8F] =	sst s8  }
0x11: {  	[smem:$0x3F90] =	sst s9;
	s0 =	simm.s32 @!p0 $0x0  }
0x12: {  	s1 =	sld [smem:$0x3F76];
	s0 =	simm.s32 @p0 $0x1  }
0x13: {  	[smem:$0x3F91] =	sst s0;
	s0 =	simm.s32 @!p1 $0x0  }
0x14: {  	s2 =	sld [smem:$0x3F75];
	s0 =	simm.s32 @p1 $0x1  }
0x15: {  	[smem:$0x3F92] =	sst s0;
	s0 =	simm.s32 @!p2 $0x0  }
0x16: {  	s3 =	sld [smem:$0x3FDB];
	s0 =	simm.s32 @p2 $0x1  }
0x17: {  	s4 =	simm.s32 $0x1BF5;
	[smem:$0x3F94] =	sst s0  }
0x18: {  	s0 =	sld [smem:$0x3F77];
	_ =	swait.ge [sflag:s4], $0x0  }
0x19: {  	s7 =	sld [smem:$0x3F78]  }
0x1a: {  	s8 =	sadd.s32 $0xFFFFE003, lr  }
0x1b: {  	s9 =	sadd.s32 $0xFFFFFEF7, lr;
	s5 =	simm.s32 $0xFFFFFFFF;
	p2 =	slt.u32 s8, $0xFFFFF086  }
0x1c: {  	p1 =	slt.u32 s9, $0xF7A;
	s5 =	simm.s32 @!p2 $0x0  }
0x1d: {  	s5 =	simm.s32 @p1 $0x1;
	p0 =	seq.s32 s7, s2  }
0x1e: {  	s7 =	smul.u32 @!p0 $0xF7A, s2;
	p2 =	seq.s32 @!p0 s5, $0x0  }
0x1f: {  	s9 =	smul.u32 $0xF7A, s1;
	s8 =	simm.s32 @!p0 $0x1BF5;
	p2 =	por !p2, p0  }
0x20: {  	[sflag:s8] =	ssyncset.s32 @!p0 $0xFFFFF086;
	s6 =	sadd.s32 @!p0 s3, s7;
	s7 =	simm.s32 @!p0 $0x108  }
0x21: {  	s3 =	sadd.s32 s3, s9;
	s6 =	sadd.s32 @!p0 $0x88, s6;
	s7 =	simm.s32 @p2 $0x1082  }
0x22: {  	[simem:s7], [sflag:s8] =	dma.local @!p0 [hbm:s6], $0xF7A  }
0x23: {  	s9 =	sor.u32 $0xD0000000, s2;
	s6 =	simm.s32 $0x108;
	_ =	swait.ge @!p0 [sflag:s8], $0x0  }
0x24: {  	s3 =	sadd.s32 $0x88, s3;
	s6 =	simm.s32 @!p1 $0x1082;
	[sflag:s4] =	ssyncset.s32 $0xFFFFF086  }
0x25: {  	[simem:s6], [sflag:s4] =	dma.local [hbm:s3], $0xF7A  }
0x26: {  	[smem:$0x3F78] =	sst s1;
	(tag) =	ssettag s2;
	_ =	strace s9  }
0x27: {  	s1 =	sld [smem:$0x3F88]  }
0x28: {  	s2 =	sld [smem:$0x3F89]  }
0x29: {  	s4 =	sld [smem:$0x3F8B]  }
0x2a: {  	p0 =	seq.s32 s5, $0x0;
	s5 =	sld [smem:$0x3F8C]  }
0x2b: {  	s6 =	sld [smem:$0x3F8D]  }
0x2c: {  	s7 =	sld [smem:$0x3F8E]  }
0x2d: {  	s3 =	simm.s32 $0x108;
	s8 =	sld [smem:$0x3F8F]  }
0x2e: {  	s3 =	simm.s32 @!p0 $0x1082;
	s9 =	sld [smem:$0x3F90]  }
0x2f: {  	lr =	sadd.s32 s0, s3;
	s0 =	sld [smem:$0x3F87]  }
0x30: {  	s3 =	sld [smem:$0x3F8A]  }
0x31: {  	[smem:$0x3F93] =	sst s10  }
0x32: {  	s10 =	sld [smem:$0x3F91];
	_ =	sdelay $0x3  }
0x33: {  	p0 =	seq.s32 s10, $0x1;
	s10 =	sld [smem:$0x3F93];
	_ =	sdelay $0x3  }
0x34: {  	[smem:$0x3F93] =	sst s10  }
0x35: {  	s10 =	sld [smem:$0x3F92];
	_ =	sdelay $0x3  }
0x36: {  	p1 =	seq.s32 s10, $0x1;
	s10 =	sld [smem:$0x3F93];
	_ =	sdelay $0x3  }
0x37: {  	[smem:$0x3F93] =	sst s10  }
0x38: {  	s10 =	sld [smem:$0x3F94]  }
0x39: {  	_ = 	snop;
	(pc) =	sbr.ind lr, $3  }
0x3a: {  	_ = 	snop  }
0x3b: {  	_ = 	snop  }
0x3c: {  	p2 =	seq.s32 s10, $0x1;
	s10 =	sld [smem:$0x3F93]  }
0x3d: {  	_ =	shalt  }
0x3e: {  	_ =	shalt  }
0x3f: {  	_ =	shalt  }
0x40: {  	_ =	shalt  }
0x41: {  	_ =	shalt  }
0x42: {  	_ =	shalt  }
0x43: {  	_ =	shalt  }
0x44: {  	_ =	shalt  }
0x45: {  	_ =	shalt  }
0x46: {  	_ =	shalt  }
0x47: {  	_ =	shalt  }
0x48: {  	_ =	shalt  }
0x49: {  	_ =	shalt  }
0x4a: {  	_ =	shalt  }
0x4b: {  	_ =	shalt  }
0x4c: {  	_ =	shalt  }
0x4d: {  	_ =	shalt  }
0x4e: {  	_ =	shalt  }
0x4f: {  	_ =	shalt  }
0x50: {  	_ =	shalt  }
0x51: {  	_ =	shalt  }
0x52: {  	_ =	shalt  }
0x53: {  	_ =	shalt  }
0x54: {  	_ =	shalt  }
0x55: {  	_ =	shalt  }
0x56: {  	_ =	shalt  }
0x57: {  	_ =	shalt  }
0x58: {  	_ =	shalt  }
0x59: {  	_ =	shalt  }
0x5a: {  	_ =	shalt  }
0x5b: {  	_ =	shalt  }
0x5c: {  	_ =	shalt  }
0x5d: {  	_ =	shalt  }
0x5e: {  	_ =	shalt  }
0x5f: {  	_ =	shalt  }
0x60: {  	_ =	shalt  }
0x61: {  	_ =	shalt  }
0x62: {  	_ =	shalt  }
0x63: {  	_ =	shalt  }
0x64: {  	_ =	shalt  }
0x65: {  	_ =	shalt  }
0x66: {  	_ =	shalt  }
0x67: {  	_ =	shalt  }
0x68: {  	_ =	shalt  }
0x69: {  	_ =	shalt  }
0x6a: {  	_ =	shalt  }
0x6b: {  	_ =	shalt  }
0x6c: {  	_ =	shalt  }
0x6d: {  	_ =	shalt  }
0x6e: {  	_ =	shalt  }
0x6f: {  	_ =	shalt  }
0x70: {  	_ =	shalt  }
0x71: {  	_ =	shalt  }
0x72: {  	_ =	shalt  }
0x73: {  	_ =	shalt  }
0x74: {  	_ =	shalt  }
0x75: {  	_ =	shalt  }
0x76: {  	_ =	shalt  }
0x77: {  	_ =	shalt  }
0x78: {  	_ =	shalt  }
0x79: {  	_ =	shalt  }
0x7a: {  	_ =	shalt  }
0x7b: {  	_ =	shalt  }
0x7c: {  	_ =	shalt  }
0x7d: {  	_ =	shalt  }
0x7e: {  	_ =	shalt  }
0x7f: {  	_ =	shalt  }
0x80: {  	_ =	shalt  }
0x81: {  	_ =	shalt  }
0x82: {  	_ =	shalt  }
0x83: {  	_ =	shalt  }
0x84: {  	_ =	shalt  }
0x85: {  	_ =	shalt  }
0x86: {  	_ =	shalt  }
0x87: {  	_ =	shalt  }
.Lfunc_end0:
.L_simem_size_0:
called_computation_lowered:
.L_overlay_start_0:
0x88: {  	s2 =	sld [smem:$0x3FD9]  }
0x89: {  	s3 =	sld [smem:$0x3FFE];
	_ =	sdelay $0x1  }
0x8a: {  	s1 =	srdreg.scid  }
0x8b: {  	s0 =	sand.u32 $0x1, s1  }
0x8c: {  	s17 =	sshll.u32 s0, $0xA;
	s2 =	sadd.s32 s3, s2  }
0x8d: {  	s2 =	sadd.s32 s2, s17  }
0x8e: {  	[smem:$0x3F9F] =	sst s2  }
0x8f: {  	_ = 	snop  }
0x90: {  	s2 =	sld [smem:$0x3FD0];
	(tm) =	ssettm $0x1  }
0x91: {  	s18 =	sld [smem:$0x3FFB];
	_ =	sdelay $0x3  }
0x92: {  	_ =	strace s18  }
0x93: {  	s3 =	sld [smem:$0x3FFC];
	_ =	sdelay $0x3  }
0x94: {  	_ =	strace s3  }
0x95: {  	s3 =	sld [smem:$0x3FFD];
	_ =	sdelay $0x3  }
0x96: {  	_ =	strace s3  }
0x97: {  	_ =	strace $0x8FFFFFFF  }
0x98: {  	s19 =	sld [smem:$0x3FDB];
	_ =	sdelay $0x1  }
0x99: {  	s4 =	simm.s32 $_scs_section_size  }
0x9a: {  	s5 =	simm.s32 $_size__tile_overlayer_lowered;
	s6 =	simm.s32 $_tile_overlayer_lowered  }
0x9b: {  	s22 =	simm.s32 $0x1BFF;
	s21 =	sshll.u32 s6, $0x1;
	s3 =	sadd.s32 s4, s19  }
0x9c: {  	s7 =	simm.s32 $0x0;
	s20 =	sshll.u32 s5, $0x1;
	s5 =	sadd.s32 s21, s3  }
0x9d: {  	[timem:s7], [sflag:s22] =	dma.local [hbm:s5], s20  }
0x9e: {  	_ =	swait.ge [sflag:s22], s20  }
0x9f: {  	s4 =	ssub.s32 $0x0, s20;
	[sflag:s22] =	ssyncset.done $0x0  }
0xa0: {  	[sflag:s22] =	ssyncadd.s32 s4;
	_ =	sdelay $0x1  }
0xa1: {  	s23 =	simm.s32 $0x1B8B  }
0xa2: {  	_ =	swait.ge [sflag:s23], $0x1  }
0xa3: {  	[sflag:s23] =	ssyncset.done $0x0  }
0xa4: {  	s25 =	simm.s32 $0x1B8E;
	s24 =	sld [smem:$0x3FFE];
	[sflag:s23] =	ssyncadd.s32 $0xFFFFFFFF  }
0xa5: {  	s26 =	simm.s32 $execute0_lowered;
	[smem:$0x3FD2] =	sst s25  }
0xa6: {  	s5 =	sshll.u32 s26, $0x1;
	_ =	strace $0x80000046;
	[dreg:$0x1] =	wrdreg $0xFFFFFFFF  }
0xa7: {  	s28 =	simm.s32 $_size_execute0_lowered;
	s3 =	sadd.s32 s3, s5;
	[dreg:$0x0] =	wrdreg $0x0  }
0xa8: {  	s5 =	sshll.u32 s28, $0x1;
	[dreg:$0x2] =	wrdreg s3  }
0xa9: {  	[dreg:$0x3] =	wrdreg s5  }
0xaa: {  	[dreg:$0x4] =	wrdreg $0xC0  }
0xab: {  	_ =	task [dreg:s7], $0x5FFFF  }
0xac: {  	[dreg:$0x1] =	wrdreg $0xFFFFFFFF  }
0xad: {  	[dreg:$0x0] =	wrdreg $0x60  }
0xae: {  	[dreg:$0x2] =	wrdreg s2  }
0xaf: {  	[dreg:$0x3] =	wrdreg s24  }
0xb0: {  	[dreg:$0x4] =	wrdreg $0x9  }
0xb1: {  	_ =	task.clear_ibuf [dreg:s7], $0x5FFFF;
	_ =	strace $0x90000046  }
0xb2: {  	s29 =	simm.s32 $0x9;
	_ =	strace $0x80000048  }
0xb3: {  	_ =	swait.ge [sflag:s29], $0x1  }
0xb4: {  	[sflag:s29] =	ssyncadd.s32 $0xFFFFFFFF  }
0xb5: {  	_ =	strace $0x90000048  }
0xb6: {  	_ =	sfence  }
0xb7: {  	s30 =	sld [smem:$0x0];
	_ =	sdelay $0x2  }
0xb8: {  	s31 =	sshll.u32 s1, $0xD;
	s1 =	sshrl.u32 s1, $0x2  }
0xb9: {  	s3 =	sand.u32 $0x4000, s31;
	s1 =	sadd.s32 s1, s30  }
0xba: {  	s0 =	sor.u32 s3, s0;
	s1 =	sshll.u32 s1, $0x11  }
0xbb: {  	s0 =	sor.u32 s1, s0  }
0xbc: {  	s0 =	sadd.s32 $0x8F2B, s0  }
0xbd: {  	[sflag:s0] =	ssyncadd.remote.s32 $0x1  }
0xbe: {  	_ =	sfence.sel $0xFFFF  }
0xbf: {  	[dreg:$0x0] =	wrdreg $0xFFFFFFFF;
	(pc) =	sbr.abs _section_cstart, $3  }
0xc0: {  	[dreg:$0x1] =	wrdreg $0xFFFFFFFF  }
0xc1: {  	_ =	task.clear_ibuf [dreg:s7], $0x2FFFF;
	_ =	strace $0x9FFFFFFF  }
0xc2: {  	(tm) =	ssettm $0x7FFFFFFF  }
0xc3: {  	_ =	shalt  }
tec
execute0_lowered:
.L_overlay_start_1:
0x0: {  	(tag) =	ssettag $0x1  }
0x1: {  	s1 =	srdreg.scid  }
0x2: {  	s0 =	stileid.u32;
	s2 =	rddreg [dreg:$0x0]  }
0x3: {  	s4 =	rddreg [dreg:$0x1];
	s14 =	simm.s32 $0x1400;
	s15 =	simm.s32 $0x3400  }
0x4: {  	s17 =	simm.s32 $0x5400;
	s18 =	simm.s32 $0xC0;
	s19 =	simm.s32 $0x7400  }
0x5: {  	s20 =	simm.s32 $0x1;
	s21 =	simm.s32 $0x2;
	s22 =	simm.s32 $0x3  }
0x6: {  	s23 =	simm.s32 $0x4;
	s24 =	simm.s32 $0x5;
	s25 =	simm.s32 $0x6  }
0x7: {  	s26 =	simm.s32 $0x7;
	s28 =	simm.s32 $0x8;
	s8 =	smul.u32 $0x140000, s0  }
0x8: {  	s1 =	sand.u32 $0x1, s1;
	s3 =	sshll.u32 s0, $0x1;
	s13 =	smul.u32 $0x28000, s0  }
0x9: {  	s29 =	simm.s32 $0x0;
	s5 =	sor.u32 s1, s3;
	s12 =	smul.u32 $0xA0000, s1  }
0xa: {  	s3 =	simm.s32 $0x0;
	s30 =	ssub.s32 $0x2, s1;
	s1 =	smul.u32 $0x14000, s1  }
0xb: {  	s11 =	sadd.s32 $0xD800, s4;
	s6 =	smul.u32 $0x1400, s5;
	[smem:$0x7FF] =	sst s3  }
0xc: {  	s5 =	smul.u32 $0xA0000, s5;
	s7 =	sshrl.u32 s30, $0x1;
	_ =	strace $0x80000047  }
0xd: {  	s9 =	ssub.s32 s30, s7;
	s12 =	sadd.s32 s12, s8;
	s6 =	sshrl.u32 s6, $0x3  }
0xe: {  	s5 =	sshrl.u32 s5, $0x3;
	s31 =	sshrl.u32 s12, $0x3;
	s6 =	sadd.s32 s6, s4  }
0xf: {  	s9 =	smax.u32 s9, $0x1;
	s10 =	sadd.s32 s11, s5;
	s4 =	sadd.s32 $0x8800, s6  }
0x10: {  	s5 =	sadd.s32 $0x13000, s10;
	s6 =	sadd.s32 $0x13400, s10;
	s7 =	sadd.s32 $0x13800, s10  }
0x11: {  	s8 =	sadd.s32 $0x13C00, s10;
	s10 =	sadd.s32 s31, s11;
	s11 =	sadd.s32 s13, s11  }
0x12: {  	s12 =	simm.s32 $0x9;
	s13 =	simm.s32 $0x40;
	s11 =	sadd.s32 s1, s11  }
.LBB2_1:
0x13: {  	[tilespmem:s3], [sflag:$0x9] =	stream.linear.gather [hbm4b:s4+s3], $0x1400, $0x38;
	[tilespmem:$0x9400] =	vst v63  }
0x14: {  	_ =	swait.ge [sflag:s12], $0x1400  }
0x15: {  	[sflag:s12] =	ssyncset.done $0x0  }
0x16: {  	[sflag:s12] =	ssyncadd.s32 $0xFFFFEC00  }
0x17: {  	[tilespmem:s14], [sflag:$0x1] =	stream.indirect.gather [hbm4b:s2+s13], $0x80, s3, s13, $0xb8;
	[tilespmem:$0x9400] =	vst v63  }
0x18: {  	_ = 	snop  }
0x19: {  	[tilespmem:s15], [sflag:$0x2] =	stream.indirect.gather [hbm4b:s2+s13], $0x80, s13, s13, $0xb8;
	[tilespmem:$0x9400] =	vst v63  }
0x1a: {  	s0 =	simm.s32 $0x80  }
0x1b: {  	[tilespmem:s17], [sflag:$0x3] =	stream.indirect.gather [hbm4b:s2+s13], $0x80, s0, s13, $0xb8;
	[tilespmem:$0x9400] =	vst v63  }
0x1c: {  	_ = 	snop  }
0x1d: {  	[tilespmem:s19], [sflag:$0x4] =	stream.indirect.gather [hbm4b:s2+s13], $0x80, s18, s13, $0xb8;
	[tilespmem:$0x9400] =	vst v63  }
0x1e: {  	_ =	swait.ge [sflag:s20], $0x2000  }
0x1f: {  	[sflag:s20] =	ssyncset.done $0x0  }
0x20: {  	s1 =	sadd.s32 $0x0, s10;
	[sflag:s20] =	ssyncadd.s32 $0xFFFFE000  }
0x21: {  	[hbm4b:s1+s3] =	stream.linear.scatter [tilespmem:s14], [sflag:$0x5], $0x2000, $0x38;
	[tilespmem:$0x9400] =	vst v63  }
0x22: {  	_ =	swait.ge [sflag:s21], $0x2000  }
0x23: {  	s0 =	sadd.s32 $0x0, s11;
	[sflag:s21] =	ssyncset.done $0x0  }
0x24: {  	s30 =	sadd.s32 $0x400, s0;
	[sflag:s21] =	ssyncadd.s32 $0xFFFFE000  }
0x25: {  	[hbm4b:s30+s3] =	stream.linear.scatter [tilespmem:s15], [sflag:$0x6], $0x2000, $0x38;
	[tilespmem:$0x9400] =	vst v63  }
0x26: {  	_ =	swait.ge [sflag:s22], $0x2000  }
0x27: {  	[sflag:s22] =	ssyncset.done $0x0  }
0x28: {  	s30 =	sadd.s32 $0x800, s0;
	[sflag:s22] =	ssyncadd.s32 $0xFFFFE000  }
0x29: {  	[hbm4b:s30+s3] =	stream.linear.scatter [tilespmem:s17], [sflag:$0x7], $0x2000, $0x38;
	[tilespmem:$0x9400] =	vst v63  }
0x2a: {  	_ =	swait.ge [sflag:s23], $0x2000  }
0x2b: {  	[sflag:s23] =	ssyncset.done $0x0  }
0x2c: {  	s1 =	sadd.s32 $0xC00, s0;
	[sflag:s23] =	ssyncadd.s32 $0xFFFFE000  }
0x2d: {  	[hbm4b:s1+s3] =	stream.linear.scatter [tilespmem:s19], [sflag:$0x8], $0x2000, $0x38;
	[tilespmem:$0x9400] =	vst v63  }
0x2e: {  	_ =	swait.ge [sflag:s24], $0x2000  }
0x2f: {  	[sflag:s24] =	ssyncset.done $0x0  }
0x30: {  	s16 =	simm.s32 $0x100;
	[sflag:s24] =	ssyncadd.s32 $0xFFFFE000  }
0x31: {  	[tilespmem:s14], [sflag:$0x1] =	stream.indirect.gather [hbm4b:s2+s13], $0x80, s16, s13, $0xb8;
	[tilespmem:$0x9400] =	vst v63  }
0x32: {  	_ =	swait.ge [sflag:s25], $0x2000  }
0x33: {  	[sflag:s25] =	ssyncset.done $0x0  }
0x34: {  	s0 =	simm.s32 $0x140;
	[sflag:s25] =	ssyncadd.s32 $0xFFFFE000  }
0x35: {  	[tilespmem:s15], [sflag:$0x2] =	stream.indirect.gather [hbm4b:s2+s13], $0x80, s0, s13, $0xb8;
	[tilespmem:$0x9400] =	vst v63  }
0x36: {  	_ =	swait.ge [sflag:s26], $0x2000  }
0x37: {  	[sflag:s26] =	ssyncset.done $0x0  }
0x38: {  	s16 =	simm.s32 $0x180;
	[sflag:s26] =	ssyncadd.s32 $0xFFFFE000  }
0x39: {  	[tilespmem:s17], [sflag:$0x3] =	stream.indirect.gather [hbm4b:s2+s13], $0x80, s16, s13, $0xb8;
	[tilespmem:$0x9400] =	vst v63  }
0x3a: {  	_ =	swait.ge [sflag:s28], $0x2000  }
0x3b: {  	s31 =	simm.s32 $0x1000;
	[sflag:s28] =	ssyncset.done $0x0  }
0x3c: {  	s30 =	simm.s32 $0x1C0;
	s1 =	simm.s32 $0x2C0;
	[sflag:s28] =	ssyncadd.s32 $0xFFFFE000  }
.LBB2_2:
0x3d: {  	[tilespmem:s19], [sflag:$0x4] =	stream.indirect.gather [hbm4b:s2+s13], $0x80, s30, s13, $0xb8;
	[tilespmem:$0x9400] =	vst v63  }
0x3e: {  	s0 =	smov.u32 s31;
	s30 =	smov.u32 s1  }
0x3f: {  	p0 =	sne.s32 s31, $0x12000;
	s31 =	sadd.s32 $0x1000, s31;
	_ =	swait.ge [sflag:s20], $0x2000  }
0x40: {  	[sflag:s20] =	ssyncset.done $0x0  }
0x41: {  	s16 =	sadd.s32 s0, s10;
	[sflag:s20] =	ssyncadd.s32 $0xFFFFE000  }
0x42: {  	[hbm4b:s16+s3] =	stream.linear.scatter [tilespmem:s14], [sflag:$0x5], $0x2000, $0x38;
	[tilespmem:$0x9400] =	vst v63  }
0x43: {  	_ =	swait.ge [sflag:s21], $0x2000  }
0x44: {  	s0 =	sadd.s32 s0, s11;
	[sflag:s21] =	ssyncset.done $0x0  }
0x45: {  	s16 =	sadd.s32 $0x400, s0;
	[sflag:s21] =	ssyncadd.s32 $0xFFFFE000  }
0x46: {  	[hbm4b:s16+s3] =	stream.linear.scatter [tilespmem:s15], [sflag:$0x6], $0x2000, $0x38;
	[tilespmem:$0x9400] =	vst v63  }
0x47: {  	_ =	swait.ge [sflag:s22], $0x2000  }
0x48: {  	[sflag:s22] =	ssyncset.done $0x0  }
0x49: {  	s16 =	sadd.s32 $0x800, s0;
	[sflag:s22] =	ssyncadd.s32 $0xFFFFE000  }
0x4a: {  	[hbm4b:s16+s3] =	stream.linear.scatter [tilespmem:s17], [sflag:$0x7], $0x2000, $0x38;
	[tilespmem:$0x9400] =	vst v63  }
0x4b: {  	_ =	swait.ge [sflag:s23], $0x2000  }
0x4c: {  	[sflag:s23] =	ssyncset.done $0x0  }
0x4d: {  	s0 =	sadd.s32 $0xC00, s0;
	[sflag:s23] =	ssyncadd.s32 $0xFFFFE000  }
0x4e: {  	[hbm4b:s0+s3] =	stream.linear.scatter [tilespmem:s19], [sflag:$0x8], $0x2000, $0x38;
	[tilespmem:$0x9400] =	vst v63  }
0x4f: {  	_ =	swait.ge [sflag:s24], $0x2000  }
0x50: {  	[sflag:s24] =	ssyncset.done $0x0  }
0x51: {  	s0 =	sadd.s32 $0xFFFFFF40, s1;
	[sflag:s24] =	ssyncadd.s32 $0xFFFFE000  }
0x52: {  	[tilespmem:s14], [sflag:$0x1] =	stream.indirect.gather [hbm4b:s2+s13], $0x80, s0, s13, $0xb8;
	[tilespmem:$0x9400] =	vst v63  }
0x53: {  	_ =	swait.ge [sflag:s25], $0x2000  }
0x54: {  	[sflag:s25] =	ssyncset.done $0x0  }
0x55: {  	s0 =	sadd.s32 $0xFFFFFF80, s1;
	[sflag:s25] =	ssyncadd.s32 $0xFFFFE000  }
0x56: {  	[tilespmem:s15], [sflag:$0x2] =	stream.indirect.gather [hbm4b:s2+s13], $0x80, s0, s13, $0xb8;
	[tilespmem:$0x9400] =	vst v63  }
0x57: {  	_ =	swait.ge [sflag:s26], $0x2000  }
0x58: {  	[sflag:s26] =	ssyncset.done $0x0  }
.Ltmp0:
0x59: {  	s0 =	sadd.s32 $0xFFFFFFC0, s1;
	[sflag:s26] =	ssyncadd.s32 $0xFFFFE000;
	(pc) =	sbr.rel @p0 .LBB2_2-.Ltmp0, $4  }
0x5a: {  	[tilespmem:s17], [sflag:$0x3] =	stream.indirect.gather [hbm4b:s2+s13], $0x80, s0, s13, $0xb8;
	[tilespmem:$0x9400] =	vst v63  }
0x5b: {  	_ =	swait.ge [sflag:s28], $0x2000  }
0x5c: {  	[sflag:s28] =	ssyncset.done $0x0  }
0x5d: {  	s1 =	sadd.s32 $0x100, s1;
	[sflag:s28] =	ssyncadd.s32 $0xFFFFE000  }
0x5e: {  	[tilespmem:s19], [sflag:$0x4] =	stream.indirect.gather [hbm4b:s2+s13], $0x80, s30, s13, $0xb8;
	[tilespmem:$0x9400] =	vst v63  }
0x5f: {  	_ =	swait.ge [sflag:s20], $0x2000  }
0x60: {  	[sflag:s20] =	ssyncset.done $0x0  }
0x61: {  	[sflag:s20] =	ssyncadd.s32 $0xFFFFE000  }
0x62: {  	[hbm4b:s5+s3] =	stream.linear.scatter [tilespmem:s14], [sflag:$0x5], $0x2000, $0x38;
	[tilespmem:$0x9400] =	vst v63  }
0x63: {  	_ =	swait.ge [sflag:s21], $0x2000  }
0x64: {  	[sflag:s21] =	ssyncset.done $0x0  }
0x65: {  	[sflag:s21] =	ssyncadd.s32 $0xFFFFE000  }
0x66: {  	[hbm4b:s6+s3] =	stream.linear.scatter [tilespmem:s15], [sflag:$0x6], $0x2000, $0x38;
	[tilespmem:$0x9400] =	vst v63  }
0x67: {  	_ =	swait.ge [sflag:s22], $0x2000  }
0x68: {  	[sflag:s22] =	ssyncset.done $0x0  }
0x69: {  	[sflag:s22] =	ssyncadd.s32 $0xFFFFE000  }
0x6a: {  	[hbm4b:s7+s3] =	stream.linear.scatter [tilespmem:s17], [sflag:$0x7], $0x2000, $0x38;
	[tilespmem:$0x9400] =	vst v63  }
0x6b: {  	_ =	swait.ge [sflag:s23], $0x2000  }
0x6c: {  	[sflag:s23] =	ssyncset.done $0x0  }
0x6d: {  	[sflag:s23] =	ssyncadd.s32 $0xFFFFE000  }
0x6e: {  	[hbm4b:s8+s3] =	stream.linear.scatter [tilespmem:s19], [sflag:$0x8], $0x2000, $0x38;
	[tilespmem:$0x9400] =	vst v63  }
0x6f: {  	_ =	swait.ge [sflag:s24], $0x2000  }
0x70: {  	[sflag:s24] =	ssyncset.done $0x0  }
0x71: {  	[sflag:s24] =	ssyncadd.s32 $0xFFFFE000  }
0x72: {  	_ =	swait.ge [sflag:s25], $0x2000  }
0x73: {  	[sflag:s25] =	ssyncset.done $0x0  }
0x74: {  	s29 =	sadd.s32 $0x1, s29;
	[sflag:s25] =	ssyncadd.s32 $0xFFFFE000  }
0x75: {  	p0 =	sne.s32 s29, s9;
	_ =	swait.ge [sflag:s26], $0x2000  }
.Ltmp1:
0x76: {  	[sflag:s26] =	ssyncset.done $0x0;
	(pc) =	sbr.rel @p0 .LBB2_1-.Ltmp1, $4  }
0x77: {  	[sflag:s26] =	ssyncadd.s32 $0xFFFFE000  }
0x78: {  	_ =	swait.ge [sflag:s28], $0x2000  }
0x79: {  	[sflag:s28] =	ssyncset.done $0x0  }
0x7a: {  	[sflag:s28] =	ssyncadd.s32 $0xFFFFE000  }
0x7b: {  	_ =	sfence.sel $0x180000  }
0x7c: {  	[bflag:$0x0] =	sbarrier.arrive $0xFFFF  }
0x7d: {  	_ =	strace $0x90000047  }
0x7e: {  	s0 =	stileid.u32;
	[bflag:$0x2] =	sbarrier.arrive $0xFFFF  }
0x7f: {  	p0 =	sne.s32 s0, $0x0;
	s0 =	rddreg [dreg:$0x2]  }
0x80: {  	s0 =	sadd.s32 @!p0 $0x100000, s0  }
0x81: {  	[sflag:s0] =	ssyncadd.tile.s32 @!p0 $0x1;
	_ =	shalt  }
.Lfunc_end2:
_tile_overlayer_lowered:
.L_overlay_start_2:
0x82: {  	(tag) =	ssettag $0x2  }
0x83: {  	s0 =	rddreg [dreg:$0x0];
	s2 =	stileid.u32  }
0x84: {  	s1 =	rddreg [dreg:$0x1];
	p0 =	sne.s32 s2, $0x0  }
0x85: {  	s3 =	rddreg [dreg:$0x2];
	[bflag:$0x3] =	sbarrier.arrive $0xFFFF;
	s2 =	simm.s32 @!p0 $0x1C09  }
0x86: {  	[timem:s3], [sflag:s2] =	dma.local @!p0 [hbm:s0], s1  }
0x87: {  	s0 =	simm.s32 @!p0 $0x9  }
0x88: {  	_ =	swait.ge @!p0 [sflag:s0], s1  }
0x89: {  	s1 =	ssub.s32 @!p0 $0x0, s1;
	[sflag:s0] =	ssyncset.done @!p0 $0x0  }
0x8a: {  	[sflag:s0] =	ssyncadd.s32 @!p0 s1  }
0x8b: {  	[bflag:$0x3] =	sbarrier.arrive $0xFFFF  }
0x8c: {  	_ =	shalt  }

</sc_bundles>
